<compile_context>
chip_gen: v7x
topology: tpu7x:2x2x1
jax: 0.10.2.dev20260603
libtpu: 0.0.44.dev20260713+nightly
codegen_flags: <defaults>
</compile_context>

<pallas_src>
import functools

import jax
import jax.numpy as jnp
from jax import lax
from jax.experimental import pallas as pl
from jax.experimental.pallas import tpu as pltpu
from jax.experimental.pallas import tpu_sc as plsc

N_NODES = 10000
N_EDGES = 320000
NODE_DIM = 128
EDGE_DIM = 16
HIDDEN = 64

NUM_CORES = 2
NUM_SUBCORES = 16
NW = NUM_CORES * NUM_SUBCORES
N_HALF = N_EDGES // 2
EPW = N_HALF // NW
CHUNK = 200
N_CHUNKS = EPW // CHUNK



def _proj_body(na_ref, w_ref, b1_ref, p_ref, q_ref):
    pq = jnp.dot(na_ref[...], w_ref[...], preferred_element_type=jnp.float32)
    t = pq + b1_ref[...]
    p_ref[...] = t[:, :HIDDEN]
    q_ref[...] = t[:, HIDDEN:]


def _project_nodes(node_attr, w_sr, bias_row):
    return pl.pallas_call(
        _proj_body,
        out_shape=(
            jax.ShapeDtypeStruct((N_NODES, HIDDEN), jnp.float32),
            jax.ShapeDtypeStruct((N_NODES, HIDDEN), jnp.float32),
        ),
    )(node_attr, w_sr, bias_row)



def _make_gather_add(e0):
    mesh = plsc.VectorSubcoreMesh(core_axis_name="c", subcore_axis_name="s")

    @functools.partial(
        pl.kernel,
        mesh=mesh,
        out_type=jax.ShapeDtypeStruct((N_HALF, 2 * HIDDEN), jnp.float32),
        compiler_params=pltpu.CompilerParams(use_tc_tiling_on_sc=False),
        scratch_types=[
            pltpu.VMEM((EPW,), jnp.int32),
            pltpu.VMEM((EPW,), jnp.int32),
            pltpu.VMEM((CHUNK, HIDDEN), jnp.float32),
            pltpu.VMEM((CHUNK, HIDDEN), jnp.float32),
            pltpu.VMEM((CHUNK, HIDDEN), jnp.float32),
            pltpu.VMEM((CHUNK, HIDDEN), jnp.float32),
            pltpu.VMEM((CHUNK, HIDDEN), jnp.float32),
            pltpu.SemaphoreType.DMA,
            pltpu.SemaphoreType.DMA,
            pltpu.SemaphoreType.DMA,
            pltpu.SemaphoreType.DMA,
        ],
    )
    def gather_add(p_hbm, q_hbm, ei_hbm, g_hbm,
                   rows, cols, bufa0, bufb0, bufa1, bufb1, bufo,
                   sa0, sb0, sa1, sb1):
        wid = lax.axis_index("s") * NUM_CORES + lax.axis_index("c")
        wbase = wid * EPW
        pltpu.sync_copy(ei_hbm.at[0, pl.ds(e0 + wbase, EPW)], rows)
        pltpu.sync_copy(ei_hbm.at[1, pl.ds(e0 + wbase, EPW)], cols)

        def fire(ci, ba, bb, sa, sb):
            off = ci * CHUNK
            pltpu.make_async_copy(
                p_hbm.at[rows.at[pl.ds(off, CHUNK)]], ba, sa).start()
            pltpu.make_async_copy(
                q_hbm.at[cols.at[pl.ds(off, CHUNK)]], bb, sb).start()

        def drain(ci, ba, bb, sa, sb):
            off = ci * CHUNK
            pltpu.make_async_copy(
                p_hbm.at[rows.at[pl.ds(off, CHUNK)]], ba, sa).wait()
            pltpu.make_async_copy(
                q_hbm.at[cols.at[pl.ds(off, CHUNK)]], bb, sb).wait()

            def add_body(r, carry):
                for u in range(2):
                    for d in range(HIDDEN // 16):
                        bufo[2 * r + u, pl.ds(d * 16, 16)] = (
                            ba[2 * r + u, pl.ds(d * 16, 16)]
                            + bb[2 * r + u, pl.ds(d * 16, 16)])
                return carry

            lax.fori_loop(0, CHUNK // 2, add_body, 0)
            pltpu.sync_copy(
                bufo, g_hbm.at[pl.ds(wbase + off, CHUNK), pl.ds(0, HIDDEN)])

        fire(0, bufa0, bufb0, sa0, sb0)

        def pair_body(j, carry):
            c0 = 2 * j
            fire(c0 + 1, bufa1, bufb1, sa1, sb1)
            drain(c0, bufa0, bufb0, sa0, sb0)
            fire(c0 + 2, bufa0, bufb0, sa0, sb0)
            drain(c0 + 1, bufa1, bufb1, sa1, sb1)
            return carry

        lax.fori_loop(0, (N_CHUNKS - 1) // 2, pair_body, 0)
        drain(N_CHUNKS - 1, bufa0, bufb0, sa0, sb0)

    return gather_add



BR = 6400


def _mlp_body(eat_ref, g_ref, w1e_ref, w2_ref, b2_ref, w3_ref,
              b3_ref, gm_ref, bt_ref, out_ref):
    h1 = lax.dot_general(eat_ref[...], w1e_ref[...],
                         (((0,), (0,)), ((), ())),
                         preferred_element_type=jnp.float32)
    h1 = jnp.maximum(h1 + g_ref[:, :HIDDEN], 0.0)
    h2 = jnp.dot(h1, w2_ref[...], preferred_element_type=jnp.float32)
    h2 = jnp.maximum(h2 + b2_ref[...], 0.0)
    ot = lax.dot_general(w3_ref[...], h2,
                         (((0,), (1,)), ((), ())),
                         preferred_element_type=jnp.float32) + b3_ref[...]
    mean = jnp.mean(ot, axis=0, keepdims=True)
    c = ot - mean
    var = jnp.mean(c * c, axis=0, keepdims=True)
    out_ref[...] = c * lax.rsqrt(var + 1e-5) * gm_ref[...] + bt_ref[...]


def _mlp(o_init, ea_t, g, blk0, w1e, w2, b2_row, w3, b3_col, gamma_col,
         beta_col):
    n_blocks = N_HALF // BR
    full = lambda i: (0, 0)
    init_spec = [] if o_init is None else [pl.BlockSpec(memory_space=pl.ANY)]
    init_arg = () if o_init is None else (o_init,)
    body = _mlp_body if o_init is None else (
        lambda oinit_ref, *refs: _mlp_body(*refs))
    return pl.pallas_call(
        body,
        grid=(n_blocks,),
        in_specs=init_spec + [
            pl.BlockSpec((EDGE_DIM, BR), lambda i: (0, i + blk0)),
            pl.BlockSpec((BR, 2 * HIDDEN), lambda i: (i, 0)),
            pl.BlockSpec((EDGE_DIM, HIDDEN), full),
            pl.BlockSpec((HIDDEN, HIDDEN), full),
            pl.BlockSpec((1, HIDDEN), full),
            pl.BlockSpec((HIDDEN, EDGE_DIM), full),
            pl.BlockSpec((EDGE_DIM, 1), full),
            pl.BlockSpec((EDGE_DIM, 1), full),
            pl.BlockSpec((EDGE_DIM, 1), full),
        ],
        out_specs=pl.BlockSpec((EDGE_DIM, BR), lambda i: (0, i + blk0)),
        out_shape=jax.ShapeDtypeStruct((EDGE_DIM, N_EDGES), jnp.float32),
        input_output_aliases={} if o_init is None else {0: 0},
    )(*init_arg, ea_t, g, w1e, w2, b2_row, w3, b3_col, gamma_col, beta_col)



def kernel(edge_attr, node_attr, edge_index, W1, b1, W2, b2, W3, b3,
           gamma, beta):
    w1e = W1[:EDGE_DIM]
    w_sr = jnp.concatenate(
        [W1[EDGE_DIM:EDGE_DIM + NODE_DIM], W1[EDGE_DIM + NODE_DIM:]], axis=1)
    bias_row = jnp.concatenate(
        [jnp.zeros((HIDDEN,), jnp.float32), b1]).reshape(1, 2 * HIDDEN)
    p, q = _project_nodes(node_attr, w_sr, bias_row)
    ea_t = edge_attr.T
    b2r = b2.reshape(1, HIDDEN)
    b3c = b3.reshape(EDGE_DIM, 1)
    gmc = gamma.reshape(EDGE_DIM, 1)
    btc = beta.reshape(EDGE_DIM, 1)
    g0 = _make_gather_add(0)(p, q, edge_index)
    g1 = _make_gather_add(N_HALF)(p, q, edge_index)
    o0 = _mlp(None, ea_t, g0, 0, w1e, W2, b2r, W3, b3c, gmc, btc)
    o1 = _mlp(o0, ea_t, g1, N_HALF // BR, w1e, W2, b2r, W3, b3c, gmc, btc)
    return o1.T

# --- scband reference (transcript-rebuilt; emitter-appended) ---
"""Pipeline reference for scband-edge-block-38345468018709 (READ-ONLY COPY).

The authoritative reference and input builder live on the scoring server;
editing this copy changes nothing except your own understanding.
"""

import jax, jax.numpy as jnp
import numpy as np

N_NODES = 10000
N_EDGES = 320000
NODE_DIM = 128
EDGE_DIM = 16
HIDDEN = 64
IN_DIM = EDGE_DIM + 2 * NODE_DIM


def setup_inputs(seed: int = 0) -> dict:
    key = jax.random.key(seed)
    ks = jax.random.split(key, 12)
    edge_attr = jax.random.normal(ks[0], (N_EDGES, EDGE_DIM), dtype=jnp.float32)
    node_attr = jax.random.normal(ks[1], (N_NODES, NODE_DIM), dtype=jnp.float32)
    edge_index = jax.random.randint(ks[2], (2, N_EDGES), 0, N_NODES, dtype=jnp.int32)
    W1 = jax.random.normal(ks[3], (IN_DIM, HIDDEN), dtype=jnp.float32) * (1.0 / np.sqrt(IN_DIM))
    b1 = jnp.zeros((HIDDEN,), dtype=jnp.float32)
    W2 = jax.random.normal(ks[4], (HIDDEN, HIDDEN), dtype=jnp.float32) * (1.0 / np.sqrt(HIDDEN))
    b2 = jnp.zeros((HIDDEN,), dtype=jnp.float32)
    W3 = jax.random.normal(ks[5], (HIDDEN, EDGE_DIM), dtype=jnp.float32) * (1.0 / np.sqrt(HIDDEN))
    b3 = jnp.zeros((EDGE_DIM,), dtype=jnp.float32)
    gamma = jnp.ones((EDGE_DIM,), dtype=jnp.float32)
    beta = jnp.zeros((EDGE_DIM,), dtype=jnp.float32)
    return {"edge_attr": edge_attr, "node_attr": node_attr, "edge_index": edge_index,
            "W1": W1, "b1": b1, "W2": W2, "b2": b2, "W3": W3, "b3": b3,
            "gamma": gamma, "beta": beta}


def reference(edge_attr, node_attr, edge_index, W1, b1, W2, b2, W3, b3, gamma, beta):
    row = edge_index[0]
    col = edge_index[1]
    sender_nodes = jnp.take(node_attr, row, axis=0)
    receiver_nodes = jnp.take(node_attr, col, axis=0)
    edge_input = jnp.concatenate([edge_attr, sender_nodes, receiver_nodes], axis=-1)
    h = jax.nn.relu(edge_input @ W1 + b1)
    h = jax.nn.relu(h @ W2 + b2)
    out = h @ W3 + b3
    mean = jnp.mean(out, axis=-1, keepdims=True)
    var = jnp.var(out, axis=-1, keepdims=True)
    out = (out - mean) / jnp.sqrt(var + 1e-5) * gamma + beta
    return out

if __name__ == "__main__":
    import jax
    _d = setup_inputs()
    print(jax.jit(kernel)(*tuple(_d.values())))

</pallas_src>

<mosaic_0001>
#map = affine_map<(d0, d1) -> (0, 0)>
module attributes {stable_mosaic.version = 14 : i64} {
  func.func @gather_add(%arg0: i32, %arg1: i32, %arg2: memref<10000x64xf32, #tpu.memory_space<hbm>>, %arg3: memref<10000x64xf32, #tpu.memory_space<hbm>>, %arg4: memref<2x320000xi32, #tpu.memory_space<hbm>>, %arg5: memref<160000x128xf32, #tpu.memory_space<hbm>>, %arg6: memref<5000xi32, #tpu.memory_space<vmem>>, %arg7: memref<5000xi32, #tpu.memory_space<vmem>>, %arg8: memref<200x64xf32, #tpu.memory_space<vmem>>, %arg9: memref<200x64xf32, #tpu.memory_space<vmem>>, %arg10: memref<200x64xf32, #tpu.memory_space<vmem>>, %arg11: memref<200x64xf32, #tpu.memory_space<vmem>>, %arg12: memref<200x64xf32, #tpu.memory_space<vmem>>, %arg13: memref<!tpu.dma_semaphore, #tpu.memory_space<semaphore_mem>>, %arg14: memref<!tpu.dma_semaphore, #tpu.memory_space<semaphore_mem>>, %arg15: memref<!tpu.dma_semaphore, #tpu.memory_space<semaphore_mem>>, %arg16: memref<!tpu.dma_semaphore, #tpu.memory_space<semaphore_mem>>) attributes {dimension_semantics = [#tpu.dimension_semantics<core_parallel>, #tpu.dimension_semantics<subcore_parallel>], iteration_bounds = array<i64: 2, 16>, scalar_prefetch = 0 : i64, scratch_operands = 11 : i64, tpu.core_type = #tpu.core_type<sc_vector_subcore>, window_params = [{transform_indices = #map}, {transform_indices = #map}, {transform_indices = #map}, {transform_indices = #map}]} {
    %mul3A = arith.constant 2 : i32
    %mul3A_0 = arith.muli %arg1, %mul3A : i32
    %add3A = arith.addi %mul3A_0, %arg0 : i32
    %mul3A_1 = arith.constant 5000 : i32
    %mul3A_2 = arith.muli %add3A, %mul3A_1 : i32
    %add3A_3 = arith.constant 160000 : i32
    %add3A_4 = arith.addi %add3A_3, %mul3A_2 : i32
    %run_scoped3A = arith.constant 0 : i32
    "tpu.region"() ({
      %run_scoped3A_39 = tpu.sem_alloc : memref<!tpu.dma_semaphore, #tpu.memory_space<semaphore_mem>>
      %dma_start3A_40 = tpu.memref_slice %arg4[%run_scoped3A, %add3A_4] : memref<2x320000xi32, #tpu.memory_space<hbm>> -> memref<1x5000xi32, #tpu.memory_space<hbm>>
      %dma_start3A_41 = tpu.memref_squeeze %dma_start3A_40 : memref<1x5000xi32, #tpu.memory_space<hbm>> -> memref<5000xi32, #tpu.memory_space<hbm>>
      %dma_start3A_42 = tpu.memref_slice %arg4[%run_scoped3A, %add3A_4] : memref<2x320000xi32, #tpu.memory_space<hbm>> -> memref<1x5000xi32, #tpu.memory_space<hbm>>
      %dma_start3A_43 = tpu.memref_squeeze %dma_start3A_42 : memref<1x5000xi32, #tpu.memory_space<hbm>> -> memref<5000xi32, #tpu.memory_space<hbm>>
      tpu.enqueue_dma source(%dma_start3A_43 : memref<5000xi32, #tpu.memory_space<hbm>>) target(%arg6 : memref<5000xi32, #tpu.memory_space<vmem>>) target_semaphore(%run_scoped3A_39 : memref<!tpu.dma_semaphore, #tpu.memory_space<semaphore_mem>>)
      %dma_wait3A_44 = tpu.memref_slice %arg4[%run_scoped3A, %add3A_4] : memref<2x320000xi32, #tpu.memory_space<hbm>> -> memref<1x5000xi32, #tpu.memory_space<hbm>>
      %dma_wait3A_45 = tpu.memref_squeeze %dma_wait3A_44 : memref<1x5000xi32, #tpu.memory_space<hbm>> -> memref<5000xi32, #tpu.memory_space<hbm>>
      %dma_wait3A_46 = tpu.memref_slice %arg4[%run_scoped3A, %add3A_4] : memref<2x320000xi32, #tpu.memory_space<hbm>> -> memref<1x5000xi32, #tpu.memory_space<hbm>>
      %dma_wait3A_47 = tpu.memref_squeeze %dma_wait3A_46 : memref<1x5000xi32, #tpu.memory_space<hbm>> -> memref<5000xi32, #tpu.memory_space<hbm>>
      tpu.wait_dma2 semaphore(%run_scoped3A_39 : memref<!tpu.dma_semaphore, #tpu.memory_space<semaphore_mem>>) src(%dma_wait3A_47 : memref<5000xi32, #tpu.memory_space<hbm>>) dst(%arg6 : memref<5000xi32, #tpu.memory_space<vmem>>)
      tpu.yield
    }) : () -> ()
    %add3A_5 = arith.constant 160000 : i32
    %add3A_6 = arith.addi %add3A_5, %mul3A_2 : i32
    %run_scoped3A_7 = arith.constant 1 : i32
    "tpu.region"() ({
      %run_scoped3A_39 = tpu.sem_alloc : memref<!tpu.dma_semaphore, #tpu.memory_space<semaphore_mem>>
      %dma_start3A_40 = tpu.memref_slice %arg4[%run_scoped3A_7, %add3A_6] : memref<2x320000xi32, #tpu.memory_space<hbm>> -> memref<1x5000xi32, #tpu.memory_space<hbm>>
      %dma_start3A_41 = tpu.memref_squeeze %dma_start3A_40 : memref<1x5000xi32, #tpu.memory_space<hbm>> -> memref<5000xi32, #tpu.memory_space<hbm>>
      %dma_start3A_42 = tpu.memref_slice %arg4[%run_scoped3A_7, %add3A_6] : memref<2x320000xi32, #tpu.memory_space<hbm>> -> memref<1x5000xi32, #tpu.memory_space<hbm>>
      %dma_start3A_43 = tpu.memref_squeeze %dma_start3A_42 : memref<1x5000xi32, #tpu.memory_space<hbm>> -> memref<5000xi32, #tpu.memory_space<hbm>>
      tpu.enqueue_dma source(%dma_start3A_43 : memref<5000xi32, #tpu.memory_space<hbm>>) target(%arg7 : memref<5000xi32, #tpu.memory_space<vmem>>) target_semaphore(%run_scoped3A_39 : memref<!tpu.dma_semaphore, #tpu.memory_space<semaphore_mem>>)
      %dma_wait3A_44 = tpu.memref_slice %arg4[%run_scoped3A_7, %add3A_6] : memref<2x320000xi32, #tpu.memory_space<hbm>> -> memref<1x5000xi32, #tpu.memory_space<hbm>>
      %dma_wait3A_45 = tpu.memref_squeeze %dma_wait3A_44 : memref<1x5000xi32, #tpu.memory_space<hbm>> -> memref<5000xi32, #tpu.memory_space<hbm>>
      %dma_wait3A_46 = tpu.memref_slice %arg4[%run_scoped3A_7, %add3A_6] : memref<2x320000xi32, #tpu.memory_space<hbm>> -> memref<1x5000xi32, #tpu.memory_space<hbm>>
      %dma_wait3A_47 = tpu.memref_squeeze %dma_wait3A_46 : memref<1x5000xi32, #tpu.memory_space<hbm>> -> memref<5000xi32, #tpu.memory_space<hbm>>
      tpu.wait_dma2 semaphore(%run_scoped3A_39 : memref<!tpu.dma_semaphore, #tpu.memory_space<semaphore_mem>>) src(%dma_wait3A_47 : memref<5000xi32, #tpu.memory_space<hbm>>) dst(%arg7 : memref<5000xi32, #tpu.memory_space<vmem>>)
      tpu.yield
    }) : () -> ()
    %dma_start3A = arith.constant 0 : i32
    %dma_start3A_8 = tpu.memref_slice %arg6[%dma_start3A] : memref<5000xi32, #tpu.memory_space<vmem>> -> memref<200xi32, #tpu.memory_space<vmem>>
    %dma_start3A_9 = arith.constant 0 : i32
    %dma_start3A_10 = arith.constant 0 : i32
    %dma_start3A_11 = tpu.memref_slice %arg2[%dma_start3A_9, %dma_start3A_10] : memref<10000x64xf32, #tpu.memory_space<hbm>> -> memref<10000x64xf32, #tpu.memory_space<hbm>>
    tpu.enqueue_indirect_dma source(%dma_start3A_11 : memref<10000x64xf32, #tpu.memory_space<hbm>>) target(%arg8 : memref<200x64xf32, #tpu.memory_space<vmem>>) offsets(%dma_start3A_8 : memref<200xi32, #tpu.memory_space<vmem>>) semaphore(%arg13 : memref<!tpu.dma_semaphore, #tpu.memory_space<semaphore_mem>>)
    %dma_start3A_12 = arith.constant 0 : i32
    %dma_start3A_13 = tpu.memref_slice %arg7[%dma_start3A_12] : memref<5000xi32, #tpu.memory_space<vmem>> -> memref<200xi32, #tpu.memory_space<vmem>>
    %dma_start3A_14 = arith.constant 0 : i32
    %dma_start3A_15 = arith.constant 0 : i32
    %dma_start3A_16 = tpu.memref_slice %arg3[%dma_start3A_14, %dma_start3A_15] : memref<10000x64xf32, #tpu.memory_space<hbm>> -> memref<10000x64xf32, #tpu.memory_space<hbm>>
    tpu.enqueue_indirect_dma source(%dma_start3A_16 : memref<10000x64xf32, #tpu.memory_space<hbm>>) target(%arg9 : memref<200x64xf32, #tpu.memory_space<vmem>>) offsets(%dma_start3A_13 : memref<200xi32, #tpu.memory_space<vmem>>) semaphore(%arg14 : memref<!tpu.dma_semaphore, #tpu.memory_space<semaphore_mem>>)
    %scan3A = arith.constant 0 : i32
    %scan3A_17 = arith.constant 0 : i32
    %scan3A_18 = arith.constant 12 : i32
    %scan3A_19 = arith.addi %scan3A_17, %scan3A_18 : i32
    %scan3A_20 = arith.constant 1 : i32
    scf.for %scan3A_39 = %scan3A_17 to %scan3A_19 step %scan3A_20  : i32 {
      %mul3A_40 = arith.constant 2 : i32
      %mul3A_41 = arith.muli %mul3A_40, %scan3A_39 : i32
      %add3A_42 = arith.constant 1 : i32
      %add3A_43 = arith.addi %mul3A_41, %add3A_42 : i32
      %mul3A_44 = arith.constant 200 : i32
      %mul3A_45 = arith.muli %add3A_43, %mul3A_44 : i32
      %dma_start3A_46 = tpu.memref_slice %arg6[%mul3A_45] : memref<5000xi32, #tpu.memory_space<vmem>> -> memref<200xi32, #tpu.memory_space<vmem>>
      %dma_start3A_47 = arith.constant 0 : i32
      %dma_start3A_48 = arith.constant 0 : i32
      %dma_start3A_49 = tpu.memref_slice %arg2[%dma_start3A_47, %dma_start3A_48] : memref<10000x64xf32, #tpu.memory_space<hbm>> -> memref<10000x64xf32, #tpu.memory_space<hbm>>
      tpu.enqueue_indirect_dma source(%dma_start3A_49 : memref<10000x64xf32, #tpu.memory_space<hbm>>) target(%arg10 : memref<200x64xf32, #tpu.memory_space<vmem>>) offsets(%dma_start3A_46 : memref<200xi32, #tpu.memory_space<vmem>>) semaphore(%arg15 : memref<!tpu.dma_semaphore, #tpu.memory_space<semaphore_mem>>)
      %dma_start3A_50 = tpu.memref_slice %arg7[%mul3A_45] : memref<5000xi32, #tpu.memory_space<vmem>> -> memref<200xi32, #tpu.memory_space<vmem>>
      %dma_start3A_51 = arith.constant 0 : i32
      %dma_start3A_52 = arith.constant 0 : i32
      %dma_start3A_53 = tpu.memref_slice %arg3[%dma_start3A_51, %dma_start3A_52] : memref<10000x64xf32, #tpu.memory_space<hbm>> -> memref<10000x64xf32, #tpu.memory_space<hbm>>
      tpu.enqueue_indirect_dma source(%dma_start3A_53 : memref<10000x64xf32, #tpu.memory_space<hbm>>) target(%arg11 : memref<200x64xf32, #tpu.memory_space<vmem>>) offsets(%dma_start3A_50 : memref<200xi32, #tpu.memory_space<vmem>>) semaphore(%arg16 : memref<!tpu.dma_semaphore, #tpu.memory_space<semaphore_mem>>)
      %mul3A_54 = arith.constant 200 : i32
      %mul3A_55 = arith.muli %mul3A_41, %mul3A_54 : i32
      %dma_wait3A_56 = tpu.memref_slice %arg6[%mul3A_55] : memref<5000xi32, #tpu.memory_space<vmem>> -> memref<200xi32, #tpu.memory_space<vmem>>
      %dma_wait3A_57 = arith.constant 0 : i32
      %dma_wait3A_58 = arith.constant 0 : i32
      %dma_wait3A_59 = tpu.memref_slice %arg2[%dma_wait3A_57, %dma_wait3A_58] : memref<10000x64xf32, #tpu.memory_space<hbm>> -> memref<10000x64xf32, #tpu.memory_space<hbm>>
      tpu.wait_indirect_dma semaphore(%arg13 : memref<!tpu.dma_semaphore, #tpu.memory_space<semaphore_mem>>) src(%dma_wait3A_59 : memref<10000x64xf32, #tpu.memory_space<hbm>>) dst(%arg8 : memref<200x64xf32, #tpu.memory_space<vmem>>)
      %dma_wait3A_60 = tpu.memref_slice %arg7[%mul3A_55] : memref<5000xi32, #tpu.memory_space<vmem>> -> memref<200xi32, #tpu.memory_space<vmem>>
      %dma_wait3A_61 = arith.constant 0 : i32
      %dma_wait3A_62 = arith.constant 0 : i32
      %dma_wait3A_63 = tpu.memref_slice %arg3[%dma_wait3A_61, %dma_wait3A_62] : memref<10000x64xf32, #tpu.memory_space<hbm>> -> memref<10000x64xf32, #tpu.memory_space<hbm>>
      tpu.wait_indirect_dma semaphore(%arg14 : memref<!tpu.dma_semaphore, #tpu.memory_space<semaphore_mem>>) src(%dma_wait3A_63 : memref<10000x64xf32, #tpu.memory_space<hbm>>) dst(%arg9 : memref<200x64xf32, #tpu.memory_space<vmem>>)
      %scan3A_64 = arith.constant 0 : i32
      %scan3A_65 = arith.constant 0 : i32
      %scan3A_66 = arith.constant 100 : i32
      %scan3A_67 = arith.addi %scan3A_65, %scan3A_66 : i32
      %scan3A_68 = arith.constant 1 : i32
      scf.for %scan3A_102 = %scan3A_65 to %scan3A_67 step %scan3A_68  : i32 {
        %mul3A_103 = arith.constant 2 : i32
        %mul3A_104 = arith.muli %mul3A_103, %scan3A_102 : i32
        %add3A_105 = arith.constant 0 : i32
        %add3A_106 = arith.addi %mul3A_104, %add3A_105 : i32
        %get3A = arith.index_cast %add3A_106 : i32 to index
        %get3A_107 = arith.constant 0 : index
        %get3A_108 = tpu.vector_load %arg8[%get3A, %get3A_107] {strides = array<i32>} : memref<200x64xf32, #tpu.memory_space<vmem>>, vector<1x16xf32>,
        %get3A_109 = vector.shape_cast %get3A_108 : vector<1x16xf32> to vector<16xf32>
        %mul3A_110 = arith.constant 2 : i32
        %mul3A_111 = arith.muli %mul3A_110, %scan3A_102 : i32
        %add3A_112 = arith.constant 0 : i32
        %add3A_113 = arith.addi %mul3A_111, %add3A_112 : i32
        %get3A_114 = arith.index_cast %add3A_113 : i32 to index
        %get3A_115 = arith.constant 0 : index
        %get3A_116 = tpu.vector_load %arg9[%get3A_114, %get3A_115] {strides = array<i32>} : memref<200x64xf32, #tpu.memory_space<vmem>>, vector<1x16xf32>,
        %get3A_117 = vector.shape_cast %get3A_116 : vector<1x16xf32> to vector<16xf32>
        %add3A_118 = arith.addf %get3A_109, %get3A_117 : vector<16xf32>
        %mul3A_119 = arith.constant 2 : i32
        %mul3A_120 = arith.muli %mul3A_119, %scan3A_102 : i32
        %add3A_121 = arith.constant 0 : i32
        %add3A_122 = arith.addi %mul3A_120, %add3A_121 : i32
        %swap3A = arith.index_cast %add3A_122 : i32 to index
        %swap3A_123 = arith.constant 0 : index
        %swap3A_124 = tpu.vector_load %arg12[%swap3A, %swap3A_123] {strides = array<i32>} : memref<200x64xf32, #tpu.memory_space<vmem>>, vector<1x16xf32>,
        %swap3A_125 = vector.shape_cast %swap3A_124 : vector<1x16xf32> to vector<16xf32>
        %swap3A_126 = vector.shape_cast %add3A_118 : vector<16xf32> to vector<1x16xf32>
        tpu.vector_store %arg12[%swap3A, %swap3A_123], %swap3A_126 {strides = array<i32>} : memref<200x64xf32, #tpu.memory_space<vmem>>, vector<1x16xf32>,
        %mul3A_127 = arith.constant 2 : i32
        %mul3A_128 = arith.muli %mul3A_127, %scan3A_102 : i32
        %add3A_129 = arith.constant 0 : i32
        %add3A_130 = arith.addi %mul3A_128, %add3A_129 : i32
        %get3A_131 = arith.index_cast %add3A_130 : i32 to index
        %get3A_132 = arith.constant 16 : index
        %get3A_133 = tpu.vector_load %arg8[%get3A_131, %get3A_132] {strides = array<i32>} : memref<200x64xf32, #tpu.memory_space<vmem>>, vector<1x16xf32>,
        %get3A_134 = vector.shape_cast %get3A_133 : vector<1x16xf32> to vector<16xf32>
        %mul3A_135 = arith.constant 2 : i32
        %mul3A_136 = arith.muli %mul3A_135, %scan3A_102 : i32
        %add3A_137 = arith.constant 0 : i32
        %add3A_138 = arith.addi %mul3A_136, %add3A_137 : i32
        %get3A_139 = arith.index_cast %add3A_138 : i32 to index
        %get3A_140 = arith.constant 16 : index
        %get3A_141 = tpu.vector_load %arg9[%get3A_139, %get3A_140] {strides = array<i32>} : memref<200x64xf32, #tpu.memory_space<vmem>>, vector<1x16xf32>,
        %get3A_142 = vector.shape_cast %get3A_141 : vector<1x16xf32> to vector<16xf32>
        %add3A_143 = arith.addf %get3A_134, %get3A_142 : vector<16xf32>
        %mul3A_144 = arith.constant 2 : i32
        %mul3A_145 = arith.muli %mul3A_144, %scan3A_102 : i32
        %add3A_146 = arith.constant 0 : i32
        %add3A_147 = arith.addi %mul3A_145, %add3A_146 : i32
        %swap3A_148 = arith.index_cast %add3A_147 : i32 to index
        %swap3A_149 = arith.constant 16 : index
        %swap3A_150 = tpu.vector_load %arg12[%swap3A_148, %swap3A_149] {strides = array<i32>} : memref<200x64xf32, #tpu.memory_space<vmem>>, vector<1x16xf32>,
        %swap3A_151 = vector.shape_cast %swap3A_150 : vector<1x16xf32> to vector<16xf32>
        %swap3A_152 = vector.shape_cast %add3A_143 : vector<16xf32> to vector<1x16xf32>
        tpu.vector_store %arg12[%swap3A_148, %swap3A_149], %swap3A_152 {strides = array<i32>} : memref<200x64xf32, #tpu.memory_space<vmem>>, vector<1x16xf32>,
        %mul3A_153 = arith.constant 2 : i32
        %mul3A_154 = arith.muli %mul3A_153, %scan3A_102 : i32
        %add3A_155 = arith.constant 0 : i32
        %add3A_156 = arith.addi %mul3A_154, %add3A_155 : i32
        %get3A_157 = arith.index_cast %add3A_156 : i32 to index
        %get3A_158 = arith.constant 32 : index
        %get3A_159 = tpu.vector_load %arg8[%get3A_157, %get3A_158] {strides = array<i32>} : memref<200x64xf32, #tpu.memory_space<vmem>>, vector<1x16xf32>,
        %get3A_160 = vector.shape_cast %get3A_159 : vector<1x16xf32> to vector<16xf32>
        %mul3A_161 = arith.constant 2 : i32
        %mul3A_162 = arith.muli %mul3A_161, %scan3A_102 : i32
        %add3A_163 = arith.constant 0 : i32
        %add3A_164 = arith.addi %mul3A_162, %add3A_163 : i32
        %get3A_165 = arith.index_cast %add3A_164 : i32 to index
        %get3A_166 = arith.constant 32 : index
        %get3A_167 = tpu.vector_load %arg9[%get3A_165, %get3A_166] {strides = array<i32>} : memref<200x64xf32, #tpu.memory_space<vmem>>, vector<1x16xf32>,
        %get3A_168 = vector.shape_cast %get3A_167 : vector<1x16xf32> to vector<16xf32>
        %add3A_169 = arith.addf %get3A_160, %get3A_168 : vector<16xf32>
        %mul3A_170 = arith.constant 2 : i32
        %mul3A_171 = arith.muli %mul3A_170, %scan3A_102 : i32
        %add3A_172 = arith.constant 0 : i32
        %add3A_173 = arith.addi %mul3A_171, %add3A_172 : i32
        %swap3A_174 = arith.index_cast %add3A_173 : i32 to index
        %swap3A_175 = arith.constant 32 : index
        %swap3A_176 = tpu.vector_load %arg12[%swap3A_174, %swap3A_175] {strides = array<i32>} : memref<200x64xf32, #tpu.memory_space<vmem>>, vector<1x16xf32>,
        %swap3A_177 = vector.shape_cast %swap3A_176 : vector<1x16xf32> to vector<16xf32>
        %swap3A_178 = vector.shape_cast %add3A_169 : vector<16xf32> to vector<1x16xf32>
        tpu.vector_store %arg12[%swap3A_174, %swap3A_175], %swap3A_178 {strides = array<i32>} : memref<200x64xf32, #tpu.memory_space<vmem>>, vector<1x16xf32>,
        %mul3A_179 = arith.constant 2 : i32
        %mul3A_180 = arith.muli %mul3A_179, %scan3A_102 : i32
        %add3A_181 = arith.constant 0 : i32
        %add3A_182 = arith.addi %mul3A_180, %add3A_181 : i32
        %get3A_183 = arith.index_cast %add3A_182 : i32 to index
        %get3A_184 = arith.constant 48 : index
        %get3A_185 = tpu.vector_load %arg8[%get3A_183, %get3A_184] {strides = array<i32>} : memref<200x64xf32, #tpu.memory_space<vmem>>, vector<1x16xf32>,
        %get3A_186 = vector.shape_cast %get3A_185 : vector<1x16xf32> to vector<16xf32>
        %mul3A_187 = arith.constant 2 : i32
        %mul3A_188 = arith.muli %mul3A_187, %scan3A_102 : i32
        %add3A_189 = arith.constant 0 : i32
        %add3A_190 = arith.addi %mul3A_188, %add3A_189 : i32
        %get3A_191 = arith.index_cast %add3A_190 : i32 to index
        %get3A_192 = arith.constant 48 : index
        %get3A_193 = tpu.vector_load %arg9[%get3A_191, %get3A_192] {strides = array<i32>} : memref<200x64xf32, #tpu.memory_space<vmem>>, vector<1x16xf32>,
        %get3A_194 = vector.shape_cast %get3A_193 : vector<1x16xf32> to vector<16xf32>
        %add3A_195 = arith.addf %get3A_186, %get3A_194 : vector<16xf32>
        %mul3A_196 = arith.constant 2 : i32
        %mul3A_197 = arith.muli %mul3A_196, %scan3A_102 : i32
        %add3A_198 = arith.constant 0 : i32
        %add3A_199 = arith.addi %mul3A_197, %add3A_198 : i32
        %swap3A_200 = arith.index_cast %add3A_199 : i32 to index
        %swap3A_201 = arith.constant 48 : index
        %swap3A_202 = tpu.vector_load %arg12[%swap3A_200, %swap3A_201] {strides = array<i32>} : memref<200x64xf32, #tpu.memory_space<vmem>>, vector<1x16xf32>,
        %swap3A_203 = vector.shape_cast %swap3A_202 : vector<1x16xf32> to vector<16xf32>
        %swap3A_204 = vector.shape_cast %add3A_195 : vector<16xf32> to vector<1x16xf32>
        tpu.vector_store %arg12[%swap3A_200, %swap3A_201], %swap3A_204 {strides = array<i32>} : memref<200x64xf32, #tpu.memory_space<vmem>>, vector<1x16xf32>,
        %mul3A_205 = arith.constant 2 : i32
        %mul3A_206 = arith.muli %mul3A_205, %scan3A_102 : i32
        %add3A_207 = arith.constant 1 : i32
        %add3A_208 = arith.addi %mul3A_206, %add3A_207 : i32
        %get3A_209 = arith.index_cast %add3A_208 : i32 to index
        %get3A_210 = arith.constant 0 : index
        %get3A_211 = tpu.vector_load %arg8[%get3A_209, %get3A_210] {strides = array<i32>} : memref<200x64xf32, #tpu.memory_space<vmem>>, vector<1x16xf32>,
        %get3A_212 = vector.shape_cast %get3A_211 : vector<1x16xf32> to vector<16xf32>
        %mul3A_213 = arith.constant 2 : i32
        %mul3A_214 = arith.muli %mul3A_213, %scan3A_102 : i32
        %add3A_215 = arith.constant 1 : i32
        %add3A_216 = arith.addi %mul3A_214, %add3A_215 : i32
        %get3A_217 = arith.index_cast %add3A_216 : i32 to index
        %get3A_218 = arith.constant 0 : index
        %get3A_219 = tpu.vector_load %arg9[%get3A_217, %get3A_218] {strides = array<i32>} : memref<200x64xf32, #tpu.memory_space<vmem>>, vector<1x16xf32>,
        %get3A_220 = vector.shape_cast %get3A_219 : vector<1x16xf32> to vector<16xf32>
        %add3A_221 = arith.addf %get3A_212, %get3A_220 : vector<16xf32>
        %mul3A_222 = arith.constant 2 : i32
        %mul3A_223 = arith.muli %mul3A_222, %scan3A_102 : i32
        %add3A_224 = arith.constant 1 : i32
        %add3A_225 = arith.addi %mul3A_223, %add3A_224 : i32
        %swap3A_226 = arith.index_cast %add3A_225 : i32 to index
        %swap3A_227 = arith.constant 0 : index
        %swap3A_228 = tpu.vector_load %arg12[%swap3A_226, %swap3A_227] {strides = array<i32>} : memref<200x64xf32, #tpu.memory_space<vmem>>, vector<1x16xf32>,
        %swap3A_229 = vector.shape_cast %swap3A_228 : vector<1x16xf32> to vector<16xf32>
        %swap3A_230 = vector.shape_cast %add3A_221 : vector<16xf32> to vector<1x16xf32>
        tpu.vector_store %arg12[%swap3A_226, %swap3A_227], %swap3A_230 {strides = array<i32>} : memref<200x64xf32, #tpu.memory_space<vmem>>, vector<1x16xf32>,
        %mul3A_231 = arith.constant 2 : i32
        %mul3A_232 = arith.muli %mul3A_231, %scan3A_102 : i32
        %add3A_233 = arith.constant 1 : i32
        %add3A_234 = arith.addi %mul3A_232, %add3A_233 : i32
        %get3A_235 = arith.index_cast %add3A_234 : i32 to index
        %get3A_236 = arith.constant 16 : index
        %get3A_237 = tpu.vector_load %arg8[%get3A_235, %get3A_236] {strides = array<i32>} : memref<200x64xf32, #tpu.memory_space<vmem>>, vector<1x16xf32>,
        %get3A_238 = vector.shape_cast %get3A_237 : vector<1x16xf32> to vector<16xf32>
        %mul3A_239 = arith.constant 2 : i32
        %mul3A_240 = arith.muli %mul3A_239, %scan3A_102 : i32
        %add3A_241 = arith.constant 1 : i32
        %add3A_242 = arith.addi %mul3A_240, %add3A_241 : i32
        %get3A_243 = arith.index_cast %add3A_242 : i32 to index
        %get3A_244 = arith.constant 16 : index
        %get3A_245 = tpu.vector_load %arg9[%get3A_243, %get3A_244] {strides = array<i32>} : memref<200x64xf32, #tpu.memory_space<vmem>>, vector<1x16xf32>,
        %get3A_246 = vector.shape_cast %get3A_245 : vector<1x16xf32> to vector<16xf32>
        %add3A_247 = arith.addf %get3A_238, %get3A_246 : vector<16xf32>
        %mul3A_248 = arith.constant 2 : i32
        %mul3A_249 = arith.muli %mul3A_248, %scan3A_102 : i32
        %add3A_250 = arith.constant 1 : i32
        %add3A_251 = arith.addi %mul3A_249, %add3A_250 : i32
        %swap3A_252 = arith.index_cast %add3A_251 : i32 to index
        %swap3A_253 = arith.constant 16 : index
        %swap3A_254 = tpu.vector_load %arg12[%swap3A_252, %swap3A_253] {strides = array<i32>} : memref<200x64xf32, #tpu.memory_space<vmem>>, vector<1x16xf32>,
        %swap3A_255 = vector.shape_cast %swap3A_254 : vector<1x16xf32> to vector<16xf32>
        %swap3A_256 = vector.shape_cast %add3A_247 : vector<16xf32> to vector<1x16xf32>
        tpu.vector_store %arg12[%swap3A_252, %swap3A_253], %swap3A_256 {strides = array<i32>} : memref<200x64xf32, #tpu.memory_space<vmem>>, vector<1x16xf32>,
        %mul3A_257 = arith.constant 2 : i32
        %mul3A_258 = arith.muli %mul3A_257, %scan3A_102 : i32
        %add3A_259 = arith.constant 1 : i32
        %add3A_260 = arith.addi %mul3A_258, %add3A_259 : i32
        %get3A_261 = arith.index_cast %add3A_260 : i32 to index
        %get3A_262 = arith.constant 32 : index
        %get3A_263 = tpu.vector_load %arg8[%get3A_261, %get3A_262] {strides = array<i32>} : memref<200x64xf32, #tpu.memory_space<vmem>>, vector<1x16xf32>,
        %get3A_264 = vector.shape_cast %get3A_263 : vector<1x16xf32> to vector<16xf32>
        %mul3A_265 = arith.constant 2 : i32
        %mul3A_266 = arith.muli %mul3A_265, %scan3A_102 : i32
        %add3A_267 = arith.constant 1 : i32
        %add3A_268 = arith.addi %mul3A_266, %add3A_267 : i32
        %get3A_269 = arith.index_cast %add3A_268 : i32 to index
        %get3A_270 = arith.constant 32 : index
        %get3A_271 = tpu.vector_load %arg9[%get3A_269, %get3A_270] {strides = array<i32>} : memref<200x64xf32, #tpu.memory_space<vmem>>, vector<1x16xf32>,
        %get3A_272 = vector.shape_cast %get3A_271 : vector<1x16xf32> to vector<16xf32>
        %add3A_273 = arith.addf %get3A_264, %get3A_272 : vector<16xf32>
        %mul3A_274 = arith.constant 2 : i32
        %mul3A_275 = arith.muli %mul3A_274, %scan3A_102 : i32
        %add3A_276 = arith.constant 1 : i32
        %add3A_277 = arith.addi %mul3A_275, %add3A_276 : i32
        %swap3A_278 = arith.index_cast %add3A_277 : i32 to index
        %swap3A_279 = arith.constant 32 : index
        %swap3A_280 = tpu.vector_load %arg12[%swap3A_278, %swap3A_279] {strides = array<i32>} : memref<200x64xf32, #tpu.memory_space<vmem>>, vector<1x16xf32>,
        %swap3A_281 = vector.shape_cast %swap3A_280 : vector<1x16xf32> to vector<16xf32>
        %swap3A_282 = vector.shape_cast %add3A_273 : vector<16xf32> to vector<1x16xf32>
        tpu.vector_store %arg12[%swap3A_278, %swap3A_279], %swap3A_282 {strides = array<i32>} : memref<200x64xf32, #tpu.memory_space<vmem>>, vector<1x16xf32>,
        %mul3A_283 = arith.constant 2 : i32
        %mul3A_284 = arith.muli %mul3A_283, %scan3A_102 : i32
        %add3A_285 = arith.constant 1 : i32
        %add3A_286 = arith.addi %mul3A_284, %add3A_285 : i32
        %get3A_287 = arith.index_cast %add3A_286 : i32 to index
        %get3A_288 = arith.constant 48 : index
        %get3A_289 = tpu.vector_load %arg8[%get3A_287, %get3A_288] {strides = array<i32>} : memref<200x64xf32, #tpu.memory_space<vmem>>, vector<1x16xf32>,
        %get3A_290 = vector.shape_cast %get3A_289 : vector<1x16xf32> to vector<16xf32>
        %mul3A_291 = arith.constant 2 : i32
        %mul3A_292 = arith.muli %mul3A_291, %scan3A_102 : i32
        %add3A_293 = arith.constant 1 : i32
        %add3A_294 = arith.addi %mul3A_292, %add3A_293 : i32
        %get3A_295 = arith.index_cast %add3A_294 : i32 to index
        %get3A_296 = arith.constant 48 : index
        %get3A_297 = tpu.vector_load %arg9[%get3A_295, %get3A_296] {strides = array<i32>} : memref<200x64xf32, #tpu.memory_space<vmem>>, vector<1x16xf32>,
        %get3A_298 = vector.shape_cast %get3A_297 : vector<1x16xf32> to vector<16xf32>
        %add3A_299 = arith.addf %get3A_290, %get3A_298 : vector<16xf32>
        %mul3A_300 = arith.constant 2 : i32
        %mul3A_301 = arith.muli %mul3A_300, %scan3A_102 : i32
        %add3A_302 = arith.constant 1 : i32
        %add3A_303 = arith.addi %mul3A_301, %add3A_302 : i32
        %swap3A_304 = arith.index_cast %add3A_303 : i32 to index
        %swap3A_305 = arith.constant 48 : index
        %swap3A_306 = tpu.vector_load %arg12[%swap3A_304, %swap3A_305] {strides = array<i32>} : memref<200x64xf32, #tpu.memory_space<vmem>>, vector<1x16xf32>,
        %swap3A_307 = vector.shape_cast %swap3A_306 : vector<1x16xf32> to vector<16xf32>
        %swap3A_308 = vector.shape_cast %add3A_299 : vector<16xf32> to vector<1x16xf32>
        tpu.vector_store %arg12[%swap3A_304, %swap3A_305], %swap3A_308 {strides = array<i32>} : memref<200x64xf32, #tpu.memory_space<vmem>>, vector<1x16xf32>,
      }
      %scan3A_69 = arith.constant 100 : i32
      %add3A_70 = arith.addi %mul3A_2, %mul3A_55 : i32
      "tpu.region"() ({
        %run_scoped3A_102 = tpu.sem_alloc : memref<!tpu.dma_semaphore, #tpu.memory_space<semaphore_mem>>
        %dma_start3A_103 = arith.constant 0 : i32
        %dma_start3A_104 = tpu.memref_slice %arg5[%add3A_70, %dma_start3A_103] : memref<160000x128xf32, #tpu.memory_space<hbm>> -> memref<200x64xf32, #tpu.memory_space<hbm>>
        %dma_start3A_105 = arith.constant 0 : i32
        %dma_start3A_106 = tpu.memref_slice %arg5[%add3A_70, %dma_start3A_105] : memref<160000x128xf32, #tpu.memory_space<hbm>> -> memref<200x64xf32, #tpu.memory_space<hbm>>
        tpu.enqueue_dma source(%arg12 : memref<200x64xf32, #tpu.memory_space<vmem>>) target(%dma_start3A_106 : memref<200x64xf32, #tpu.memory_space<hbm>>) target_semaphore(%run_scoped3A_102 : memref<!tpu.dma_semaphore, #tpu.memory_space<semaphore_mem>>)
        %dma_wait3A_107 = arith.constant 0 : i32
        %dma_wait3A_108 = tpu.memref_slice %arg5[%add3A_70, %dma_wait3A_107] : memref<160000x128xf32, #tpu.memory_space<hbm>> -> memref<200x64xf32, #tpu.memory_space<hbm>>
        %dma_wait3A_109 = arith.constant 0 : i32
        %dma_wait3A_110 = tpu.memref_slice %arg5[%add3A_70, %dma_wait3A_109] : memref<160000x128xf32, #tpu.memory_space<hbm>> -> memref<200x64xf32, #tpu.memory_space<hbm>>
        tpu.wait_dma2 semaphore(%run_scoped3A_102 : memref<!tpu.dma_semaphore, #tpu.memory_space<semaphore_mem>>) src(%arg12 : memref<200x64xf32, #tpu.memory_space<vmem>>) dst(%dma_wait3A_110 : memref<200x64xf32, #tpu.memory_space<hbm>>)
        tpu.yield
      }) : () -> ()
      %add3A_71 = arith.constant 2 : i32
      %add3A_72 = arith.addi %mul3A_41, %add3A_71 : i32
      %mul3A_73 = arith.constant 200 : i32
      %mul3A_74 = arith.muli %add3A_72, %mul3A_73 : i32
      %dma_start3A_75 = tpu.memref_slice %arg6[%mul3A_74] : memref<5000xi32, #tpu.memory_space<vmem>> -> memref<200xi32, #tpu.memory_space<vmem>>
      %dma_start3A_76 = arith.constant 0 : i32
      %dma_start3A_77 = arith.constant 0 : i32
      %dma_start3A_78 = tpu.memref_slice %arg2[%dma_start3A_76, %dma_start3A_77] : memref<10000x64xf32, #tpu.memory_space<hbm>> -> memref<10000x64xf32, #tpu.memory_space<hbm>>
      tpu.enqueue_indirect_dma source(%dma_start3A_78 : memref<10000x64xf32, #tpu.memory_space<hbm>>) target(%arg8 : memref<200x64xf32, #tpu.memory_space<vmem>>) offsets(%dma_start3A_75 : memref<200xi32, #tpu.memory_space<vmem>>) semaphore(%arg13 : memref<!tpu.dma_semaphore, #tpu.memory_space<semaphore_mem>>)
      %dma_start3A_79 = tpu.memref_slice %arg7[%mul3A_74] : memref<5000xi32, #tpu.memory_space<vmem>> -> memref<200xi32, #tpu.memory_space<vmem>>
      %dma_start3A_80 = arith.constant 0 : i32
      %dma_start3A_81 = arith.constant 0 : i32
      %dma_start3A_82 = tpu.memref_slice %arg3[%dma_start3A_80, %dma_start3A_81] : memref<10000x64xf32, #tpu.memory_space<hbm>> -> memref<10000x64xf32, #tpu.memory_space<hbm>>
      tpu.enqueue_indirect_dma source(%dma_start3A_82 : memref<10000x64xf32, #tpu.memory_space<hbm>>) target(%arg9 : memref<200x64xf32, #tpu.memory_space<vmem>>) offsets(%dma_start3A_79 : memref<200xi32, #tpu.memory_space<vmem>>) semaphore(%arg14 : memref<!tpu.dma_semaphore, #tpu.memory_space<semaphore_mem>>)
      %add3A_83 = arith.constant 1 : i32
      %add3A_84 = arith.addi %mul3A_41, %add3A_83 : i32
      %mul3A_85 = arith.constant 200 : i32
      %mul3A_86 = arith.muli %add3A_84, %mul3A_85 : i32
      %dma_wait3A_87 = tpu.memref_slice %arg6[%mul3A_86] : memref<5000xi32, #tpu.memory_space<vmem>> -> memref<200xi32, #tpu.memory_space<vmem>>
      %dma_wait3A_88 = arith.constant 0 : i32
      %dma_wait3A_89 = arith.constant 0 : i32
      %dma_wait3A_90 = tpu.memref_slice %arg2[%dma_wait3A_88, %dma_wait3A_89] : memref<10000x64xf32, #tpu.memory_space<hbm>> -> memref<10000x64xf32, #tpu.memory_space<hbm>>
      tpu.wait_indirect_dma semaphore(%arg15 : memref<!tpu.dma_semaphore, #tpu.memory_space<semaphore_mem>>) src(%dma_wait3A_90 : memref<10000x64xf32, #tpu.memory_space<hbm>>) dst(%arg10 : memref<200x64xf32, #tpu.memory_space<vmem>>)
      %dma_wait3A_91 = tpu.memref_slice %arg7[%mul3A_86] : memref<5000xi32, #tpu.memory_space<vmem>> -> memref<200xi32, #tpu.memory_space<vmem>>
      %dma_wait3A_92 = arith.constant 0 : i32
      %dma_wait3A_93 = arith.constant 0 : i32
      %dma_wait3A_94 = tpu.memref_slice %arg3[%dma_wait3A_92, %dma_wait3A_93] : memref<10000x64xf32, #tpu.memory_space<hbm>> -> memref<10000x64xf32, #tpu.memory_space<hbm>>
      tpu.wait_indirect_dma semaphore(%arg16 : memref<!tpu.dma_semaphore, #tpu.memory_space<semaphore_mem>>) src(%dma_wait3A_94 : memref<10000x64xf32, #tpu.memory_space<hbm>>) dst(%arg11 : memref<200x64xf32, #tpu.memory_space<vmem>>)
      %scan3A_95 = arith.constant 0 : i32
      %scan3A_96 = arith.constant 0 : i32
      %scan3A_97 = arith.constant 100 : i32
      %scan3A_98 = arith.addi %scan3A_96, %scan3A_97 : i32
      %scan3A_99 = arith.constant 1 : i32
      scf.for %scan3A_102 = %scan3A_96 to %scan3A_98 step %scan3A_99  : i32 {
        %mul3A_103 = arith.constant 2 : i32
        %mul3A_104 = arith.muli %mul3A_103, %scan3A_102 : i32
        %add3A_105 = arith.constant 0 : i32
        %add3A_106 = arith.addi %mul3A_104, %add3A_105 : i32
        %get3A = arith.index_cast %add3A_106 : i32 to index
        %get3A_107 = arith.constant 0 : index
        %get3A_108 = tpu.vector_load %arg10[%get3A, %get3A_107] {strides = array<i32>} : memref<200x64xf32, #tpu.memory_space<vmem>>, vector<1x16xf32>,
        %get3A_109 = vector.shape_cast %get3A_108 : vector<1x16xf32> to vector<16xf32>
        %mul3A_110 = arith.constant 2 : i32
        %mul3A_111 = arith.muli %mul3A_110, %scan3A_102 : i32
        %add3A_112 = arith.constant 0 : i32
        %add3A_113 = arith.addi %mul3A_111, %add3A_112 : i32
        %get3A_114 = arith.index_cast %add3A_113 : i32 to index
        %get3A_115 = arith.constant 0 : index
        %get3A_116 = tpu.vector_load %arg11[%get3A_114, %get3A_115] {strides = array<i32>} : memref<200x64xf32, #tpu.memory_space<vmem>>, vector<1x16xf32>,
        %get3A_117 = vector.shape_cast %get3A_116 : vector<1x16xf32> to vector<16xf32>
        %add3A_118 = arith.addf %get3A_109, %get3A_117 : vector<16xf32>
        %mul3A_119 = arith.constant 2 : i32
        %mul3A_120 = arith.muli %mul3A_119, %scan3A_102 : i32
        %add3A_121 = arith.constant 0 : i32
        %add3A_122 = arith.addi %mul3A_120, %add3A_121 : i32
        %swap3A = arith.index_cast %add3A_122 : i32 to index
        %swap3A_123 = arith.constant 0 : index
        %swap3A_124 = tpu.vector_load %arg12[%swap3A, %swap3A_123] {strides = array<i32>} : memref<200x64xf32, #tpu.memory_space<vmem>>, vector<1x16xf32>,
        %swap3A_125 = vector.shape_cast %swap3A_124 : vector<1x16xf32> to vector<16xf32>
        %swap3A_126 = vector.shape_cast %add3A_118 : vector<16xf32> to vector<1x16xf32>
        tpu.vector_store %arg12[%swap3A, %swap3A_123], %swap3A_126 {strides = array<i32>} : memref<200x64xf32, #tpu.memory_space<vmem>>, vector<1x16xf32>,
        %mul3A_127 = arith.constant 2 : i32
        %mul3A_128 = arith.muli %mul3A_127, %scan3A_102 : i32
        %add3A_129 = arith.constant 0 : i32
        %add3A_130 = arith.addi %mul3A_128, %add3A_129 : i32
        %get3A_131 = arith.index_cast %add3A_130 : i32 to index
        %get3A_132 = arith.constant 16 : index
        %get3A_133 = tpu.vector_load %arg10[%get3A_131, %get3A_132] {strides = array<i32>} : memref<200x64xf32, #tpu.memory_space<vmem>>, vector<1x16xf32>,
        %get3A_134 = vector.shape_cast %get3A_133 : vector<1x16xf32> to vector<16xf32>
        %mul3A_135 = arith.constant 2 : i32
        %mul3A_136 = arith.muli %mul3A_135, %scan3A_102 : i32
        %add3A_137 = arith.constant 0 : i32
        %add3A_138 = arith.addi %mul3A_136, %add3A_137 : i32
        %get3A_139 = arith.index_cast %add3A_138 : i32 to index
        %get3A_140 = arith.constant 16 : index
        %get3A_141 = tpu.vector_load %arg11[%get3A_139, %get3A_140] {strides = array<i32>} : memref<200x64xf32, #tpu.memory_space<vmem>>, vector<1x16xf32>,
        %get3A_142 = vector.shape_cast %get3A_141 : vector<1x16xf32> to vector<16xf32>
        %add3A_143 = arith.addf %get3A_134, %get3A_142 : vector<16xf32>
        %mul3A_144 = arith.constant 2 : i32
        %mul3A_145 = arith.muli %mul3A_144, %scan3A_102 : i32
        %add3A_146 = arith.constant 0 : i32
        %add3A_147 = arith.addi %mul3A_145, %add3A_146 : i32
        %swap3A_148 = arith.index_cast %add3A_147 : i32 to index
        %swap3A_149 = arith.constant 16 : index
        %swap3A_150 = tpu.vector_load %arg12[%swap3A_148, %swap3A_149] {strides = array<i32>} : memref<200x64xf32, #tpu.memory_space<vmem>>, vector<1x16xf32>,
        %swap3A_151 = vector.shape_cast %swap3A_150 : vector<1x16xf32> to vector<16xf32>
        %swap3A_152 = vector.shape_cast %add3A_143 : vector<16xf32> to vector<1x16xf32>
        tpu.vector_store %arg12[%swap3A_148, %swap3A_149], %swap3A_152 {strides = array<i32>} : memref<200x64xf32, #tpu.memory_space<vmem>>, vector<1x16xf32>,
        %mul3A_153 = arith.constant 2 : i32
        %mul3A_154 = arith.muli %mul3A_153, %scan3A_102 : i32
        %add3A_155 = arith.constant 0 : i32
        %add3A_156 = arith.addi %mul3A_154, %add3A_155 : i32
        %get3A_157 = arith.index_cast %add3A_156 : i32 to index
        %get3A_158 = arith.constant 32 : index
        %get3A_159 = tpu.vector_load %arg10[%get3A_157, %get3A_158] {strides = array<i32>} : memref<200x64xf32, #tpu.memory_space<vmem>>, vector<1x16xf32>,
        %get3A_160 = vector.shape_cast %get3A_159 : vector<1x16xf32> to vector<16xf32>
        %mul3A_161 = arith.constant 2 : i32
        %mul3A_162 = arith.muli %mul3A_161, %scan3A_102 : i32
        %add3A_163 = arith.constant 0 : i32
        %add3A_164 = arith.addi %mul3A_162, %add3A_163 : i32
        %get3A_165 = arith.index_cast %add3A_164 : i32 to index
        %get3A_166 = arith.constant 32 : index
        %get3A_167 = tpu.vector_load %arg11[%get3A_165, %get3A_166] {strides = array<i32>} : memref<200x64xf32, #tpu.memory_space<vmem>>, vector<1x16xf32>,
        %get3A_168 = vector.shape_cast %get3A_167 : vector<1x16xf32> to vector<16xf32>
        %add3A_169 = arith.addf %get3A_160, %get3A_168 : vector<16xf32>
        %mul3A_170 = arith.constant 2 : i32
        %mul3A_171 = arith.muli %mul3A_170, %scan3A_102 : i32
        %add3A_172 = arith.constant 0 : i32
        %add3A_173 = arith.addi %mul3A_171, %add3A_172 : i32
        %swap3A_174 = arith.index_cast %add3A_173 : i32 to index
        %swap3A_175 = arith.constant 32 : index
        %swap3A_176 = tpu.vector_load %arg12[%swap3A_174, %swap3A_175] {strides = array<i32>} : memref<200x64xf32, #tpu.memory_space<vmem>>, vector<1x16xf32>,
        %swap3A_177 = vector.shape_cast %swap3A_176 : vector<1x16xf32> to vector<16xf32>
        %swap3A_178 = vector.shape_cast %add3A_169 : vector<16xf32> to vector<1x16xf32>
        tpu.vector_store %arg12[%swap3A_174, %swap3A_175], %swap3A_178 {strides = array<i32>} : memref<200x64xf32, #tpu.memory_space<vmem>>, vector<1x16xf32>,
        %mul3A_179 = arith.constant 2 : i32
        %mul3A_180 = arith.muli %mul3A_179, %scan3A_102 : i32
        %add3A_181 = arith.constant 0 : i32
        %add3A_182 = arith.addi %mul3A_180, %add3A_181 : i32
        %get3A_183 = arith.index_cast %add3A_182 : i32 to index
        %get3A_184 = arith.constant 48 : index
        %get3A_185 = tpu.vector_load %arg10[%get3A_183, %get3A_184] {strides = array<i32>} : memref<200x64xf32, #tpu.memory_space<vmem>>, vector<1x16xf32>,
        %get3A_186 = vector.shape_cast %get3A_185 : vector<1x16xf32> to vector<16xf32>
        %mul3A_187 = arith.constant 2 : i32
        %mul3A_188 = arith.muli %mul3A_187, %scan3A_102 : i32
        %add3A_189 = arith.constant 0 : i32
        %add3A_190 = arith.addi %mul3A_188, %add3A_189 : i32
        %get3A_191 = arith.index_cast %add3A_190 : i32 to index
        %get3A_192 = arith.constant 48 : index
        %get3A_193 = tpu.vector_load %arg11[%get3A_191, %get3A_192] {strides = array<i32>} : memref<200x64xf32, #tpu.memory_space<vmem>>, vector<1x16xf32>,
        %get3A_194 = vector.shape_cast %get3A_193 : vector<1x16xf32> to vector<16xf32>
        %add3A_195 = arith.addf %get3A_186, %get3A_194 : vector<16xf32>
        %mul3A_196 = arith.constant 2 : i32
        %mul3A_197 = arith.muli %mul3A_196, %scan3A_102 : i32
        %add3A_198 = arith.constant 0 : i32
        %add3A_199 = arith.addi %mul3A_197, %add3A_198 : i32
        %swap3A_200 = arith.index_cast %add3A_199 : i32 to index
        %swap3A_201 = arith.constant 48 : index
        %swap3A_202 = tpu.vector_load %arg12[%swap3A_200, %swap3A_201] {strides = array<i32>} : memref<200x64xf32, #tpu.memory_space<vmem>>, vector<1x16xf32>,
        %swap3A_203 = vector.shape_cast %swap3A_202 : vector<1x16xf32> to vector<16xf32>
        %swap3A_204 = vector.shape_cast %add3A_195 : vector<16xf32> to vector<1x16xf32>
        tpu.vector_store %arg12[%swap3A_200, %swap3A_201], %swap3A_204 {strides = array<i32>} : memref<200x64xf32, #tpu.memory_space<vmem>>, vector<1x16xf32>,
        %mul3A_205 = arith.constant 2 : i32
        %mul3A_206 = arith.muli %mul3A_205, %scan3A_102 : i32
        %add3A_207 = arith.constant 1 : i32
        %add3A_208 = arith.addi %mul3A_206, %add3A_207 : i32
        %get3A_209 = arith.index_cast %add3A_208 : i32 to index
        %get3A_210 = arith.constant 0 : index
        %get3A_211 = tpu.vector_load %arg10[%get3A_209, %get3A_210] {strides = array<i32>} : memref<200x64xf32, #tpu.memory_space<vmem>>, vector<1x16xf32>,
        %get3A_212 = vector.shape_cast %get3A_211 : vector<1x16xf32> to vector<16xf32>
        %mul3A_213 = arith.constant 2 : i32
        %mul3A_214 = arith.muli %mul3A_213, %scan3A_102 : i32
        %add3A_215 = arith.constant 1 : i32
        %add3A_216 = arith.addi %mul3A_214, %add3A_215 : i32
        %get3A_217 = arith.index_cast %add3A_216 : i32 to index
        %get3A_218 = arith.constant 0 : index
        %get3A_219 = tpu.vector_load %arg11[%get3A_217, %get3A_218] {strides = array<i32>} : memref<200x64xf32, #tpu.memory_space<vmem>>, vector<1x16xf32>,
        %get3A_220 = vector.shape_cast %get3A_219 : vector<1x16xf32> to vector<16xf32>
        %add3A_221 = arith.addf %get3A_212, %get3A_220 : vector<16xf32>
        %mul3A_222 = arith.constant 2 : i32
        %mul3A_223 = arith.muli %mul3A_222, %scan3A_102 : i32
        %add3A_224 = arith.constant 1 : i32
        %add3A_225 = arith.addi %mul3A_223, %add3A_224 : i32
        %swap3A_226 = arith.index_cast %add3A_225 : i32 to index
        %swap3A_227 = arith.constant 0 : index
        %swap3A_228 = tpu.vector_load %arg12[%swap3A_226, %swap3A_227] {strides = array<i32>} : memref<200x64xf32, #tpu.memory_space<vmem>>, vector<1x16xf32>,
        %swap3A_229 = vector.shape_cast %swap3A_228 : vector<1x16xf32> to vector<16xf32>
        %swap3A_230 = vector.shape_cast %add3A_221 : vector<16xf32> to vector<1x16xf32>
        tpu.vector_store %arg12[%swap3A_226, %swap3A_227], %swap3A_230 {strides = array<i32>} : memref<200x64xf32, #tpu.memory_space<vmem>>, vector<1x16xf32>,
        %mul3A_231 = arith.constant 2 : i32
        %mul3A_232 = arith.muli %mul3A_231, %scan3A_102 : i32
        %add3A_233 = arith.constant 1 : i32
        %add3A_234 = arith.addi %mul3A_232, %add3A_233 : i32
        %get3A_235 = arith.index_cast %add3A_234 : i32 to index
        %get3A_236 = arith.constant 16 : index
        %get3A_237 = tpu.vector_load %arg10[%get3A_235, %get3A_236] {strides = array<i32>} : memref<200x64xf32, #tpu.memory_space<vmem>>, vector<1x16xf32>,
        %get3A_238 = vector.shape_cast %get3A_237 : vector<1x16xf32> to vector<16xf32>
        %mul3A_239 = arith.constant 2 : i32
        %mul3A_240 = arith.muli %mul3A_239, %scan3A_102 : i32
        %add3A_241 = arith.constant 1 : i32
        %add3A_242 = arith.addi %mul3A_240, %add3A_241 : i32
        %get3A_243 = arith.index_cast %add3A_242 : i32 to index
        %get3A_244 = arith.constant 16 : index
        %get3A_245 = tpu.vector_load %arg11[%get3A_243, %get3A_244] {strides = array<i32>} : memref<200x64xf32, #tpu.memory_space<vmem>>, vector<1x16xf32>,
        %get3A_246 = vector.shape_cast %get3A_245 : vector<1x16xf32> to vector<16xf32>
        %add3A_247 = arith.addf %get3A_238, %get3A_246 : vector<16xf32>
        %mul3A_248 = arith.constant 2 : i32
        %mul3A_249 = arith.muli %mul3A_248, %scan3A_102 : i32
        %add3A_250 = arith.constant 1 : i32
        %add3A_251 = arith.addi %mul3A_249, %add3A_250 : i32
        %swap3A_252 = arith.index_cast %add3A_251 : i32 to index
        %swap3A_253 = arith.constant 16 : index
        %swap3A_254 = tpu.vector_load %arg12[%swap3A_252, %swap3A_253] {strides = array<i32>} : memref<200x64xf32, #tpu.memory_space<vmem>>, vector<1x16xf32>,
        %swap3A_255 = vector.shape_cast %swap3A_254 : vector<1x16xf32> to vector<16xf32>
        %swap3A_256 = vector.shape_cast %add3A_247 : vector<16xf32> to vector<1x16xf32>
        tpu.vector_store %arg12[%swap3A_252, %swap3A_253], %swap3A_256 {strides = array<i32>} : memref<200x64xf32, #tpu.memory_space<vmem>>, vector<1x16xf32>,
        %mul3A_257 = arith.constant 2 : i32
        %mul3A_258 = arith.muli %mul3A_257, %scan3A_102 : i32
        %add3A_259 = arith.constant 1 : i32
        %add3A_260 = arith.addi %mul3A_258, %add3A_259 : i32
        %get3A_261 = arith.index_cast %add3A_260 : i32 to index
        %get3A_262 = arith.constant 32 : index
        %get3A_263 = tpu.vector_load %arg10[%get3A_261, %get3A_262] {strides = array<i32>} : memref<200x64xf32, #tpu.memory_space<vmem>>, vector<1x16xf32>,
        %get3A_264 = vector.shape_cast %get3A_263 : vector<1x16xf32> to vector<16xf32>
        %mul3A_265 = arith.constant 2 : i32
        %mul3A_266 = arith.muli %mul3A_265, %scan3A_102 : i32
        %add3A_267 = arith.constant 1 : i32
        %add3A_268 = arith.addi %mul3A_266, %add3A_267 : i32
        %get3A_269 = arith.index_cast %add3A_268 : i32 to index
        %get3A_270 = arith.constant 32 : index
        %get3A_271 = tpu.vector_load %arg11[%get3A_269, %get3A_270] {strides = array<i32>} : memref<200x64xf32, #tpu.memory_space<vmem>>, vector<1x16xf32>,
        %get3A_272 = vector.shape_cast %get3A_271 : vector<1x16xf32> to vector<16xf32>
        %add3A_273 = arith.addf %get3A_264, %get3A_272 : vector<16xf32>
        %mul3A_274 = arith.constant 2 : i32
        %mul3A_275 = arith.muli %mul3A_274, %scan3A_102 : i32
        %add3A_276 = arith.constant 1 : i32
        %add3A_277 = arith.addi %mul3A_275, %add3A_276 : i32
        %swap3A_278 = arith.index_cast %add3A_277 : i32 to index
        %swap3A_279 = arith.constant 32 : index
        %swap3A_280 = tpu.vector_load %arg12[%swap3A_278, %swap3A_279] {strides = array<i32>} : memref<200x64xf32, #tpu.memory_space<vmem>>, vector<1x16xf32>,
        %swap3A_281 = vector.shape_cast %swap3A_280 : vector<1x16xf32> to vector<16xf32>
        %swap3A_282 = vector.shape_cast %add3A_273 : vector<16xf32> to vector<1x16xf32>
        tpu.vector_store %arg12[%swap3A_278, %swap3A_279], %swap3A_282 {strides = array<i32>} : memref<200x64xf32, #tpu.memory_space<vmem>>, vector<1x16xf32>,
        %mul3A_283 = arith.constant 2 : i32
        %mul3A_284 = arith.muli %mul3A_283, %scan3A_102 : i32
        %add3A_285 = arith.constant 1 : i32
        %add3A_286 = arith.addi %mul3A_284, %add3A_285 : i32
        %get3A_287 = arith.index_cast %add3A_286 : i32 to index
        %get3A_288 = arith.constant 48 : index
        %get3A_289 = tpu.vector_load %arg10[%get3A_287, %get3A_288] {strides = array<i32>} : memref<200x64xf32, #tpu.memory_space<vmem>>, vector<1x16xf32>,
        %get3A_290 = vector.shape_cast %get3A_289 : vector<1x16xf32> to vector<16xf32>
        %mul3A_291 = arith.constant 2 : i32
        %mul3A_292 = arith.muli %mul3A_291, %scan3A_102 : i32
        %add3A_293 = arith.constant 1 : i32
        %add3A_294 = arith.addi %mul3A_292, %add3A_293 : i32
        %get3A_295 = arith.index_cast %add3A_294 : i32 to index
        %get3A_296 = arith.constant 48 : index
        %get3A_297 = tpu.vector_load %arg11[%get3A_295, %get3A_296] {strides = array<i32>} : memref<200x64xf32, #tpu.memory_space<vmem>>, vector<1x16xf32>,
        %get3A_298 = vector.shape_cast %get3A_297 : vector<1x16xf32> to vector<16xf32>
        %add3A_299 = arith.addf %get3A_290, %get3A_298 : vector<16xf32>
        %mul3A_300 = arith.constant 2 : i32
        %mul3A_301 = arith.muli %mul3A_300, %scan3A_102 : i32
        %add3A_302 = arith.constant 1 : i32
        %add3A_303 = arith.addi %mul3A_301, %add3A_302 : i32
        %swap3A_304 = arith.index_cast %add3A_303 : i32 to index
        %swap3A_305 = arith.constant 48 : index
        %swap3A_306 = tpu.vector_load %arg12[%swap3A_304, %swap3A_305] {strides = array<i32>} : memref<200x64xf32, #tpu.memory_space<vmem>>, vector<1x16xf32>,
        %swap3A_307 = vector.shape_cast %swap3A_306 : vector<1x16xf32> to vector<16xf32>
        %swap3A_308 = vector.shape_cast %add3A_299 : vector<16xf32> to vector<1x16xf32>
        tpu.vector_store %arg12[%swap3A_304, %swap3A_305], %swap3A_308 {strides = array<i32>} : memref<200x64xf32, #tpu.memory_space<vmem>>, vector<1x16xf32>,
      }
      %scan3A_100 = arith.constant 100 : i32
      %add3A_101 = arith.addi %mul3A_2, %mul3A_86 : i32
      "tpu.region"() ({
        %run_scoped3A_102 = tpu.sem_alloc : memref<!tpu.dma_semaphore, #tpu.memory_space<semaphore_mem>>
        %dma_start3A_103 = arith.constant 0 : i32
        %dma_start3A_104 = tpu.memref_slice %arg5[%add3A_101, %dma_start3A_103] : memref<160000x128xf32, #tpu.memory_space<hbm>> -> memref<200x64xf32, #tpu.memory_space<hbm>>
        %dma_start3A_105 = arith.constant 0 : i32
        %dma_start3A_106 = tpu.memref_slice %arg5[%add3A_101, %dma_start3A_105] : memref<160000x128xf32, #tpu.memory_space<hbm>> -> memref<200x64xf32, #tpu.memory_space<hbm>>
        tpu.enqueue_dma source(%arg12 : memref<200x64xf32, #tpu.memory_space<vmem>>) target(%dma_start3A_106 : memref<200x64xf32, #tpu.memory_space<hbm>>) target_semaphore(%run_scoped3A_102 : memref<!tpu.dma_semaphore, #tpu.memory_space<semaphore_mem>>)
        %dma_wait3A_107 = arith.constant 0 : i32
        %dma_wait3A_108 = tpu.memref_slice %arg5[%add3A_101, %dma_wait3A_107] : memref<160000x128xf32, #tpu.memory_space<hbm>> -> memref<200x64xf32, #tpu.memory_space<hbm>>
        %dma_wait3A_109 = arith.constant 0 : i32
        %dma_wait3A_110 = tpu.memref_slice %arg5[%add3A_101, %dma_wait3A_109] : memref<160000x128xf32, #tpu.memory_space<hbm>> -> memref<200x64xf32, #tpu.memory_space<hbm>>
        tpu.wait_dma2 semaphore(%run_scoped3A_102 : memref<!tpu.dma_semaphore, #tpu.memory_space<semaphore_mem>>) src(%arg12 : memref<200x64xf32, #tpu.memory_space<vmem>>) dst(%dma_wait3A_110 : memref<200x64xf32, #tpu.memory_space<hbm>>)
        tpu.yield
      }) : () -> ()
    }
    %scan3A_21 = arith.constant 12 : i32
    %dma_wait3A = arith.constant 4800 : i32
    %dma_wait3A_22 = tpu.memref_slice %arg6[%dma_wait3A] : memref<5000xi32, #tpu.memory_space<vmem>> -> memref<200xi32, #tpu.memory_space<vmem>>
    %dma_wait3A_23 = arith.constant 0 : i32
    %dma_wait3A_24 = arith.constant 0 : i32
    %dma_wait3A_25 = tpu.memref_slice %arg2[%dma_wait3A_23, %dma_wait3A_24] : memref<10000x64xf32, #tpu.memory_space<hbm>> -> memref<10000x64xf32, #tpu.memory_space<hbm>>
    tpu.wait_indirect_dma semaphore(%arg13 : memref<!tpu.dma_semaphore, #tpu.memory_space<semaphore_mem>>) src(%dma_wait3A_25 : memref<10000x64xf32, #tpu.memory_space<hbm>>) dst(%arg8 : memref<200x64xf32, #tpu.memory_space<vmem>>)
    %dma_wait3A_26 = arith.constant 4800 : i32
    %dma_wait3A_27 = tpu.memref_slice %arg7[%dma_wait3A_26] : memref<5000xi32, #tpu.memory_space<vmem>> -> memref<200xi32, #tpu.memory_space<vmem>>
    %dma_wait3A_28 = arith.constant 0 : i32
    %dma_wait3A_29 = arith.constant 0 : i32
    %dma_wait3A_30 = tpu.memref_slice %arg3[%dma_wait3A_28, %dma_wait3A_29] : memref<10000x64xf32, #tpu.memory_space<hbm>> -> memref<10000x64xf32, #tpu.memory_space<hbm>>
    tpu.wait_indirect_dma semaphore(%arg14 : memref<!tpu.dma_semaphore, #tpu.memory_space<semaphore_mem>>) src(%dma_wait3A_30 : memref<10000x64xf32, #tpu.memory_space<hbm>>) dst(%arg9 : memref<200x64xf32, #tpu.memory_space<vmem>>)
    %scan3A_31 = arith.constant 0 : i32
    %scan3A_32 = arith.constant 0 : i32
    %scan3A_33 = arith.constant 100 : i32
    %scan3A_34 = arith.addi %scan3A_32, %scan3A_33 : i32
    %scan3A_35 = arith.constant 1 : i32
    scf.for %scan3A_39 = %scan3A_32 to %scan3A_34 step %scan3A_35  : i32 {
      %mul3A_40 = arith.constant 2 : i32
      %mul3A_41 = arith.muli %mul3A_40, %scan3A_39 : i32
      %add3A_42 = arith.constant 0 : i32
      %add3A_43 = arith.addi %mul3A_41, %add3A_42 : i32
      %get3A = arith.index_cast %add3A_43 : i32 to index
      %get3A_44 = arith.constant 0 : index
      %get3A_45 = tpu.vector_load %arg8[%get3A, %get3A_44] {strides = array<i32>} : memref<200x64xf32, #tpu.memory_space<vmem>>, vector<1x16xf32>,
      %get3A_46 = vector.shape_cast %get3A_45 : vector<1x16xf32> to vector<16xf32>
      %mul3A_47 = arith.constant 2 : i32
      %mul3A_48 = arith.muli %mul3A_47, %scan3A_39 : i32
      %add3A_49 = arith.constant 0 : i32
      %add3A_50 = arith.addi %mul3A_48, %add3A_49 : i32
      %get3A_51 = arith.index_cast %add3A_50 : i32 to index
      %get3A_52 = arith.constant 0 : index
      %get3A_53 = tpu.vector_load %arg9[%get3A_51, %get3A_52] {strides = array<i32>} : memref<200x64xf32, #tpu.memory_space<vmem>>, vector<1x16xf32>,
      %get3A_54 = vector.shape_cast %get3A_53 : vector<1x16xf32> to vector<16xf32>
      %add3A_55 = arith.addf %get3A_46, %get3A_54 : vector<16xf32>
      %mul3A_56 = arith.constant 2 : i32
      %mul3A_57 = arith.muli %mul3A_56, %scan3A_39 : i32
      %add3A_58 = arith.constant 0 : i32
      %add3A_59 = arith.addi %mul3A_57, %add3A_58 : i32
      %swap3A = arith.index_cast %add3A_59 : i32 to index
      %swap3A_60 = arith.constant 0 : index
      %swap3A_61 = tpu.vector_load %arg12[%swap3A, %swap3A_60] {strides = array<i32>} : memref<200x64xf32, #tpu.memory_space<vmem>>, vector<1x16xf32>,
      %swap3A_62 = vector.shape_cast %swap3A_61 : vector<1x16xf32> to vector<16xf32>
      %swap3A_63 = vector.shape_cast %add3A_55 : vector<16xf32> to vector<1x16xf32>
      tpu.vector_store %arg12[%swap3A, %swap3A_60], %swap3A_63 {strides = array<i32>} : memref<200x64xf32, #tpu.memory_space<vmem>>, vector<1x16xf32>,
      %mul3A_64 = arith.constant 2 : i32
      %mul3A_65 = arith.muli %mul3A_64, %scan3A_39 : i32
      %add3A_66 = arith.constant 0 : i32
      %add3A_67 = arith.addi %mul3A_65, %add3A_66 : i32
      %get3A_68 = arith.index_cast %add3A_67 : i32 to index
      %get3A_69 = arith.constant 16 : index
      %get3A_70 = tpu.vector_load %arg8[%get3A_68, %get3A_69] {strides = array<i32>} : memref<200x64xf32, #tpu.memory_space<vmem>>, vector<1x16xf32>,
      %get3A_71 = vector.shape_cast %get3A_70 : vector<1x16xf32> to vector<16xf32>
      %mul3A_72 = arith.constant 2 : i32
      %mul3A_73 = arith.muli %mul3A_72, %scan3A_39 : i32
      %add3A_74 = arith.constant 0 : i32
      %add3A_75 = arith.addi %mul3A_73, %add3A_74 : i32
      %get3A_76 = arith.index_cast %add3A_75 : i32 to index
      %get3A_77 = arith.constant 16 : index
      %get3A_78 = tpu.vector_load %arg9[%get3A_76, %get3A_77] {strides = array<i32>} : memref<200x64xf32, #tpu.memory_space<vmem>>, vector<1x16xf32>,
      %get3A_79 = vector.shape_cast %get3A_78 : vector<1x16xf32> to vector<16xf32>
      %add3A_80 = arith.addf %get3A_71, %get3A_79 : vector<16xf32>
      %mul3A_81 = arith.constant 2 : i32
      %mul3A_82 = arith.muli %mul3A_81, %scan3A_39 : i32
      %add3A_83 = arith.constant 0 : i32
      %add3A_84 = arith.addi %mul3A_82, %add3A_83 : i32
      %swap3A_85 = arith.index_cast %add3A_84 : i32 to index
      %swap3A_86 = arith.constant 16 : index
      %swap3A_87 = tpu.vector_load %arg12[%swap3A_85, %swap3A_86] {strides = array<i32>} : memref<200x64xf32, #tpu.memory_space<vmem>>, vector<1x16xf32>,
      %swap3A_88 = vector.shape_cast %swap3A_87 : vector<1x16xf32> to vector<16xf32>
      %swap3A_89 = vector.shape_cast %add3A_80 : vector<16xf32> to vector<1x16xf32>
      tpu.vector_store %arg12[%swap3A_85, %swap3A_86], %swap3A_89 {strides = array<i32>} : memref<200x64xf32, #tpu.memory_space<vmem>>, vector<1x16xf32>,
      %mul3A_90 = arith.constant 2 : i32
      %mul3A_91 = arith.muli %mul3A_90, %scan3A_39 : i32
      %add3A_92 = arith.constant 0 : i32
      %add3A_93 = arith.addi %mul3A_91, %add3A_92 : i32
      %get3A_94 = arith.index_cast %add3A_93 : i32 to index
      %get3A_95 = arith.constant 32 : index
      %get3A_96 = tpu.vector_load %arg8[%get3A_94, %get3A_95] {strides = array<i32>} : memref<200x64xf32, #tpu.memory_space<vmem>>, vector<1x16xf32>,
      %get3A_97 = vector.shape_cast %get3A_96 : vector<1x16xf32> to vector<16xf32>
      %mul3A_98 = arith.constant 2 : i32
      %mul3A_99 = arith.muli %mul3A_98, %scan3A_39 : i32
      %add3A_100 = arith.constant 0 : i32
      %add3A_101 = arith.addi %mul3A_99, %add3A_100 : i32
      %get3A_102 = arith.index_cast %add3A_101 : i32 to index
      %get3A_103 = arith.constant 32 : index
      %get3A_104 = tpu.vector_load %arg9[%get3A_102, %get3A_103] {strides = array<i32>} : memref<200x64xf32, #tpu.memory_space<vmem>>, vector<1x16xf32>,
      %get3A_105 = vector.shape_cast %get3A_104 : vector<1x16xf32> to vector<16xf32>
      %add3A_106 = arith.addf %get3A_97, %get3A_105 : vector<16xf32>
      %mul3A_107 = arith.constant 2 : i32
      %mul3A_108 = arith.muli %mul3A_107, %scan3A_39 : i32
      %add3A_109 = arith.constant 0 : i32
      %add3A_110 = arith.addi %mul3A_108, %add3A_109 : i32
      %swap3A_111 = arith.index_cast %add3A_110 : i32 to index
      %swap3A_112 = arith.constant 32 : index
      %swap3A_113 = tpu.vector_load %arg12[%swap3A_111, %swap3A_112] {strides = array<i32>} : memref<200x64xf32, #tpu.memory_space<vmem>>, vector<1x16xf32>,
      %swap3A_114 = vector.shape_cast %swap3A_113 : vector<1x16xf32> to vector<16xf32>
      %swap3A_115 = vector.shape_cast %add3A_106 : vector<16xf32> to vector<1x16xf32>
      tpu.vector_store %arg12[%swap3A_111, %swap3A_112], %swap3A_115 {strides = array<i32>} : memref<200x64xf32, #tpu.memory_space<vmem>>, vector<1x16xf32>,
      %mul3A_116 = arith.constant 2 : i32
      %mul3A_117 = arith.muli %mul3A_116, %scan3A_39 : i32
      %add3A_118 = arith.constant 0 : i32
      %add3A_119 = arith.addi %mul3A_117, %add3A_118 : i32
      %get3A_120 = arith.index_cast %add3A_119 : i32 to index
      %get3A_121 = arith.constant 48 : index
      %get3A_122 = tpu.vector_load %arg8[%get3A_120, %get3A_121] {strides = array<i32>} : memref<200x64xf32, #tpu.memory_space<vmem>>, vector<1x16xf32>,
      %get3A_123 = vector.shape_cast %get3A_122 : vector<1x16xf32> to vector<16xf32>
      %mul3A_124 = arith.constant 2 : i32
      %mul3A_125 = arith.muli %mul3A_124, %scan3A_39 : i32
      %add3A_126 = arith.constant 0 : i32
      %add3A_127 = arith.addi %mul3A_125, %add3A_126 : i32
      %get3A_128 = arith.index_cast %add3A_127 : i32 to index
      %get3A_129 = arith.constant 48 : index
      %get3A_130 = tpu.vector_load %arg9[%get3A_128, %get3A_129] {strides = array<i32>} : memref<200x64xf32, #tpu.memory_space<vmem>>, vector<1x16xf32>,
      %get3A_131 = vector.shape_cast %get3A_130 : vector<1x16xf32> to vector<16xf32>
      %add3A_132 = arith.addf %get3A_123, %get3A_131 : vector<16xf32>
      %mul3A_133 = arith.constant 2 : i32
      %mul3A_134 = arith.muli %mul3A_133, %scan3A_39 : i32
      %add3A_135 = arith.constant 0 : i32
      %add3A_136 = arith.addi %mul3A_134, %add3A_135 : i32
      %swap3A_137 = arith.index_cast %add3A_136 : i32 to index
      %swap3A_138 = arith.constant 48 : index
      %swap3A_139 = tpu.vector_load %arg12[%swap3A_137, %swap3A_138] {strides = array<i32>} : memref<200x64xf32, #tpu.memory_space<vmem>>, vector<1x16xf32>,
      %swap3A_140 = vector.shape_cast %swap3A_139 : vector<1x16xf32> to vector<16xf32>
      %swap3A_141 = vector.shape_cast %add3A_132 : vector<16xf32> to vector<1x16xf32>
      tpu.vector_store %arg12[%swap3A_137, %swap3A_138], %swap3A_141 {strides = array<i32>} : memref<200x64xf32, #tpu.memory_space<vmem>>, vector<1x16xf32>,
      %mul3A_142 = arith.constant 2 : i32
      %mul3A_143 = arith.muli %mul3A_142, %scan3A_39 : i32
      %add3A_144 = arith.constant 1 : i32
      %add3A_145 = arith.addi %mul3A_143, %add3A_144 : i32
      %get3A_146 = arith.index_cast %add3A_145 : i32 to index
      %get3A_147 = arith.constant 0 : index
      %get3A_148 = tpu.vector_load %arg8[%get3A_146, %get3A_147] {strides = array<i32>} : memref<200x64xf32, #tpu.memory_space<vmem>>, vector<1x16xf32>,
      %get3A_149 = vector.shape_cast %get3A_148 : vector<1x16xf32> to vector<16xf32>
      %mul3A_150 = arith.constant 2 : i32
      %mul3A_151 = arith.muli %mul3A_150, %scan3A_39 : i32
      %add3A_152 = arith.constant 1 : i32
      %add3A_153 = arith.addi %mul3A_151, %add3A_152 : i32
      %get3A_154 = arith.index_cast %add3A_153 : i32 to index
      %get3A_155 = arith.constant 0 : index
      %get3A_156 = tpu.vector_load %arg9[%get3A_154, %get3A_155] {strides = array<i32>} : memref<200x64xf32, #tpu.memory_space<vmem>>, vector<1x16xf32>,
      %get3A_157 = vector.shape_cast %get3A_156 : vector<1x16xf32> to vector<16xf32>
      %add3A_158 = arith.addf %get3A_149, %get3A_157 : vector<16xf32>
      %mul3A_159 = arith.constant 2 : i32
      %mul3A_160 = arith.muli %mul3A_159, %scan3A_39 : i32
      %add3A_161 = arith.constant 1 : i32
      %add3A_162 = arith.addi %mul3A_160, %add3A_161 : i32
      %swap3A_163 = arith.index_cast %add3A_162 : i32 to index
      %swap3A_164 = arith.constant 0 : index
      %swap3A_165 = tpu.vector_load %arg12[%swap3A_163, %swap3A_164] {strides = array<i32>} : memref<200x64xf32, #tpu.memory_space<vmem>>, vector<1x16xf32>,
      %swap3A_166 = vector.shape_cast %swap3A_165 : vector<1x16xf32> to vector<16xf32>
      %swap3A_167 = vector.shape_cast %add3A_158 : vector<16xf32> to vector<1x16xf32>
      tpu.vector_store %arg12[%swap3A_163, %swap3A_164], %swap3A_167 {strides = array<i32>} : memref<200x64xf32, #tpu.memory_space<vmem>>, vector<1x16xf32>,
      %mul3A_168 = arith.constant 2 : i32
      %mul3A_169 = arith.muli %mul3A_168, %scan3A_39 : i32
      %add3A_170 = arith.constant 1 : i32
      %add3A_171 = arith.addi %mul3A_169, %add3A_170 : i32
      %get3A_172 = arith.index_cast %add3A_171 : i32 to index
      %get3A_173 = arith.constant 16 : index
      %get3A_174 = tpu.vector_load %arg8[%get3A_172, %get3A_173] {strides = array<i32>} : memref<200x64xf32, #tpu.memory_space<vmem>>, vector<1x16xf32>,
      %get3A_175 = vector.shape_cast %get3A_174 : vector<1x16xf32> to vector<16xf32>
      %mul3A_176 = arith.constant 2 : i32
      %mul3A_177 = arith.muli %mul3A_176, %scan3A_39 : i32
      %add3A_178 = arith.constant 1 : i32
      %add3A_179 = arith.addi %mul3A_177, %add3A_178 : i32
      %get3A_180 = arith.index_cast %add3A_179 : i32 to index
      %get3A_181 = arith.constant 16 : index
      %get3A_182 = tpu.vector_load %arg9[%get3A_180, %get3A_181] {strides = array<i32>} : memref<200x64xf32, #tpu.memory_space<vmem>>, vector<1x16xf32>,
      %get3A_183 = vector.shape_cast %get3A_182 : vector<1x16xf32> to vector<16xf32>
      %add3A_184 = arith.addf %get3A_175, %get3A_183 : vector<16xf32>
      %mul3A_185 = arith.constant 2 : i32
      %mul3A_186 = arith.muli %mul3A_185, %scan3A_39 : i32
      %add3A_187 = arith.constant 1 : i32
      %add3A_188 = arith.addi %mul3A_186, %add3A_187 : i32
      %swap3A_189 = arith.index_cast %add3A_188 : i32 to index
      %swap3A_190 = arith.constant 16 : index
      %swap3A_191 = tpu.vector_load %arg12[%swap3A_189, %swap3A_190] {strides = array<i32>} : memref<200x64xf32, #tpu.memory_space<vmem>>, vector<1x16xf32>,
      %swap3A_192 = vector.shape_cast %swap3A_191 : vector<1x16xf32> to vector<16xf32>
      %swap3A_193 = vector.shape_cast %add3A_184 : vector<16xf32> to vector<1x16xf32>
      tpu.vector_store %arg12[%swap3A_189, %swap3A_190], %swap3A_193 {strides = array<i32>} : memref<200x64xf32, #tpu.memory_space<vmem>>, vector<1x16xf32>,
      %mul3A_194 = arith.constant 2 : i32
      %mul3A_195 = arith.muli %mul3A_194, %scan3A_39 : i32
      %add3A_196 = arith.constant 1 : i32
      %add3A_197 = arith.addi %mul3A_195, %add3A_196 : i32
      %get3A_198 = arith.index_cast %add3A_197 : i32 to index
      %get3A_199 = arith.constant 32 : index
      %get3A_200 = tpu.vector_load %arg8[%get3A_198, %get3A_199] {strides = array<i32>} : memref<200x64xf32, #tpu.memory_space<vmem>>, vector<1x16xf32>,
      %get3A_201 = vector.shape_cast %get3A_200 : vector<1x16xf32> to vector<16xf32>
      %mul3A_202 = arith.constant 2 : i32
      %mul3A_203 = arith.muli %mul3A_202, %scan3A_39 : i32
      %add3A_204 = arith.constant 1 : i32
      %add3A_205 = arith.addi %mul3A_203, %add3A_204 : i32
      %get3A_206 = arith.index_cast %add3A_205 : i32 to index
      %get3A_207 = arith.constant 32 : index
      %get3A_208 = tpu.vector_load %arg9[%get3A_206, %get3A_207] {strides = array<i32>} : memref<200x64xf32, #tpu.memory_space<vmem>>, vector<1x16xf32>,
      %get3A_209 = vector.shape_cast %get3A_208 : vector<1x16xf32> to vector<16xf32>
      %add3A_210 = arith.addf %get3A_201, %get3A_209 : vector<16xf32>
      %mul3A_211 = arith.constant 2 : i32
      %mul3A_212 = arith.muli %mul3A_211, %scan3A_39 : i32
      %add3A_213 = arith.constant 1 : i32
      %add3A_214 = arith.addi %mul3A_212, %add3A_213 : i32
      %swap3A_215 = arith.index_cast %add3A_214 : i32 to index
      %swap3A_216 = arith.constant 32 : index
      %swap3A_217 = tpu.vector_load %arg12[%swap3A_215, %swap3A_216] {strides = array<i32>} : memref<200x64xf32, #tpu.memory_space<vmem>>, vector<1x16xf32>,
      %swap3A_218 = vector.shape_cast %swap3A_217 : vector<1x16xf32> to vector<16xf32>
      %swap3A_219 = vector.shape_cast %add3A_210 : vector<16xf32> to vector<1x16xf32>
      tpu.vector_store %arg12[%swap3A_215, %swap3A_216], %swap3A_219 {strides = array<i32>} : memref<200x64xf32, #tpu.memory_space<vmem>>, vector<1x16xf32>,
      %mul3A_220 = arith.constant 2 : i32
      %mul3A_221 = arith.muli %mul3A_220, %scan3A_39 : i32
      %add3A_222 = arith.constant 1 : i32
      %add3A_223 = arith.addi %mul3A_221, %add3A_222 : i32
      %get3A_224 = arith.index_cast %add3A_223 : i32 to index
      %get3A_225 = arith.constant 48 : index
      %get3A_226 = tpu.vector_load %arg8[%get3A_224, %get3A_225] {strides = array<i32>} : memref<200x64xf32, #tpu.memory_space<vmem>>, vector<1x16xf32>,
      %get3A_227 = vector.shape_cast %get3A_226 : vector<1x16xf32> to vector<16xf32>
      %mul3A_228 = arith.constant 2 : i32
      %mul3A_229 = arith.muli %mul3A_228, %scan3A_39 : i32
      %add3A_230 = arith.constant 1 : i32
      %add3A_231 = arith.addi %mul3A_229, %add3A_230 : i32
      %get3A_232 = arith.index_cast %add3A_231 : i32 to index
      %get3A_233 = arith.constant 48 : index
      %get3A_234 = tpu.vector_load %arg9[%get3A_232, %get3A_233] {strides = array<i32>} : memref<200x64xf32, #tpu.memory_space<vmem>>, vector<1x16xf32>,
      %get3A_235 = vector.shape_cast %get3A_234 : vector<1x16xf32> to vector<16xf32>
      %add3A_236 = arith.addf %get3A_227, %get3A_235 : vector<16xf32>
      %mul3A_237 = arith.constant 2 : i32
      %mul3A_238 = arith.muli %mul3A_237, %scan3A_39 : i32
      %add3A_239 = arith.constant 1 : i32
      %add3A_240 = arith.addi %mul3A_238, %add3A_239 : i32
      %swap3A_241 = arith.index_cast %add3A_240 : i32 to index
      %swap3A_242 = arith.constant 48 : index
      %swap3A_243 = tpu.vector_load %arg12[%swap3A_241, %swap3A_242] {strides = array<i32>} : memref<200x64xf32, #tpu.memory_space<vmem>>, vector<1x16xf32>,
      %swap3A_244 = vector.shape_cast %swap3A_243 : vector<1x16xf32> to vector<16xf32>
      %swap3A_245 = vector.shape_cast %add3A_236 : vector<16xf32> to vector<1x16xf32>
      tpu.vector_store %arg12[%swap3A_241, %swap3A_242], %swap3A_245 {strides = array<i32>} : memref<200x64xf32, #tpu.memory_space<vmem>>, vector<1x16xf32>,
    }
    %scan3A_36 = arith.constant 100 : i32
    %add3A_37 = arith.constant 4800 : i32
    %add3A_38 = arith.addi %mul3A_2, %add3A_37 : i32
    "tpu.region"() ({
      %run_scoped3A_39 = tpu.sem_alloc : memref<!tpu.dma_semaphore, #tpu.memory_space<semaphore_mem>>
      %dma_start3A_40 = arith.constant 0 : i32
      %dma_start3A_41 = tpu.memref_slice %arg5[%add3A_38, %dma_start3A_40] : memref<160000x128xf32, #tpu.memory_space<hbm>> -> memref<200x64xf32, #tpu.memory_space<hbm>>
      %dma_start3A_42 = arith.constant 0 : i32
      %dma_start3A_43 = tpu.memref_slice %arg5[%add3A_38, %dma_start3A_42] : memref<160000x128xf32, #tpu.memory_space<hbm>> -> memref<200x64xf32, #tpu.memory_space<hbm>>
      tpu.enqueue_dma source(%arg12 : memref<200x64xf32, #tpu.memory_space<vmem>>) target(%dma_start3A_43 : memref<200x64xf32, #tpu.memory_space<hbm>>) target_semaphore(%run_scoped3A_39 : memref<!tpu.dma_semaphore, #tpu.memory_space<semaphore_mem>>)
      %dma_wait3A_44 = arith.constant 0 : i32
      %dma_wait3A_45 = tpu.memref_slice %arg5[%add3A_38, %dma_wait3A_44] : memref<160000x128xf32, #tpu.memory_space<hbm>> -> memref<200x64xf32, #tpu.memory_space<hbm>>
      %dma_wait3A_46 = arith.constant 0 : i32
      %dma_wait3A_47 = tpu.memref_slice %arg5[%add3A_38, %dma_wait3A_46] : memref<160000x128xf32, #tpu.memory_space<hbm>> -> memref<200x64xf32, #tpu.memory_space<hbm>>
      tpu.wait_dma2 semaphore(%run_scoped3A_39 : memref<!tpu.dma_semaphore, #tpu.memory_space<semaphore_mem>>) src(%arg12 : memref<200x64xf32, #tpu.memory_space<vmem>>) dst(%dma_wait3A_47 : memref<200x64xf32, #tpu.memory_space<hbm>>)
      tpu.yield
    }) : () -> ()
    return
  }
}

#map = affine_map<(d0, d1) -> (0, 0)>
module attributes {stable_mosaic.version = 14 : i64} {
  func.func @gather_add(%arg0: i32, %arg1: i32, %arg2: memref<10000x64xf32, #tpu.memory_space<hbm>>, %arg3: memref<10000x64xf32, #tpu.memory_space<hbm>>, %arg4: memref<2x320000xi32, #tpu.memory_space<hbm>>, %arg5: memref<160000x128xf32, #tpu.memory_space<hbm>>, %arg6: memref<5000xi32, #tpu.memory_space<vmem>>, %arg7: memref<5000xi32, #tpu.memory_space<vmem>>, %arg8: memref<200x64xf32, #tpu.memory_space<vmem>>, %arg9: memref<200x64xf32, #tpu.memory_space<vmem>>, %arg10: memref<200x64xf32, #tpu.memory_space<vmem>>, %arg11: memref<200x64xf32, #tpu.memory_space<vmem>>, %arg12: memref<200x64xf32, #tpu.memory_space<vmem>>, %arg13: memref<!tpu.dma_semaphore, #tpu.memory_space<semaphore_mem>>, %arg14: memref<!tpu.dma_semaphore, #tpu.memory_space<semaphore_mem>>, %arg15: memref<!tpu.dma_semaphore, #tpu.memory_space<semaphore_mem>>, %arg16: memref<!tpu.dma_semaphore, #tpu.memory_space<semaphore_mem>>) attributes {dimension_semantics = [#tpu.dimension_semantics<core_parallel>, #tpu.dimension_semantics<subcore_parallel>], iteration_bounds = array<i64: 2, 16>, scalar_prefetch = 0 : i64, scratch_operands = 11 : i64, tpu.core_type = #tpu.core_type<sc_vector_subcore>, window_params = [{transform_indices = #map}, {transform_indices = #map}, {transform_indices = #map}, {transform_indices = #map}]} {
    %mul3A = arith.constant 2 : i32
    %mul3A_0 = arith.muli %arg1, %mul3A : i32
    %add3A = arith.addi %mul3A_0, %arg0 : i32
    %mul3A_1 = arith.constant 5000 : i32
    %mul3A_2 = arith.muli %add3A, %mul3A_1 : i32
    %add3A_3 = arith.constant 0 : i32
    %add3A_4 = arith.addi %add3A_3, %mul3A_2 : i32
    %run_scoped3A = arith.constant 0 : i32
    "tpu.region"() ({
      %run_scoped3A_39 = tpu.sem_alloc : memref<!tpu.dma_semaphore, #tpu.memory_space<semaphore_mem>>
      %dma_start3A_40 = tpu.memref_slice %arg4[%run_scoped3A, %add3A_4] : memref<2x320000xi32, #tpu.memory_space<hbm>> -> memref<1x5000xi32, #tpu.memory_space<hbm>>
      %dma_start3A_41 = tpu.memref_squeeze %dma_start3A_40 : memref<1x5000xi32, #tpu.memory_space<hbm>> -> memref<5000xi32, #tpu.memory_space<hbm>>
      %dma_start3A_42 = tpu.memref_slice %arg4[%run_scoped3A, %add3A_4] : memref<2x320000xi32, #tpu.memory_space<hbm>> -> memref<1x5000xi32, #tpu.memory_space<hbm>>
      %dma_start3A_43 = tpu.memref_squeeze %dma_start3A_42 : memref<1x5000xi32, #tpu.memory_space<hbm>> -> memref<5000xi32, #tpu.memory_space<hbm>>
      tpu.enqueue_dma source(%dma_start3A_43 : memref<5000xi32, #tpu.memory_space<hbm>>) target(%arg6 : memref<5000xi32, #tpu.memory_space<vmem>>) target_semaphore(%run_scoped3A_39 : memref<!tpu.dma_semaphore, #tpu.memory_space<semaphore_mem>>)
      %dma_wait3A_44 = tpu.memref_slice %arg4[%run_scoped3A, %add3A_4] : memref<2x320000xi32, #tpu.memory_space<hbm>> -> memref<1x5000xi32, #tpu.memory_space<hbm>>
      %dma_wait3A_45 = tpu.memref_squeeze %dma_wait3A_44 : memref<1x5000xi32, #tpu.memory_space<hbm>> -> memref<5000xi32, #tpu.memory_space<hbm>>
      %dma_wait3A_46 = tpu.memref_slice %arg4[%run_scoped3A, %add3A_4] : memref<2x320000xi32, #tpu.memory_space<hbm>> -> memref<1x5000xi32, #tpu.memory_space<hbm>>
      %dma_wait3A_47 = tpu.memref_squeeze %dma_wait3A_46 : memref<1x5000xi32, #tpu.memory_space<hbm>> -> memref<5000xi32, #tpu.memory_space<hbm>>
      tpu.wait_dma2 semaphore(%run_scoped3A_39 : memref<!tpu.dma_semaphore, #tpu.memory_space<semaphore_mem>>) src(%dma_wait3A_47 : memref<5000xi32, #tpu.memory_space<hbm>>) dst(%arg6 : memref<5000xi32, #tpu.memory_space<vmem>>)
      tpu.yield
    }) : () -> ()
    %add3A_5 = arith.constant 0 : i32
    %add3A_6 = arith.addi %add3A_5, %mul3A_2 : i32
    %run_scoped3A_7 = arith.constant 1 : i32
    "tpu.region"() ({
      %run_scoped3A_39 = tpu.sem_alloc : memref<!tpu.dma_semaphore, #tpu.memory_space<semaphore_mem>>
      %dma_start3A_40 = tpu.memref_slice %arg4[%run_scoped3A_7, %add3A_6] : memref<2x320000xi32, #tpu.memory_space<hbm>> -> memref<1x5000xi32, #tpu.memory_space<hbm>>
      %dma_start3A_41 = tpu.memref_squeeze %dma_start3A_40 : memref<1x5000xi32, #tpu.memory_space<hbm>> -> memref<5000xi32, #tpu.memory_space<hbm>>
      %dma_start3A_42 = tpu.memref_slice %arg4[%run_scoped3A_7, %add3A_6] : memref<2x320000xi32, #tpu.memory_space<hbm>> -> memref<1x5000xi32, #tpu.memory_space<hbm>>
      %dma_start3A_43 = tpu.memref_squeeze %dma_start3A_42 : memref<1x5000xi32, #tpu.memory_space<hbm>> -> memref<5000xi32, #tpu.memory_space<hbm>>
      tpu.enqueue_dma source(%dma_start3A_43 : memref<5000xi32, #tpu.memory_space<hbm>>) target(%arg7 : memref<5000xi32, #tpu.memory_space<vmem>>) target_semaphore(%run_scoped3A_39 : memref<!tpu.dma_semaphore, #tpu.memory_space<semaphore_mem>>)
      %dma_wait3A_44 = tpu.memref_slice %arg4[%run_scoped3A_7, %add3A_6] : memref<2x320000xi32, #tpu.memory_space<hbm>> -> memref<1x5000xi32, #tpu.memory_space<hbm>>
      %dma_wait3A_45 = tpu.memref_squeeze %dma_wait3A_44 : memref<1x5000xi32, #tpu.memory_space<hbm>> -> memref<5000xi32, #tpu.memory_space<hbm>>
      %dma_wait3A_46 = tpu.memref_slice %arg4[%run_scoped3A_7, %add3A_6] : memref<2x320000xi32, #tpu.memory_space<hbm>> -> memref<1x5000xi32, #tpu.memory_space<hbm>>
      %dma_wait3A_47 = tpu.memref_squeeze %dma_wait3A_46 : memref<1x5000xi32, #tpu.memory_space<hbm>> -> memref<5000xi32, #tpu.memory_space<hbm>>
      tpu.wait_dma2 semaphore(%run_scoped3A_39 : memref<!tpu.dma_semaphore, #tpu.memory_space<semaphore_mem>>) src(%dma_wait3A_47 : memref<5000xi32, #tpu.memory_space<hbm>>) dst(%arg7 : memref<5000xi32, #tpu.memory_space<vmem>>)
      tpu.yield
    }) : () -> ()
    %dma_start3A = arith.constant 0 : i32
    %dma_start3A_8 = tpu.memref_slice %arg6[%dma_start3A] : memref<5000xi32, #tpu.memory_space<vmem>> -> memref<200xi32, #tpu.memory_space<vmem>>
    %dma_start3A_9 = arith.constant 0 : i32
    %dma_start3A_10 = arith.constant 0 : i32
    %dma_start3A_11 = tpu.memref_slice %arg2[%dma_start3A_9, %dma_start3A_10] : memref<10000x64xf32, #tpu.memory_space<hbm>> -> memref<10000x64xf32, #tpu.memory_space<hbm>>
    tpu.enqueue_indirect_dma source(%dma_start3A_11 : memref<10000x64xf32, #tpu.memory_space<hbm>>) target(%arg8 : memref<200x64xf32, #tpu.memory_space<vmem>>) offsets(%dma_start3A_8 : memref<200xi32, #tpu.memory_space<vmem>>) semaphore(%arg13 : memref<!tpu.dma_semaphore, #tpu.memory_space<semaphore_mem>>)
    %dma_start3A_12 = arith.constant 0 : i32
    %dma_start3A_13 = tpu.memref_slice %arg7[%dma_start3A_12] : memref<5000xi32, #tpu.memory_space<vmem>> -> memref<200xi32, #tpu.memory_space<vmem>>
    %dma_start3A_14 = arith.constant 0 : i32
    %dma_start3A_15 = arith.constant 0 : i32
    %dma_start3A_16 = tpu.memref_slice %arg3[%dma_start3A_14, %dma_start3A_15] : memref<10000x64xf32, #tpu.memory_space<hbm>> -> memref<10000x64xf32, #tpu.memory_space<hbm>>
    tpu.enqueue_indirect_dma source(%dma_start3A_16 : memref<10000x64xf32, #tpu.memory_space<hbm>>) target(%arg9 : memref<200x64xf32, #tpu.memory_space<vmem>>) offsets(%dma_start3A_13 : memref<200xi32, #tpu.memory_space<vmem>>) semaphore(%arg14 : memref<!tpu.dma_semaphore, #tpu.memory_space<semaphore_mem>>)
    %scan3A = arith.constant 0 : i32
    %scan3A_17 = arith.constant 0 : i32
    %scan3A_18 = arith.constant 12 : i32
    %scan3A_19 = arith.addi %scan3A_17, %scan3A_18 : i32
    %scan3A_20 = arith.constant 1 : i32
    scf.for %scan3A_39 = %scan3A_17 to %scan3A_19 step %scan3A_20  : i32 {
      %mul3A_40 = arith.constant 2 : i32
      %mul3A_41 = arith.muli %mul3A_40, %scan3A_39 : i32
      %add3A_42 = arith.constant 1 : i32
      %add3A_43 = arith.addi %mul3A_41, %add3A_42 : i32
      %mul3A_44 = arith.constant 200 : i32
      %mul3A_45 = arith.muli %add3A_43, %mul3A_44 : i32
      %dma_start3A_46 = tpu.memref_slice %arg6[%mul3A_45] : memref<5000xi32, #tpu.memory_space<vmem>> -> memref<200xi32, #tpu.memory_space<vmem>>
      %dma_start3A_47 = arith.constant 0 : i32
      %dma_start3A_48 = arith.constant 0 : i32
      %dma_start3A_49 = tpu.memref_slice %arg2[%dma_start3A_47, %dma_start3A_48] : memref<10000x64xf32, #tpu.memory_space<hbm>> -> memref<10000x64xf32, #tpu.memory_space<hbm>>
      tpu.enqueue_indirect_dma source(%dma_start3A_49 : memref<10000x64xf32, #tpu.memory_space<hbm>>) target(%arg10 : memref<200x64xf32, #tpu.memory_space<vmem>>) offsets(%dma_start3A_46 : memref<200xi32, #tpu.memory_space<vmem>>) semaphore(%arg15 : memref<!tpu.dma_semaphore, #tpu.memory_space<semaphore_mem>>)
      %dma_start3A_50 = tpu.memref_slice %arg7[%mul3A_45] : memref<5000xi32, #tpu.memory_space<vmem>> -> memref<200xi32, #tpu.memory_space<vmem>>
      %dma_start3A_51 = arith.constant 0 : i32
      %dma_start3A_52 = arith.constant 0 : i32
      %dma_start3A_53 = tpu.memref_slice %arg3[%dma_start3A_51, %dma_start3A_52] : memref<10000x64xf32, #tpu.memory_space<hbm>> -> memref<10000x64xf32, #tpu.memory_space<hbm>>
      tpu.enqueue_indirect_dma source(%dma_start3A_53 : memref<10000x64xf32, #tpu.memory_space<hbm>>) target(%arg11 : memref<200x64xf32, #tpu.memory_space<vmem>>) offsets(%dma_start3A_50 : memref<200xi32, #tpu.memory_space<vmem>>) semaphore(%arg16 : memref<!tpu.dma_semaphore, #tpu.memory_space<semaphore_mem>>)
      %mul3A_54 = arith.constant 200 : i32
      %mul3A_55 = arith.muli %mul3A_41, %mul3A_54 : i32
      %dma_wait3A_56 = tpu.memref_slice %arg6[%mul3A_55] : memref<5000xi32, #tpu.memory_space<vmem>> -> memref<200xi32, #tpu.memory_space<vmem>>
      %dma_wait3A_57 = arith.constant 0 : i32
      %dma_wait3A_58 = arith.constant 0 : i32
      %dma_wait3A_59 = tpu.memref_slice %arg2[%dma_wait3A_57, %dma_wait3A_58] : memref<10000x64xf32, #tpu.memory_space<hbm>> -> memref<10000x64xf32, #tpu.memory_space<hbm>>
      tpu.wait_indirect_dma semaphore(%arg13 : memref<!tpu.dma_semaphore, #tpu.memory_space<semaphore_mem>>) src(%dma_wait3A_59 : memref<10000x64xf32, #tpu.memory_space<hbm>>) dst(%arg8 : memref<200x64xf32, #tpu.memory_space<vmem>>)
      %dma_wait3A_60 = tpu.memref_slice %arg7[%mul3A_55] : memref<5000xi32, #tpu.memory_space<vmem>> -> memref<200xi32, #tpu.memory_space<vmem>>
      %dma_wait3A_61 = arith.constant 0 : i32
      %dma_wait3A_62 = arith.constant 0 : i32
      %dma_wait3A_63 = tpu.memref_slice %arg3[%dma_wait3A_61, %dma_wait3A_62] : memref<10000x64xf32, #tpu.memory_space<hbm>> -> memref<10000x64xf32, #tpu.memory_space<hbm>>
      tpu.wait_indirect_dma semaphore(%arg14 : memref<!tpu.dma_semaphore, #tpu.memory_space<semaphore_mem>>) src(%dma_wait3A_63 : memref<10000x64xf32, #tpu.memory_space<hbm>>) dst(%arg9 : memref<200x64xf32, #tpu.memory_space<vmem>>)
      %scan3A_64 = arith.constant 0 : i32
      %scan3A_65 = arith.constant 0 : i32
      %scan3A_66 = arith.constant 100 : i32
      %scan3A_67 = arith.addi %scan3A_65, %scan3A_66 : i32
      %scan3A_68 = arith.constant 1 : i32
      scf.for %scan3A_102 = %scan3A_65 to %scan3A_67 step %scan3A_68  : i32 {
        %mul3A_103 = arith.constant 2 : i32
        %mul3A_104 = arith.muli %mul3A_103, %scan3A_102 : i32
        %add3A_105 = arith.constant 0 : i32
        %add3A_106 = arith.addi %mul3A_104, %add3A_105 : i32
        %get3A = arith.index_cast %add3A_106 : i32 to index
        %get3A_107 = arith.constant 0 : index
        %get3A_108 = tpu.vector_load %arg8[%get3A, %get3A_107] {strides = array<i32>} : memref<200x64xf32, #tpu.memory_space<vmem>>, vector<1x16xf32>,
        %get3A_109 = vector.shape_cast %get3A_108 : vector<1x16xf32> to vector<16xf32>
        %mul3A_110 = arith.constant 2 : i32
        %mul3A_111 = arith.muli %mul3A_110, %scan3A_102 : i32
        %add3A_112 = arith.constant 0 : i32
        %add3A_113 = arith.addi %mul3A_111, %add3A_112 : i32
        %get3A_114 = arith.index_cast %add3A_113 : i32 to index
        %get3A_115 = arith.constant 0 : index
        %get3A_116 = tpu.vector_load %arg9[%get3A_114, %get3A_115] {strides = array<i32>} : memref<200x64xf32, #tpu.memory_space<vmem>>, vector<1x16xf32>,
        %get3A_117 = vector.shape_cast %get3A_116 : vector<1x16xf32> to vector<16xf32>
        %add3A_118 = arith.addf %get3A_109, %get3A_117 : vector<16xf32>
        %mul3A_119 = arith.constant 2 : i32
        %mul3A_120 = arith.muli %mul3A_119, %scan3A_102 : i32
        %add3A_121 = arith.constant 0 : i32
        %add3A_122 = arith.addi %mul3A_120, %add3A_121 : i32
        %swap3A = arith.index_cast %add3A_122 : i32 to index
        %swap3A_123 = arith.constant 0 : index
        %swap3A_124 = tpu.vector_load %arg12[%swap3A, %swap3A_123] {strides = array<i32>} : memref<200x64xf32, #tpu.memory_space<vmem>>, vector<1x16xf32>,
        %swap3A_125 = vector.shape_cast %swap3A_124 : vector<1x16xf32> to vector<16xf32>
        %swap3A_126 = vector.shape_cast %add3A_118 : vector<16xf32> to vector<1x16xf32>
        tpu.vector_store %arg12[%swap3A, %swap3A_123], %swap3A_126 {strides = array<i32>} : memref<200x64xf32, #tpu.memory_space<vmem>>, vector<1x16xf32>,
        %mul3A_127 = arith.constant 2 : i32
        %mul3A_128 = arith.muli %mul3A_127, %scan3A_102 : i32
        %add3A_129 = arith.constant 0 : i32
        %add3A_130 = arith.addi %mul3A_128, %add3A_129 : i32
        %get3A_131 = arith.index_cast %add3A_130 : i32 to index
        %get3A_132 = arith.constant 16 : index
        %get3A_133 = tpu.vector_load %arg8[%get3A_131, %get3A_132] {strides = array<i32>} : memref<200x64xf32, #tpu.memory_space<vmem>>, vector<1x16xf32>,
        %get3A_134 = vector.shape_cast %get3A_133 : vector<1x16xf32> to vector<16xf32>
        %mul3A_135 = arith.constant 2 : i32
        %mul3A_136 = arith.muli %mul3A_135, %scan3A_102 : i32
        %add3A_137 = arith.constant 0 : i32
        %add3A_138 = arith.addi %mul3A_136, %add3A_137 : i32
        %get3A_139 = arith.index_cast %add3A_138 : i32 to index
        %get3A_140 = arith.constant 16 : index
        %get3A_141 = tpu.vector_load %arg9[%get3A_139, %get3A_140] {strides = array<i32>} : memref<200x64xf32, #tpu.memory_space<vmem>>, vector<1x16xf32>,
        %get3A_142 = vector.shape_cast %get3A_141 : vector<1x16xf32> to vector<16xf32>
        %add3A_143 = arith.addf %get3A_134, %get3A_142 : vector<16xf32>
        %mul3A_144 = arith.constant 2 : i32
        %mul3A_145 = arith.muli %mul3A_144, %scan3A_102 : i32
        %add3A_146 = arith.constant 0 : i32
        %add3A_147 = arith.addi %mul3A_145, %add3A_146 : i32
        %swap3A_148 = arith.index_cast %add3A_147 : i32 to index
        %swap3A_149 = arith.constant 16 : index
        %swap3A_150 = tpu.vector_load %arg12[%swap3A_148, %swap3A_149] {strides = array<i32>} : memref<200x64xf32, #tpu.memory_space<vmem>>, vector<1x16xf32>,
        %swap3A_151 = vector.shape_cast %swap3A_150 : vector<1x16xf32> to vector<16xf32>
        %swap3A_152 = vector.shape_cast %add3A_143 : vector<16xf32> to vector<1x16xf32>
        tpu.vector_store %arg12[%swap3A_148, %swap3A_149], %swap3A_152 {strides = array<i32>} : memref<200x64xf32, #tpu.memory_space<vmem>>, vector<1x16xf32>,
        %mul3A_153 = arith.constant 2 : i32
        %mul3A_154 = arith.muli %mul3A_153, %scan3A_102 : i32
        %add3A_155 = arith.constant 0 : i32
        %add3A_156 = arith.addi %mul3A_154, %add3A_155 : i32
        %get3A_157 = arith.index_cast %add3A_156 : i32 to index
        %get3A_158 = arith.constant 32 : index
        %get3A_159 = tpu.vector_load %arg8[%get3A_157, %get3A_158] {strides = array<i32>} : memref<200x64xf32, #tpu.memory_space<vmem>>, vector<1x16xf32>,
        %get3A_160 = vector.shape_cast %get3A_159 : vector<1x16xf32> to vector<16xf32>
        %mul3A_161 = arith.constant 2 : i32
        %mul3A_162 = arith.muli %mul3A_161, %scan3A_102 : i32
        %add3A_163 = arith.constant 0 : i32
        %add3A_164 = arith.addi %mul3A_162, %add3A_163 : i32
        %get3A_165 = arith.index_cast %add3A_164 : i32 to index
        %get3A_166 = arith.constant 32 : index
        %get3A_167 = tpu.vector_load %arg9[%get3A_165, %get3A_166] {strides = array<i32>} : memref<200x64xf32, #tpu.memory_space<vmem>>, vector<1x16xf32>,
        %get3A_168 = vector.shape_cast %get3A_167 : vector<1x16xf32> to vector<16xf32>
        %add3A_169 = arith.addf %get3A_160, %get3A_168 : vector<16xf32>
        %mul3A_170 = arith.constant 2 : i32
        %mul3A_171 = arith.muli %mul3A_170, %scan3A_102 : i32
        %add3A_172 = arith.constant 0 : i32
        %add3A_173 = arith.addi %mul3A_171, %add3A_172 : i32
        %swap3A_174 = arith.index_cast %add3A_173 : i32 to index
        %swap3A_175 = arith.constant 32 : index
        %swap3A_176 = tpu.vector_load %arg12[%swap3A_174, %swap3A_175] {strides = array<i32>} : memref<200x64xf32, #tpu.memory_space<vmem>>, vector<1x16xf32>,
        %swap3A_177 = vector.shape_cast %swap3A_176 : vector<1x16xf32> to vector<16xf32>
        %swap3A_178 = vector.shape_cast %add3A_169 : vector<16xf32> to vector<1x16xf32>
        tpu.vector_store %arg12[%swap3A_174, %swap3A_175], %swap3A_178 {strides = array<i32>} : memref<200x64xf32, #tpu.memory_space<vmem>>, vector<1x16xf32>,
        %mul3A_179 = arith.constant 2 : i32
        %mul3A_180 = arith.muli %mul3A_179, %scan3A_102 : i32
        %add3A_181 = arith.constant 0 : i32
        %add3A_182 = arith.addi %mul3A_180, %add3A_181 : i32
        %get3A_183 = arith.index_cast %add3A_182 : i32 to index
        %get3A_184 = arith.constant 48 : index
        %get3A_185 = tpu.vector_load %arg8[%get3A_183, %get3A_184] {strides = array<i32>} : memref<200x64xf32, #tpu.memory_space<vmem>>, vector<1x16xf32>,
        %get3A_186 = vector.shape_cast %get3A_185 : vector<1x16xf32> to vector<16xf32>
        %mul3A_187 = arith.constant 2 : i32
        %mul3A_188 = arith.muli %mul3A_187, %scan3A_102 : i32
        %add3A_189 = arith.constant 0 : i32
        %add3A_190 = arith.addi %mul3A_188, %add3A_189 : i32
        %get3A_191 = arith.index_cast %add3A_190 : i32 to index
        %get3A_192 = arith.constant 48 : index
        %get3A_193 = tpu.vector_load %arg9[%get3A_191, %get3A_192] {strides = array<i32>} : memref<200x64xf32, #tpu.memory_space<vmem>>, vector<1x16xf32>,
        %get3A_194 = vector.shape_cast %get3A_193 : vector<1x16xf32> to vector<16xf32>
        %add3A_195 = arith.addf %get3A_186, %get3A_194 : vector<16xf32>
        %mul3A_196 = arith.constant 2 : i32
        %mul3A_197 = arith.muli %mul3A_196, %scan3A_102 : i32
        %add3A_198 = arith.constant 0 : i32
        %add3A_199 = arith.addi %mul3A_197, %add3A_198 : i32
        %swap3A_200 = arith.index_cast %add3A_199 : i32 to index
        %swap3A_201 = arith.constant 48 : index
        %swap3A_202 = tpu.vector_load %arg12[%swap3A_200, %swap3A_201] {strides = array<i32>} : memref<200x64xf32, #tpu.memory_space<vmem>>, vector<1x16xf32>,
        %swap3A_203 = vector.shape_cast %swap3A_202 : vector<1x16xf32> to vector<16xf32>
        %swap3A_204 = vector.shape_cast %add3A_195 : vector<16xf32> to vector<1x16xf32>
        tpu.vector_store %arg12[%swap3A_200, %swap3A_201], %swap3A_204 {strides = array<i32>} : memref<200x64xf32, #tpu.memory_space<vmem>>, vector<1x16xf32>,
        %mul3A_205 = arith.constant 2 : i32
        %mul3A_206 = arith.muli %mul3A_205, %scan3A_102 : i32
        %add3A_207 = arith.constant 1 : i32
        %add3A_208 = arith.addi %mul3A_206, %add3A_207 : i32
        %get3A_209 = arith.index_cast %add3A_208 : i32 to index
        %get3A_210 = arith.constant 0 : index
        %get3A_211 = tpu.vector_load %arg8[%get3A_209, %get3A_210] {strides = array<i32>} : memref<200x64xf32, #tpu.memory_space<vmem>>, vector<1x16xf32>,
        %get3A_212 = vector.shape_cast %get3A_211 : vector<1x16xf32> to vector<16xf32>
        %mul3A_213 = arith.constant 2 : i32
        %mul3A_214 = arith.muli %mul3A_213, %scan3A_102 : i32
        %add3A_215 = arith.constant 1 : i32
        %add3A_216 = arith.addi %mul3A_214, %add3A_215 : i32
        %get3A_217 = arith.index_cast %add3A_216 : i32 to index
        %get3A_218 = arith.constant 0 : index
        %get3A_219 = tpu.vector_load %arg9[%get3A_217, %get3A_218] {strides = array<i32>} : memref<200x64xf32, #tpu.memory_space<vmem>>, vector<1x16xf32>,
        %get3A_220 = vector.shape_cast %get3A_219 : vector<1x16xf32> to vector<16xf32>
        %add3A_221 = arith.addf %get3A_212, %get3A_220 : vector<16xf32>
        %mul3A_222 = arith.constant 2 : i32
        %mul3A_223 = arith.muli %mul3A_222, %scan3A_102 : i32
        %add3A_224 = arith.constant 1 : i32
        %add3A_225 = arith.addi %mul3A_223, %add3A_224 : i32
        %swap3A_226 = arith.index_cast %add3A_225 : i32 to index
        %swap3A_227 = arith.constant 0 : index
        %swap3A_228 = tpu.vector_load %arg12[%swap3A_226, %swap3A_227] {strides = array<i32>} : memref<200x64xf32, #tpu.memory_space<vmem>>, vector<1x16xf32>,
        %swap3A_229 = vector.shape_cast %swap3A_228 : vector<1x16xf32> to vector<16xf32>
        %swap3A_230 = vector.shape_cast %add3A_221 : vector<16xf32> to vector<1x16xf32>
        tpu.vector_store %arg12[%swap3A_226, %swap3A_227], %swap3A_230 {strides = array<i32>} : memref<200x64xf32, #tpu.memory_space<vmem>>, vector<1x16xf32>,
        %mul3A_231 = arith.constant 2 : i32
        %mul3A_232 = arith.muli %mul3A_231, %scan3A_102 : i32
        %add3A_233 = arith.constant 1 : i32
        %add3A_234 = arith.addi %mul3A_232, %add3A_233 : i32
        %get3A_235 = arith.index_cast %add3A_234 : i32 to index
        %get3A_236 = arith.constant 16 : index
        %get3A_237 = tpu.vector_load %arg8[%get3A_235, %get3A_236] {strides = array<i32>} : memref<200x64xf32, #tpu.memory_space<vmem>>, vector<1x16xf32>,
        %get3A_238 = vector.shape_cast %get3A_237 : vector<1x16xf32> to vector<16xf32>
        %mul3A_239 = arith.constant 2 : i32
        %mul3A_240 = arith.muli %mul3A_239, %scan3A_102 : i32
        %add3A_241 = arith.constant 1 : i32
        %add3A_242 = arith.addi %mul3A_240, %add3A_241 : i32
        %get3A_243 = arith.index_cast %add3A_242 : i32 to index
        %get3A_244 = arith.constant 16 : index
        %get3A_245 = tpu.vector_load %arg9[%get3A_243, %get3A_244] {strides = array<i32>} : memref<200x64xf32, #tpu.memory_space<vmem>>, vector<1x16xf32>,
        %get3A_246 = vector.shape_cast %get3A_245 : vector<1x16xf32> to vector<16xf32>
        %add3A_247 = arith.addf %get3A_238, %get3A_246 : vector<16xf32>
        %mul3A_248 = arith.constant 2 : i32
        %mul3A_249 = arith.muli %mul3A_248, %scan3A_102 : i32
        %add3A_250 = arith.constant 1 : i32
        %add3A_251 = arith.addi %mul3A_249, %add3A_250 : i32
        %swap3A_252 = arith.index_cast %add3A_251 : i32 to index
        %swap3A_253 = arith.constant 16 : index
        %swap3A_254 = tpu.vector_load %arg12[%swap3A_252, %swap3A_253] {strides = array<i32>} : memref<200x64xf32, #tpu.memory_space<vmem>>, vector<1x16xf32>,
        %swap3A_255 = vector.shape_cast %swap3A_254 : vector<1x16xf32> to vector<16xf32>
        %swap3A_256 = vector.shape_cast %add3A_247 : vector<16xf32> to vector<1x16xf32>
        tpu.vector_store %arg12[%swap3A_252, %swap3A_253], %swap3A_256 {strides = array<i32>} : memref<200x64xf32, #tpu.memory_space<vmem>>, vector<1x16xf32>,
        %mul3A_257 = arith.constant 2 : i32
        %mul3A_258 = arith.muli %mul3A_257, %scan3A_102 : i32
        %add3A_259 = arith.constant 1 : i32
        %add3A_260 = arith.addi %mul3A_258, %add3A_259 : i32
        %get3A_261 = arith.index_cast %add3A_260 : i32 to index
        %get3A_262 = arith.constant 32 : index
        %get3A_263 = tpu.vector_load %arg8[%get3A_261, %get3A_262] {strides = array<i32>} : memref<200x64xf32, #tpu.memory_space<vmem>>, vector<1x16xf32>,
        %get3A_264 = vector.shape_cast %get3A_263 : vector<1x16xf32> to vector<16xf32>
        %mul3A_265 = arith.constant 2 : i32
        %mul3A_266 = arith.muli %mul3A_265, %scan3A_102 : i32
        %add3A_267 = arith.constant 1 : i32
        %add3A_268 = arith.addi %mul3A_266, %add3A_267 : i32
        %get3A_269 = arith.index_cast %add3A_268 : i32 to index
        %get3A_270 = arith.constant 32 : index
        %get3A_271 = tpu.vector_load %arg9[%get3A_269, %get3A_270] {strides = array<i32>} : memref<200x64xf32, #tpu.memory_space<vmem>>, vector<1x16xf32>,
        %get3A_272 = vector.shape_cast %get3A_271 : vector<1x16xf32> to vector<16xf32>
        %add3A_273 = arith.addf %get3A_264, %get3A_272 : vector<16xf32>
        %mul3A_274 = arith.constant 2 : i32
        %mul3A_275 = arith.muli %mul3A_274, %scan3A_102 : i32
        %add3A_276 = arith.constant 1 : i32
        %add3A_277 = arith.addi %mul3A_275, %add3A_276 : i32
        %swap3A_278 = arith.index_cast %add3A_277 : i32 to index
        %swap3A_279 = arith.constant 32 : index
        %swap3A_280 = tpu.vector_load %arg12[%swap3A_278, %swap3A_279] {strides = array<i32>} : memref<200x64xf32, #tpu.memory_space<vmem>>, vector<1x16xf32>,
        %swap3A_281 = vector.shape_cast %swap3A_280 : vector<1x16xf32> to vector<16xf32>
        %swap3A_282 = vector.shape_cast %add3A_273 : vector<16xf32> to vector<1x16xf32>
        tpu.vector_store %arg12[%swap3A_278, %swap3A_279], %swap3A_282 {strides = array<i32>} : memref<200x64xf32, #tpu.memory_space<vmem>>, vector<1x16xf32>,
        %mul3A_283 = arith.constant 2 : i32
        %mul3A_284 = arith.muli %mul3A_283, %scan3A_102 : i32
        %add3A_285 = arith.constant 1 : i32
        %add3A_286 = arith.addi %mul3A_284, %add3A_285 : i32
        %get3A_287 = arith.index_cast %add3A_286 : i32 to index
        %get3A_288 = arith.constant 48 : index
        %get3A_289 = tpu.vector_load %arg8[%get3A_287, %get3A_288] {strides = array<i32>} : memref<200x64xf32, #tpu.memory_space<vmem>>, vector<1x16xf32>,
        %get3A_290 = vector.shape_cast %get3A_289 : vector<1x16xf32> to vector<16xf32>
        %mul3A_291 = arith.constant 2 : i32
        %mul3A_292 = arith.muli %mul3A_291, %scan3A_102 : i32
        %add3A_293 = arith.constant 1 : i32
        %add3A_294 = arith.addi %mul3A_292, %add3A_293 : i32
        %get3A_295 = arith.index_cast %add3A_294 : i32 to index
        %get3A_296 = arith.constant 48 : index
        %get3A_297 = tpu.vector_load %arg9[%get3A_295, %get3A_296] {strides = array<i32>} : memref<200x64xf32, #tpu.memory_space<vmem>>, vector<1x16xf32>,
        %get3A_298 = vector.shape_cast %get3A_297 : vector<1x16xf32> to vector<16xf32>
        %add3A_299 = arith.addf %get3A_290, %get3A_298 : vector<16xf32>
        %mul3A_300 = arith.constant 2 : i32
        %mul3A_301 = arith.muli %mul3A_300, %scan3A_102 : i32
        %add3A_302 = arith.constant 1 : i32
        %add3A_303 = arith.addi %mul3A_301, %add3A_302 : i32
        %swap3A_304 = arith.index_cast %add3A_303 : i32 to index
        %swap3A_305 = arith.constant 48 : index
        %swap3A_306 = tpu.vector_load %arg12[%swap3A_304, %swap3A_305] {strides = array<i32>} : memref<200x64xf32, #tpu.memory_space<vmem>>, vector<1x16xf32>,
        %swap3A_307 = vector.shape_cast %swap3A_306 : vector<1x16xf32> to vector<16xf32>
        %swap3A_308 = vector.shape_cast %add3A_299 : vector<16xf32> to vector<1x16xf32>
        tpu.vector_store %arg12[%swap3A_304, %swap3A_305], %swap3A_308 {strides = array<i32>} : memref<200x64xf32, #tpu.memory_space<vmem>>, vector<1x16xf32>,
      }
      %scan3A_69 = arith.constant 100 : i32
      %add3A_70 = arith.addi %mul3A_2, %mul3A_55 : i32
      "tpu.region"() ({
        %run_scoped3A_102 = tpu.sem_alloc : memref<!tpu.dma_semaphore, #tpu.memory_space<semaphore_mem>>
        %dma_start3A_103 = arith.constant 0 : i32
        %dma_start3A_104 = tpu.memref_slice %arg5[%add3A_70, %dma_start3A_103] : memref<160000x128xf32, #tpu.memory_space<hbm>> -> memref<200x64xf32, #tpu.memory_space<hbm>>
        %dma_start3A_105 = arith.constant 0 : i32
        %dma_start3A_106 = tpu.memref_slice %arg5[%add3A_70, %dma_start3A_105] : memref<160000x128xf32, #tpu.memory_space<hbm>> -> memref<200x64xf32, #tpu.memory_space<hbm>>
        tpu.enqueue_dma source(%arg12 : memref<200x64xf32, #tpu.memory_space<vmem>>) target(%dma_start3A_106 : memref<200x64xf32, #tpu.memory_space<hbm>>) target_semaphore(%run_scoped3A_102 : memref<!tpu.dma_semaphore, #tpu.memory_space<semaphore_mem>>)
        %dma_wait3A_107 = arith.constant 0 : i32
        %dma_wait3A_108 = tpu.memref_slice %arg5[%add3A_70, %dma_wait3A_107] : memref<160000x128xf32, #tpu.memory_space<hbm>> -> memref<200x64xf32, #tpu.memory_space<hbm>>
        %dma_wait3A_109 = arith.constant 0 : i32
        %dma_wait3A_110 = tpu.memref_slice %arg5[%add3A_70, %dma_wait3A_109] : memref<160000x128xf32, #tpu.memory_space<hbm>> -> memref<200x64xf32, #tpu.memory_space<hbm>>
        tpu.wait_dma2 semaphore(%run_scoped3A_102 : memref<!tpu.dma_semaphore, #tpu.memory_space<semaphore_mem>>) src(%arg12 : memref<200x64xf32, #tpu.memory_space<vmem>>) dst(%dma_wait3A_110 : memref<200x64xf32, #tpu.memory_space<hbm>>)
        tpu.yield
      }) : () -> ()
      %add3A_71 = arith.constant 2 : i32
      %add3A_72 = arith.addi %mul3A_41, %add3A_71 : i32
      %mul3A_73 = arith.constant 200 : i32
      %mul3A_74 = arith.muli %add3A_72, %mul3A_73 : i32
      %dma_start3A_75 = tpu.memref_slice %arg6[%mul3A_74] : memref<5000xi32, #tpu.memory_space<vmem>> -> memref<200xi32, #tpu.memory_space<vmem>>
      %dma_start3A_76 = arith.constant 0 : i32
      %dma_start3A_77 = arith.constant 0 : i32
      %dma_start3A_78 = tpu.memref_slice %arg2[%dma_start3A_76, %dma_start3A_77] : memref<10000x64xf32, #tpu.memory_space<hbm>> -> memref<10000x64xf32, #tpu.memory_space<hbm>>
      tpu.enqueue_indirect_dma source(%dma_start3A_78 : memref<10000x64xf32, #tpu.memory_space<hbm>>) target(%arg8 : memref<200x64xf32, #tpu.memory_space<vmem>>) offsets(%dma_start3A_75 : memref<200xi32, #tpu.memory_space<vmem>>) semaphore(%arg13 : memref<!tpu.dma_semaphore, #tpu.memory_space<semaphore_mem>>)
      %dma_start3A_79 = tpu.memref_slice %arg7[%mul3A_74] : memref<5000xi32, #tpu.memory_space<vmem>> -> memref<200xi32, #tpu.memory_space<vmem>>
      %dma_start3A_80 = arith.constant 0 : i32
      %dma_start3A_81 = arith.constant 0 : i32
      %dma_start3A_82 = tpu.memref_slice %arg3[%dma_start3A_80, %dma_start3A_81] : memref<10000x64xf32, #tpu.memory_space<hbm>> -> memref<10000x64xf32, #tpu.memory_space<hbm>>
      tpu.enqueue_indirect_dma source(%dma_start3A_82 : memref<10000x64xf32, #tpu.memory_space<hbm>>) target(%arg9 : memref<200x64xf32, #tpu.memory_space<vmem>>) offsets(%dma_start3A_79 : memref<200xi32, #tpu.memory_space<vmem>>) semaphore(%arg14 : memref<!tpu.dma_semaphore, #tpu.memory_space<semaphore_mem>>)
      %add3A_83 = arith.constant 1 : i32
      %add3A_84 = arith.addi %mul3A_41, %add3A_83 : i32
      %mul3A_85 = arith.constant 200 : i32
      %mul3A_86 = arith.muli %add3A_84, %mul3A_85 : i32
      %dma_wait3A_87 = tpu.memref_slice %arg6[%mul3A_86] : memref<5000xi32, #tpu.memory_space<vmem>> -> memref<200xi32, #tpu.memory_space<vmem>>
      %dma_wait3A_88 = arith.constant 0 : i32
      %dma_wait3A_89 = arith.constant 0 : i32
      %dma_wait3A_90 = tpu.memref_slice %arg2[%dma_wait3A_88, %dma_wait3A_89] : memref<10000x64xf32, #tpu.memory_space<hbm>> -> memref<10000x64xf32, #tpu.memory_space<hbm>>
      tpu.wait_indirect_dma semaphore(%arg15 : memref<!tpu.dma_semaphore, #tpu.memory_space<semaphore_mem>>) src(%dma_wait3A_90 : memref<10000x64xf32, #tpu.memory_space<hbm>>) dst(%arg10 : memref<200x64xf32, #tpu.memory_space<vmem>>)
      %dma_wait3A_91 = tpu.memref_slice %arg7[%mul3A_86] : memref<5000xi32, #tpu.memory_space<vmem>> -> memref<200xi32, #tpu.memory_space<vmem>>
      %dma_wait3A_92 = arith.constant 0 : i32
      %dma_wait3A_93 = arith.constant 0 : i32
      %dma_wait3A_94 = tpu.memref_slice %arg3[%dma_wait3A_92, %dma_wait3A_93] : memref<10000x64xf32, #tpu.memory_space<hbm>> -> memref<10000x64xf32, #tpu.memory_space<hbm>>
      tpu.wait_indirect_dma semaphore(%arg16 : memref<!tpu.dma_semaphore, #tpu.memory_space<semaphore_mem>>) src(%dma_wait3A_94 : memref<10000x64xf32, #tpu.memory_space<hbm>>) dst(%arg11 : memref<200x64xf32, #tpu.memory_space<vmem>>)
      %scan3A_95 = arith.constant 0 : i32
      %scan3A_96 = arith.constant 0 : i32
      %scan3A_97 = arith.constant 100 : i32
      %scan3A_98 = arith.addi %scan3A_96, %scan3A_97 : i32
      %scan3A_99 = arith.constant 1 : i32
      scf.for %scan3A_102 = %scan3A_96 to %scan3A_98 step %scan3A_99  : i32 {
        %mul3A_103 = arith.constant 2 : i32
        %mul3A_104 = arith.muli %mul3A_103, %scan3A_102 : i32
        %add3A_105 = arith.constant 0 : i32
        %add3A_106 = arith.addi %mul3A_104, %add3A_105 : i32
        %get3A = arith.index_cast %add3A_106 : i32 to index
        %get3A_107 = arith.constant 0 : index
        %get3A_108 = tpu.vector_load %arg10[%get3A, %get3A_107] {strides = array<i32>} : memref<200x64xf32, #tpu.memory_space<vmem>>, vector<1x16xf32>,
        %get3A_109 = vector.shape_cast %get3A_108 : vector<1x16xf32> to vector<16xf32>
        %mul3A_110 = arith.constant 2 : i32
        %mul3A_111 = arith.muli %mul3A_110, %scan3A_102 : i32
        %add3A_112 = arith.constant 0 : i32
        %add3A_113 = arith.addi %mul3A_111, %add3A_112 : i32
        %get3A_114 = arith.index_cast %add3A_113 : i32 to index
        %get3A_115 = arith.constant 0 : index
        %get3A_116 = tpu.vector_load %arg11[%get3A_114, %get3A_115] {strides = array<i32>} : memref<200x64xf32, #tpu.memory_space<vmem>>, vector<1x16xf32>,
        %get3A_117 = vector.shape_cast %get3A_116 : vector<1x16xf32> to vector<16xf32>
        %add3A_118 = arith.addf %get3A_109, %get3A_117 : vector<16xf32>
        %mul3A_119 = arith.constant 2 : i32
        %mul3A_120 = arith.muli %mul3A_119, %scan3A_102 : i32
        %add3A_121 = arith.constant 0 : i32
        %add3A_122 = arith.addi %mul3A_120, %add3A_121 : i32
        %swap3A = arith.index_cast %add3A_122 : i32 to index
        %swap3A_123 = arith.constant 0 : index
        %swap3A_124 = tpu.vector_load %arg12[%swap3A, %swap3A_123] {strides = array<i32>} : memref<200x64xf32, #tpu.memory_space<vmem>>, vector<1x16xf32>,
        %swap3A_125 = vector.shape_cast %swap3A_124 : vector<1x16xf32> to vector<16xf32>
        %swap3A_126 = vector.shape_cast %add3A_118 : vector<16xf32> to vector<1x16xf32>
        tpu.vector_store %arg12[%swap3A, %swap3A_123], %swap3A_126 {strides = array<i32>} : memref<200x64xf32, #tpu.memory_space<vmem>>, vector<1x16xf32>,
        %mul3A_127 = arith.constant 2 : i32
        %mul3A_128 = arith.muli %mul3A_127, %scan3A_102 : i32
        %add3A_129 = arith.constant 0 : i32
        %add3A_130 = arith.addi %mul3A_128, %add3A_129 : i32
        %get3A_131 = arith.index_cast %add3A_130 : i32 to index
        %get3A_132 = arith.constant 16 : index
        %get3A_133 = tpu.vector_load %arg10[%get3A_131, %get3A_132] {strides = array<i32>} : memref<200x64xf32, #tpu.memory_space<vmem>>, vector<1x16xf32>,
        %get3A_134 = vector.shape_cast %get3A_133 : vector<1x16xf32> to vector<16xf32>
        %mul3A_135 = arith.constant 2 : i32
        %mul3A_136 = arith.muli %mul3A_135, %scan3A_102 : i32
        %add3A_137 = arith.constant 0 : i32
        %add3A_138 = arith.addi %mul3A_136, %add3A_137 : i32
        %get3A_139 = arith.index_cast %add3A_138 : i32 to index
        %get3A_140 = arith.constant 16 : index
        %get3A_141 = tpu.vector_load %arg11[%get3A_139, %get3A_140] {strides = array<i32>} : memref<200x64xf32, #tpu.memory_space<vmem>>, vector<1x16xf32>,
        %get3A_142 = vector.shape_cast %get3A_141 : vector<1x16xf32> to vector<16xf32>
        %add3A_143 = arith.addf %get3A_134, %get3A_142 : vector<16xf32>
        %mul3A_144 = arith.constant 2 : i32
        %mul3A_145 = arith.muli %mul3A_144, %scan3A_102 : i32
        %add3A_146 = arith.constant 0 : i32
        %add3A_147 = arith.addi %mul3A_145, %add3A_146 : i32
        %swap3A_148 = arith.index_cast %add3A_147 : i32 to index
        %swap3A_149 = arith.constant 16 : index
        %swap3A_150 = tpu.vector_load %arg12[%swap3A_148, %swap3A_149] {strides = array<i32>} : memref<200x64xf32, #tpu.memory_space<vmem>>, vector<1x16xf32>,
        %swap3A_151 = vector.shape_cast %swap3A_150 : vector<1x16xf32> to vector<16xf32>
        %swap3A_152 = vector.shape_cast %add3A_143 : vector<16xf32> to vector<1x16xf32>
        tpu.vector_store %arg12[%swap3A_148, %swap3A_149], %swap3A_152 {strides = array<i32>} : memref<200x64xf32, #tpu.memory_space<vmem>>, vector<1x16xf32>,
        %mul3A_153 = arith.constant 2 : i32
        %mul3A_154 = arith.muli %mul3A_153, %scan3A_102 : i32
        %add3A_155 = arith.constant 0 : i32
        %add3A_156 = arith.addi %mul3A_154, %add3A_155 : i32
        %get3A_157 = arith.index_cast %add3A_156 : i32 to index
        %get3A_158 = arith.constant 32 : index
        %get3A_159 = tpu.vector_load %arg10[%get3A_157, %get3A_158] {strides = array<i32>} : memref<200x64xf32, #tpu.memory_space<vmem>>, vector<1x16xf32>,
        %get3A_160 = vector.shape_cast %get3A_159 : vector<1x16xf32> to vector<16xf32>
        %mul3A_161 = arith.constant 2 : i32
        %mul3A_162 = arith.muli %mul3A_161, %scan3A_102 : i32
        %add3A_163 = arith.constant 0 : i32
        %add3A_164 = arith.addi %mul3A_162, %add3A_163 : i32
        %get3A_165 = arith.index_cast %add3A_164 : i32 to index
        %get3A_166 = arith.constant 32 : index
        %get3A_167 = tpu.vector_load %arg11[%get3A_165, %get3A_166] {strides = array<i32>} : memref<200x64xf32, #tpu.memory_space<vmem>>, vector<1x16xf32>,
        %get3A_168 = vector.shape_cast %get3A_167 : vector<1x16xf32> to vector<16xf32>
        %add3A_169 = arith.addf %get3A_160, %get3A_168 : vector<16xf32>
        %mul3A_170 = arith.constant 2 : i32
        %mul3A_171 = arith.muli %mul3A_170, %scan3A_102 : i32
        %add3A_172 = arith.constant 0 : i32
        %add3A_173 = arith.addi %mul3A_171, %add3A_172 : i32
        %swap3A_174 = arith.index_cast %add3A_173 : i32 to index
        %swap3A_175 = arith.constant 32 : index
        %swap3A_176 = tpu.vector_load %arg12[%swap3A_174, %swap3A_175] {strides = array<i32>} : memref<200x64xf32, #tpu.memory_space<vmem>>, vector<1x16xf32>,
        %swap3A_177 = vector.shape_cast %swap3A_176 : vector<1x16xf32> to vector<16xf32>
        %swap3A_178 = vector.shape_cast %add3A_169 : vector<16xf32> to vector<1x16xf32>
        tpu.vector_store %arg12[%swap3A_174, %swap3A_175], %swap3A_178 {strides = array<i32>} : memref<200x64xf32, #tpu.memory_space<vmem>>, vector<1x16xf32>,
        %mul3A_179 = arith.constant 2 : i32
        %mul3A_180 = arith.muli %mul3A_179, %scan3A_102 : i32
        %add3A_181 = arith.constant 0 : i32
        %add3A_182 = arith.addi %mul3A_180, %add3A_181 : i32
        %get3A_183 = arith.index_cast %add3A_182 : i32 to index
        %get3A_184 = arith.constant 48 : index
        %get3A_185 = tpu.vector_load %arg10[%get3A_183, %get3A_184] {strides = array<i32>} : memref<200x64xf32, #tpu.memory_space<vmem>>, vector<1x16xf32>,
        %get3A_186 = vector.shape_cast %get3A_185 : vector<1x16xf32> to vector<16xf32>
        %mul3A_187 = arith.constant 2 : i32
        %mul3A_188 = arith.muli %mul3A_187, %scan3A_102 : i32
        %add3A_189 = arith.constant 0 : i32
        %add3A_190 = arith.addi %mul3A_188, %add3A_189 : i32
        %get3A_191 = arith.index_cast %add3A_190 : i32 to index
        %get3A_192 = arith.constant 48 : index
        %get3A_193 = tpu.vector_load %arg11[%get3A_191, %get3A_192] {strides = array<i32>} : memref<200x64xf32, #tpu.memory_space<vmem>>, vector<1x16xf32>,
        %get3A_194 = vector.shape_cast %get3A_193 : vector<1x16xf32> to vector<16xf32>
        %add3A_195 = arith.addf %get3A_186, %get3A_194 : vector<16xf32>
        %mul3A_196 = arith.constant 2 : i32
        %mul3A_197 = arith.muli %mul3A_196, %scan3A_102 : i32
        %add3A_198 = arith.constant 0 : i32
        %add3A_199 = arith.addi %mul3A_197, %add3A_198 : i32
        %swap3A_200 = arith.index_cast %add3A_199 : i32 to index
        %swap3A_201 = arith.constant 48 : index
        %swap3A_202 = tpu.vector_load %arg12[%swap3A_200, %swap3A_201] {strides = array<i32>} : memref<200x64xf32, #tpu.memory_space<vmem>>, vector<1x16xf32>,
        %swap3A_203 = vector.shape_cast %swap3A_202 : vector<1x16xf32> to vector<16xf32>
        %swap3A_204 = vector.shape_cast %add3A_195 : vector<16xf32> to vector<1x16xf32>
        tpu.vector_store %arg12[%swap3A_200, %swap3A_201], %swap3A_204 {strides = array<i32>} : memref<200x64xf32, #tpu.memory_space<vmem>>, vector<1x16xf32>,
        %mul3A_205 = arith.constant 2 : i32
        %mul3A_206 = arith.muli %mul3A_205, %scan3A_102 : i32
        %add3A_207 = arith.constant 1 : i32
        %add3A_208 = arith.addi %mul3A_206, %add3A_207 : i32
        %get3A_209 = arith.index_cast %add3A_208 : i32 to index
        %get3A_210 = arith.constant 0 : index
        %get3A_211 = tpu.vector_load %arg10[%get3A_209, %get3A_210] {strides = array<i32>} : memref<200x64xf32, #tpu.memory_space<vmem>>, vector<1x16xf32>,
        %get3A_212 = vector.shape_cast %get3A_211 : vector<1x16xf32> to vector<16xf32>
        %mul3A_213 = arith.constant 2 : i32
        %mul3A_214 = arith.muli %mul3A_213, %scan3A_102 : i32
        %add3A_215 = arith.constant 1 : i32
        %add3A_216 = arith.addi %mul3A_214, %add3A_215 : i32
        %get3A_217 = arith.index_cast %add3A_216 : i32 to index
        %get3A_218 = arith.constant 0 : index
        %get3A_219 = tpu.vector_load %arg11[%get3A_217, %get3A_218] {strides = array<i32>} : memref<200x64xf32, #tpu.memory_space<vmem>>, vector<1x16xf32>,
        %get3A_220 = vector.shape_cast %get3A_219 : vector<1x16xf32> to vector<16xf32>
        %add3A_221 = arith.addf %get3A_212, %get3A_220 : vector<16xf32>
        %mul3A_222 = arith.constant 2 : i32
        %mul3A_223 = arith.muli %mul3A_222, %scan3A_102 : i32
        %add3A_224 = arith.constant 1 : i32
        %add3A_225 = arith.addi %mul3A_223, %add3A_224 : i32
        %swap3A_226 = arith.index_cast %add3A_225 : i32 to index
        %swap3A_227 = arith.constant 0 : index
        %swap3A_228 = tpu.vector_load %arg12[%swap3A_226, %swap3A_227] {strides = array<i32>} : memref<200x64xf32, #tpu.memory_space<vmem>>, vector<1x16xf32>,
        %swap3A_229 = vector.shape_cast %swap3A_228 : vector<1x16xf32> to vector<16xf32>
        %swap3A_230 = vector.shape_cast %add3A_221 : vector<16xf32> to vector<1x16xf32>
        tpu.vector_store %arg12[%swap3A_226, %swap3A_227], %swap3A_230 {strides = array<i32>} : memref<200x64xf32, #tpu.memory_space<vmem>>, vector<1x16xf32>,
        %mul3A_231 = arith.constant 2 : i32
        %mul3A_232 = arith.muli %mul3A_231, %scan3A_102 : i32
        %add3A_233 = arith.constant 1 : i32
        %add3A_234 = arith.addi %mul3A_232, %add3A_233 : i32
        %get3A_235 = arith.index_cast %add3A_234 : i32 to index
        %get3A_236 = arith.constant 16 : index
        %get3A_237 = tpu.vector_load %arg10[%get3A_235, %get3A_236] {strides = array<i32>} : memref<200x64xf32, #tpu.memory_space<vmem>>, vector<1x16xf32>,
        %get3A_238 = vector.shape_cast %get3A_237 : vector<1x16xf32> to vector<16xf32>
        %mul3A_239 = arith.constant 2 : i32
        %mul3A_240 = arith.muli %mul3A_239, %scan3A_102 : i32
        %add3A_241 = arith.constant 1 : i32
        %add3A_242 = arith.addi %mul3A_240, %add3A_241 : i32
        %get3A_243 = arith.index_cast %add3A_242 : i32 to index
        %get3A_244 = arith.constant 16 : index
        %get3A_245 = tpu.vector_load %arg11[%get3A_243, %get3A_244] {strides = array<i32>} : memref<200x64xf32, #tpu.memory_space<vmem>>, vector<1x16xf32>,
        %get3A_246 = vector.shape_cast %get3A_245 : vector<1x16xf32> to vector<16xf32>
        %add3A_247 = arith.addf %get3A_238, %get3A_246 : vector<16xf32>
        %mul3A_248 = arith.constant 2 : i32
        %mul3A_249 = arith.muli %mul3A_248, %scan3A_102 : i32
        %add3A_250 = arith.constant 1 : i32
        %add3A_251 = arith.addi %mul3A_249, %add3A_250 : i32
        %swap3A_252 = arith.index_cast %add3A_251 : i32 to index
        %swap3A_253 = arith.constant 16 : index
        %swap3A_254 = tpu.vector_load %arg12[%swap3A_252, %swap3A_253] {strides = array<i32>} : memref<200x64xf32, #tpu.memory_space<vmem>>, vector<1x16xf32>,
        %swap3A_255 = vector.shape_cast %swap3A_254 : vector<1x16xf32> to vector<16xf32>
        %swap3A_256 = vector.shape_cast %add3A_247 : vector<16xf32> to vector<1x16xf32>
        tpu.vector_store %arg12[%swap3A_252, %swap3A_253], %swap3A_256 {strides = array<i32>} : memref<200x64xf32, #tpu.memory_space<vmem>>, vector<1x16xf32>,
        %mul3A_257 = arith.constant 2 : i32
        %mul3A_258 = arith.muli %mul3A_257, %scan3A_102 : i32
        %add3A_259 = arith.constant 1 : i32
        %add3A_260 = arith.addi %mul3A_258, %add3A_259 : i32
        %get3A_261 = arith.index_cast %add3A_260 : i32 to index
        %get3A_262 = arith.constant 32 : index
        %get3A_263 = tpu.vector_load %arg10[%get3A_261, %get3A_262] {strides = array<i32>} : memref<200x64xf32, #tpu.memory_space<vmem>>, vector<1x16xf32>,
        %get3A_264 = vector.shape_cast %get3A_263 : vector<1x16xf32> to vector<16xf32>
        %mul3A_265 = arith.constant 2 : i32
        %mul3A_266 = arith.muli %mul3A_265, %scan3A_102 : i32
        %add3A_267 = arith.constant 1 : i32
        %add3A_268 = arith.addi %mul3A_266, %add3A_267 : i32
        %get3A_269 = arith.index_cast %add3A_268 : i32 to index
        %get3A_270 = arith.constant 32 : index
        %get3A_271 = tpu.vector_load %arg11[%get3A_269, %get3A_270] {strides = array<i32>} : memref<200x64xf32, #tpu.memory_space<vmem>>, vector<1x16xf32>,
        %get3A_272 = vector.shape_cast %get3A_271 : vector<1x16xf32> to vector<16xf32>
        %add3A_273 = arith.addf %get3A_264, %get3A_272 : vector<16xf32>
        %mul3A_274 = arith.constant 2 : i32
        %mul3A_275 = arith.muli %mul3A_274, %scan3A_102 : i32
        %add3A_276 = arith.constant 1 : i32
        %add3A_277 = arith.addi %mul3A_275, %add3A_276 : i32
        %swap3A_278 = arith.index_cast %add3A_277 : i32 to index
        %swap3A_279 = arith.constant 32 : index
        %swap3A_280 = tpu.vector_load %arg12[%swap3A_278, %swap3A_279] {strides = array<i32>} : memref<200x64xf32, #tpu.memory_space<vmem>>, vector<1x16xf32>,
        %swap3A_281 = vector.shape_cast %swap3A_280 : vector<1x16xf32> to vector<16xf32>
        %swap3A_282 = vector.shape_cast %add3A_273 : vector<16xf32> to vector<1x16xf32>
        tpu.vector_store %arg12[%swap3A_278, %swap3A_279], %swap3A_282 {strides = array<i32>} : memref<200x64xf32, #tpu.memory_space<vmem>>, vector<1x16xf32>,
        %mul3A_283 = arith.constant 2 : i32
        %mul3A_284 = arith.muli %mul3A_283, %scan3A_102 : i32
        %add3A_285 = arith.constant 1 : i32
        %add3A_286 = arith.addi %mul3A_284, %add3A_285 : i32
        %get3A_287 = arith.index_cast %add3A_286 : i32 to index
        %get3A_288 = arith.constant 48 : index
        %get3A_289 = tpu.vector_load %arg10[%get3A_287, %get3A_288] {strides = array<i32>} : memref<200x64xf32, #tpu.memory_space<vmem>>, vector<1x16xf32>,
        %get3A_290 = vector.shape_cast %get3A_289 : vector<1x16xf32> to vector<16xf32>
        %mul3A_291 = arith.constant 2 : i32
        %mul3A_292 = arith.muli %mul3A_291, %scan3A_102 : i32
        %add3A_293 = arith.constant 1 : i32
        %add3A_294 = arith.addi %mul3A_292, %add3A_293 : i32
        %get3A_295 = arith.index_cast %add3A_294 : i32 to index
        %get3A_296 = arith.constant 48 : index
        %get3A_297 = tpu.vector_load %arg11[%get3A_295, %get3A_296] {strides = array<i32>} : memref<200x64xf32, #tpu.memory_space<vmem>>, vector<1x16xf32>,
        %get3A_298 = vector.shape_cast %get3A_297 : vector<1x16xf32> to vector<16xf32>
        %add3A_299 = arith.addf %get3A_290, %get3A_298 : vector<16xf32>
        %mul3A_300 = arith.constant 2 : i32
        %mul3A_301 = arith.muli %mul3A_300, %scan3A_102 : i32
        %add3A_302 = arith.constant 1 : i32
        %add3A_303 = arith.addi %mul3A_301, %add3A_302 : i32
        %swap3A_304 = arith.index_cast %add3A_303 : i32 to index
        %swap3A_305 = arith.constant 48 : index
        %swap3A_306 = tpu.vector_load %arg12[%swap3A_304, %swap3A_305] {strides = array<i32>} : memref<200x64xf32, #tpu.memory_space<vmem>>, vector<1x16xf32>,
        %swap3A_307 = vector.shape_cast %swap3A_306 : vector<1x16xf32> to vector<16xf32>
        %swap3A_308 = vector.shape_cast %add3A_299 : vector<16xf32> to vector<1x16xf32>
        tpu.vector_store %arg12[%swap3A_304, %swap3A_305], %swap3A_308 {strides = array<i32>} : memref<200x64xf32, #tpu.memory_space<vmem>>, vector<1x16xf32>,
      }
      %scan3A_100 = arith.constant 100 : i32
      %add3A_101 = arith.addi %mul3A_2, %mul3A_86 : i32
      "tpu.region"() ({
        %run_scoped3A_102 = tpu.sem_alloc : memref<!tpu.dma_semaphore, #tpu.memory_space<semaphore_mem>>
        %dma_start3A_103 = arith.constant 0 : i32
        %dma_start3A_104 = tpu.memref_slice %arg5[%add3A_101, %dma_start3A_103] : memref<160000x128xf32, #tpu.memory_space<hbm>> -> memref<200x64xf32, #tpu.memory_space<hbm>>
        %dma_start3A_105 = arith.constant 0 : i32
        %dma_start3A_106 = tpu.memref_slice %arg5[%add3A_101, %dma_start3A_105] : memref<160000x128xf32, #tpu.memory_space<hbm>> -> memref<200x64xf32, #tpu.memory_space<hbm>>
        tpu.enqueue_dma source(%arg12 : memref<200x64xf32, #tpu.memory_space<vmem>>) target(%dma_start3A_106 : memref<200x64xf32, #tpu.memory_space<hbm>>) target_semaphore(%run_scoped3A_102 : memref<!tpu.dma_semaphore, #tpu.memory_space<semaphore_mem>>)
        %dma_wait3A_107 = arith.constant 0 : i32
        %dma_wait3A_108 = tpu.memref_slice %arg5[%add3A_101, %dma_wait3A_107] : memref<160000x128xf32, #tpu.memory_space<hbm>> -> memref<200x64xf32, #tpu.memory_space<hbm>>
        %dma_wait3A_109 = arith.constant 0 : i32
        %dma_wait3A_110 = tpu.memref_slice %arg5[%add3A_101, %dma_wait3A_109] : memref<160000x128xf32, #tpu.memory_space<hbm>> -> memref<200x64xf32, #tpu.memory_space<hbm>>
        tpu.wait_dma2 semaphore(%run_scoped3A_102 : memref<!tpu.dma_semaphore, #tpu.memory_space<semaphore_mem>>) src(%arg12 : memref<200x64xf32, #tpu.memory_space<vmem>>) dst(%dma_wait3A_110 : memref<200x64xf32, #tpu.memory_space<hbm>>)
        tpu.yield
      }) : () -> ()
    }
    %scan3A_21 = arith.constant 12 : i32
    %dma_wait3A = arith.constant 4800 : i32
    %dma_wait3A_22 = tpu.memref_slice %arg6[%dma_wait3A] : memref<5000xi32, #tpu.memory_space<vmem>> -> memref<200xi32, #tpu.memory_space<vmem>>
    %dma_wait3A_23 = arith.constant 0 : i32
    %dma_wait3A_24 = arith.constant 0 : i32
    %dma_wait3A_25 = tpu.memref_slice %arg2[%dma_wait3A_23, %dma_wait3A_24] : memref<10000x64xf32, #tpu.memory_space<hbm>> -> memref<10000x64xf32, #tpu.memory_space<hbm>>
    tpu.wait_indirect_dma semaphore(%arg13 : memref<!tpu.dma_semaphore, #tpu.memory_space<semaphore_mem>>) src(%dma_wait3A_25 : memref<10000x64xf32, #tpu.memory_space<hbm>>) dst(%arg8 : memref<200x64xf32, #tpu.memory_space<vmem>>)
    %dma_wait3A_26 = arith.constant 4800 : i32
    %dma_wait3A_27 = tpu.memref_slice %arg7[%dma_wait3A_26] : memref<5000xi32, #tpu.memory_space<vmem>> -> memref<200xi32, #tpu.memory_space<vmem>>
    %dma_wait3A_28 = arith.constant 0 : i32
    %dma_wait3A_29 = arith.constant 0 : i32
    %dma_wait3A_30 = tpu.memref_slice %arg3[%dma_wait3A_28, %dma_wait3A_29] : memref<10000x64xf32, #tpu.memory_space<hbm>> -> memref<10000x64xf32, #tpu.memory_space<hbm>>
    tpu.wait_indirect_dma semaphore(%arg14 : memref<!tpu.dma_semaphore, #tpu.memory_space<semaphore_mem>>) src(%dma_wait3A_30 : memref<10000x64xf32, #tpu.memory_space<hbm>>) dst(%arg9 : memref<200x64xf32, #tpu.memory_space<vmem>>)
    %scan3A_31 = arith.constant 0 : i32
    %scan3A_32 = arith.constant 0 : i32
    %scan3A_33 = arith.constant 100 : i32
    %scan3A_34 = arith.addi %scan3A_32, %scan3A_33 : i32
    %scan3A_35 = arith.constant 1 : i32
    scf.for %scan3A_39 = %scan3A_32 to %scan3A_34 step %scan3A_35  : i32 {
      %mul3A_40 = arith.constant 2 : i32
      %mul3A_41 = arith.muli %mul3A_40, %scan3A_39 : i32
      %add3A_42 = arith.constant 0 : i32
      %add3A_43 = arith.addi %mul3A_41, %add3A_42 : i32
      %get3A = arith.index_cast %add3A_43 : i32 to index
      %get3A_44 = arith.constant 0 : index
      %get3A_45 = tpu.vector_load %arg8[%get3A, %get3A_44] {strides = array<i32>} : memref<200x64xf32, #tpu.memory_space<vmem>>, vector<1x16xf32>,
      %get3A_46 = vector.shape_cast %get3A_45 : vector<1x16xf32> to vector<16xf32>
      %mul3A_47 = arith.constant 2 : i32
      %mul3A_48 = arith.muli %mul3A_47, %scan3A_39 : i32
      %add3A_49 = arith.constant 0 : i32
      %add3A_50 = arith.addi %mul3A_48, %add3A_49 : i32
      %get3A_51 = arith.index_cast %add3A_50 : i32 to index
      %get3A_52 = arith.constant 0 : index
      %get3A_53 = tpu.vector_load %arg9[%get3A_51, %get3A_52] {strides = array<i32>} : memref<200x64xf32, #tpu.memory_space<vmem>>, vector<1x16xf32>,
      %get3A_54 = vector.shape_cast %get3A_53 : vector<1x16xf32> to vector<16xf32>
      %add3A_55 = arith.addf %get3A_46, %get3A_54 : vector<16xf32>
      %mul3A_56 = arith.constant 2 : i32
      %mul3A_57 = arith.muli %mul3A_56, %scan3A_39 : i32
      %add3A_58 = arith.constant 0 : i32
      %add3A_59 = arith.addi %mul3A_57, %add3A_58 : i32
      %swap3A = arith.index_cast %add3A_59 : i32 to index
      %swap3A_60 = arith.constant 0 : index
      %swap3A_61 = tpu.vector_load %arg12[%swap3A, %swap3A_60] {strides = array<i32>} : memref<200x64xf32, #tpu.memory_space<vmem>>, vector<1x16xf32>,
      %swap3A_62 = vector.shape_cast %swap3A_61 : vector<1x16xf32> to vector<16xf32>
      %swap3A_63 = vector.shape_cast %add3A_55 : vector<16xf32> to vector<1x16xf32>
      tpu.vector_store %arg12[%swap3A, %swap3A_60], %swap3A_63 {strides = array<i32>} : memref<200x64xf32, #tpu.memory_space<vmem>>, vector<1x16xf32>,
      %mul3A_64 = arith.constant 2 : i32
      %mul3A_65 = arith.muli %mul3A_64, %scan3A_39 : i32
      %add3A_66 = arith.constant 0 : i32
      %add3A_67 = arith.addi %mul3A_65, %add3A_66 : i32
      %get3A_68 = arith.index_cast %add3A_67 : i32 to index
      %get3A_69 = arith.constant 16 : index
      %get3A_70 = tpu.vector_load %arg8[%get3A_68, %get3A_69] {strides = array<i32>} : memref<200x64xf32, #tpu.memory_space<vmem>>, vector<1x16xf32>,
      %get3A_71 = vector.shape_cast %get3A_70 : vector<1x16xf32> to vector<16xf32>
      %mul3A_72 = arith.constant 2 : i32
      %mul3A_73 = arith.muli %mul3A_72, %scan3A_39 : i32
      %add3A_74 = arith.constant 0 : i32
      %add3A_75 = arith.addi %mul3A_73, %add3A_74 : i32
      %get3A_76 = arith.index_cast %add3A_75 : i32 to index
      %get3A_77 = arith.constant 16 : index
      %get3A_78 = tpu.vector_load %arg9[%get3A_76, %get3A_77] {strides = array<i32>} : memref<200x64xf32, #tpu.memory_space<vmem>>, vector<1x16xf32>,
      %get3A_79 = vector.shape_cast %get3A_78 : vector<1x16xf32> to vector<16xf32>
      %add3A_80 = arith.addf %get3A_71, %get3A_79 : vector<16xf32>
      %mul3A_81 = arith.constant 2 : i32
      %mul3A_82 = arith.muli %mul3A_81, %scan3A_39 : i32
      %add3A_83 = arith.constant 0 : i32
      %add3A_84 = arith.addi %mul3A_82, %add3A_83 : i32
      %swap3A_85 = arith.index_cast %add3A_84 : i32 to index
      %swap3A_86 = arith.constant 16 : index
      %swap3A_87 = tpu.vector_load %arg12[%swap3A_85, %swap3A_86] {strides = array<i32>} : memref<200x64xf32, #tpu.memory_space<vmem>>, vector<1x16xf32>,
      %swap3A_88 = vector.shape_cast %swap3A_87 : vector<1x16xf32> to vector<16xf32>
      %swap3A_89 = vector.shape_cast %add3A_80 : vector<16xf32> to vector<1x16xf32>
      tpu.vector_store %arg12[%swap3A_85, %swap3A_86], %swap3A_89 {strides = array<i32>} : memref<200x64xf32, #tpu.memory_space<vmem>>, vector<1x16xf32>,
      %mul3A_90 = arith.constant 2 : i32
      %mul3A_91 = arith.muli %mul3A_90, %scan3A_39 : i32
      %add3A_92 = arith.constant 0 : i32
      %add3A_93 = arith.addi %mul3A_91, %add3A_92 : i32
      %get3A_94 = arith.index_cast %add3A_93 : i32 to index
      %get3A_95 = arith.constant 32 : index
      %get3A_96 = tpu.vector_load %arg8[%get3A_94, %get3A_95] {strides = array<i32>} : memref<200x64xf32, #tpu.memory_space<vmem>>, vector<1x16xf32>,
      %get3A_97 = vector.shape_cast %get3A_96 : vector<1x16xf32> to vector<16xf32>
      %mul3A_98 = arith.constant 2 : i32
      %mul3A_99 = arith.muli %mul3A_98, %scan3A_39 : i32
      %add3A_100 = arith.constant 0 : i32
      %add3A_101 = arith.addi %mul3A_99, %add3A_100 : i32
      %get3A_102 = arith.index_cast %add3A_101 : i32 to index
      %get3A_103 = arith.constant 32 : index
      %get3A_104 = tpu.vector_load %arg9[%get3A_102, %get3A_103] {strides = array<i32>} : memref<200x64xf32, #tpu.memory_space<vmem>>, vector<1x16xf32>,
      %get3A_105 = vector.shape_cast %get3A_104 : vector<1x16xf32> to vector<16xf32>
      %add3A_106 = arith.addf %get3A_97, %get3A_105 : vector<16xf32>
      %mul3A_107 = arith.constant 2 : i32
      %mul3A_108 = arith.muli %mul3A_107, %scan3A_39 : i32
      %add3A_109 = arith.constant 0 : i32
      %add3A_110 = arith.addi %mul3A_108, %add3A_109 : i32
      %swap3A_111 = arith.index_cast %add3A_110 : i32 to index
      %swap3A_112 = arith.constant 32 : index
      %swap3A_113 = tpu.vector_load %arg12[%swap3A_111, %swap3A_112] {strides = array<i32>} : memref<200x64xf32, #tpu.memory_space<vmem>>, vector<1x16xf32>,
      %swap3A_114 = vector.shape_cast %swap3A_113 : vector<1x16xf32> to vector<16xf32>
      %swap3A_115 = vector.shape_cast %add3A_106 : vector<16xf32> to vector<1x16xf32>
      tpu.vector_store %arg12[%swap3A_111, %swap3A_112], %swap3A_115 {strides = array<i32>} : memref<200x64xf32, #tpu.memory_space<vmem>>, vector<1x16xf32>,
      %mul3A_116 = arith.constant 2 : i32
      %mul3A_117 = arith.muli %mul3A_116, %scan3A_39 : i32
      %add3A_118 = arith.constant 0 : i32
      %add3A_119 = arith.addi %mul3A_117, %add3A_118 : i32
      %get3A_120 = arith.index_cast %add3A_119 : i32 to index
      %get3A_121 = arith.constant 48 : index
      %get3A_122 = tpu.vector_load %arg8[%get3A_120, %get3A_121] {strides = array<i32>} : memref<200x64xf32, #tpu.memory_space<vmem>>, vector<1x16xf32>,
      %get3A_123 = vector.shape_cast %get3A_122 : vector<1x16xf32> to vector<16xf32>
      %mul3A_124 = arith.constant 2 : i32
      %mul3A_125 = arith.muli %mul3A_124, %scan3A_39 : i32
      %add3A_126 = arith.constant 0 : i32
      %add3A_127 = arith.addi %mul3A_125, %add3A_126 : i32
      %get3A_128 = arith.index_cast %add3A_127 : i32 to index
      %get3A_129 = arith.constant 48 : index
      %get3A_130 = tpu.vector_load %arg9[%get3A_128, %get3A_129] {strides = array<i32>} : memref<200x64xf32, #tpu.memory_space<vmem>>, vector<1x16xf32>,
      %get3A_131 = vector.shape_cast %get3A_130 : vector<1x16xf32> to vector<16xf32>
      %add3A_132 = arith.addf %get3A_123, %get3A_131 : vector<16xf32>
      %mul3A_133 = arith.constant 2 : i32
      %mul3A_134 = arith.muli %mul3A_133, %scan3A_39 : i32
      %add3A_135 = arith.constant 0 : i32
      %add3A_136 = arith.addi %mul3A_134, %add3A_135 : i32
      %swap3A_137 = arith.index_cast %add3A_136 : i32 to index
      %swap3A_138 = arith.constant 48 : index
      %swap3A_139 = tpu.vector_load %arg12[%swap3A_137, %swap3A_138] {strides = array<i32>} : memref<200x64xf32, #tpu.memory_space<vmem>>, vector<1x16xf32>,
      %swap3A_140 = vector.shape_cast %swap3A_139 : vector<1x16xf32> to vector<16xf32>
      %swap3A_141 = vector.shape_cast %add3A_132 : vector<16xf32> to vector<1x16xf32>
      tpu.vector_store %arg12[%swap3A_137, %swap3A_138], %swap3A_141 {strides = array<i32>} : memref<200x64xf32, #tpu.memory_space<vmem>>, vector<1x16xf32>,
      %mul3A_142 = arith.constant 2 : i32
      %mul3A_143 = arith.muli %mul3A_142, %scan3A_39 : i32
      %add3A_144 = arith.constant 1 : i32
      %add3A_145 = arith.addi %mul3A_143, %add3A_144 : i32
      %get3A_146 = arith.index_cast %add3A_145 : i32 to index
      %get3A_147 = arith.constant 0 : index
      %get3A_148 = tpu.vector_load %arg8[%get3A_146, %get3A_147] {strides = array<i32>} : memref<200x64xf32, #tpu.memory_space<vmem>>, vector<1x16xf32>,
      %get3A_149 = vector.shape_cast %get3A_148 : vector<1x16xf32> to vector<16xf32>
      %mul3A_150 = arith.constant 2 : i32
      %mul3A_151 = arith.muli %mul3A_150, %scan3A_39 : i32
      %add3A_152 = arith.constant 1 : i32
      %add3A_153 = arith.addi %mul3A_151, %add3A_152 : i32
      %get3A_154 = arith.index_cast %add3A_153 : i32 to index
      %get3A_155 = arith.constant 0 : index
      %get3A_156 = tpu.vector_load %arg9[%get3A_154, %get3A_155] {strides = array<i32>} : memref<200x64xf32, #tpu.memory_space<vmem>>, vector<1x16xf32>,
      %get3A_157 = vector.shape_cast %get3A_156 : vector<1x16xf32> to vector<16xf32>
      %add3A_158 = arith.addf %get3A_149, %get3A_157 : vector<16xf32>
      %mul3A_159 = arith.constant 2 : i32
      %mul3A_160 = arith.muli %mul3A_159, %scan3A_39 : i32
      %add3A_161 = arith.constant 1 : i32
      %add3A_162 = arith.addi %mul3A_160, %add3A_161 : i32
      %swap3A_163 = arith.index_cast %add3A_162 : i32 to index
      %swap3A_164 = arith.constant 0 : index
      %swap3A_165 = tpu.vector_load %arg12[%swap3A_163, %swap3A_164] {strides = array<i32>} : memref<200x64xf32, #tpu.memory_space<vmem>>, vector<1x16xf32>,
      %swap3A_166 = vector.shape_cast %swap3A_165 : vector<1x16xf32> to vector<16xf32>
      %swap3A_167 = vector.shape_cast %add3A_158 : vector<16xf32> to vector<1x16xf32>
      tpu.vector_store %arg12[%swap3A_163, %swap3A_164], %swap3A_167 {strides = array<i32>} : memref<200x64xf32, #tpu.memory_space<vmem>>, vector<1x16xf32>,
      %mul3A_168 = arith.constant 2 : i32
      %mul3A_169 = arith.muli %mul3A_168, %scan3A_39 : i32
      %add3A_170 = arith.constant 1 : i32
      %add3A_171 = arith.addi %mul3A_169, %add3A_170 : i32
      %get3A_172 = arith.index_cast %add3A_171 : i32 to index
      %get3A_173 = arith.constant 16 : index
      %get3A_174 = tpu.vector_load %arg8[%get3A_172, %get3A_173] {strides = array<i32>} : memref<200x64xf32, #tpu.memory_space<vmem>>, vector<1x16xf32>,
      %get3A_175 = vector.shape_cast %get3A_174 : vector<1x16xf32> to vector<16xf32>
      %mul3A_176 = arith.constant 2 : i32
      %mul3A_177 = arith.muli %mul3A_176, %scan3A_39 : i32
      %add3A_178 = arith.constant 1 : i32
      %add3A_179 = arith.addi %mul3A_177, %add3A_178 : i32
      %get3A_180 = arith.index_cast %add3A_179 : i32 to index
      %get3A_181 = arith.constant 16 : index
      %get3A_182 = tpu.vector_load %arg9[%get3A_180, %get3A_181] {strides = array<i32>} : memref<200x64xf32, #tpu.memory_space<vmem>>, vector<1x16xf32>,
      %get3A_183 = vector.shape_cast %get3A_182 : vector<1x16xf32> to vector<16xf32>
      %add3A_184 = arith.addf %get3A_175, %get3A_183 : vector<16xf32>
      %mul3A_185 = arith.constant 2 : i32
      %mul3A_186 = arith.muli %mul3A_185, %scan3A_39 : i32
      %add3A_187 = arith.constant 1 : i32
      %add3A_188 = arith.addi %mul3A_186, %add3A_187 : i32
      %swap3A_189 = arith.index_cast %add3A_188 : i32 to index
      %swap3A_190 = arith.constant 16 : index
      %swap3A_191 = tpu.vector_load %arg12[%swap3A_189, %swap3A_190] {strides = array<i32>} : memref<200x64xf32, #tpu.memory_space<vmem>>, vector<1x16xf32>,
      %swap3A_192 = vector.shape_cast %swap3A_191 : vector<1x16xf32> to vector<16xf32>
      %swap3A_193 = vector.shape_cast %add3A_184 : vector<16xf32> to vector<1x16xf32>
      tpu.vector_store %arg12[%swap3A_189, %swap3A_190], %swap3A_193 {strides = array<i32>} : memref<200x64xf32, #tpu.memory_space<vmem>>, vector<1x16xf32>,
      %mul3A_194 = arith.constant 2 : i32
      %mul3A_195 = arith.muli %mul3A_194, %scan3A_39 : i32
      %add3A_196 = arith.constant 1 : i32
      %add3A_197 = arith.addi %mul3A_195, %add3A_196 : i32
      %get3A_198 = arith.index_cast %add3A_197 : i32 to index
      %get3A_199 = arith.constant 32 : index
      %get3A_200 = tpu.vector_load %arg8[%get3A_198, %get3A_199] {strides = array<i32>} : memref<200x64xf32, #tpu.memory_space<vmem>>, vector<1x16xf32>,
      %get3A_201 = vector.shape_cast %get3A_200 : vector<1x16xf32> to vector<16xf32>
      %mul3A_202 = arith.constant 2 : i32
      %mul3A_203 = arith.muli %mul3A_202, %scan3A_39 : i32
      %add3A_204 = arith.constant 1 : i32
      %add3A_205 = arith.addi %mul3A_203, %add3A_204 : i32
      %get3A_206 = arith.index_cast %add3A_205 : i32 to index
      %get3A_207 = arith.constant 32 : index
      %get3A_208 = tpu.vector_load %arg9[%get3A_206, %get3A_207] {strides = array<i32>} : memref<200x64xf32, #tpu.memory_space<vmem>>, vector<1x16xf32>,
      %get3A_209 = vector.shape_cast %get3A_208 : vector<1x16xf32> to vector<16xf32>
      %add3A_210 = arith.addf %get3A_201, %get3A_209 : vector<16xf32>
      %mul3A_211 = arith.constant 2 : i32
      %mul3A_212 = arith.muli %mul3A_211, %scan3A_39 : i32
      %add3A_213 = arith.constant 1 : i32
      %add3A_214 = arith.addi %mul3A_212, %add3A_213 : i32
      %swap3A_215 = arith.index_cast %add3A_214 : i32 to index
      %swap3A_216 = arith.constant 32 : index
      %swap3A_217 = tpu.vector_load %arg12[%swap3A_215, %swap3A_216] {strides = array<i32>} : memref<200x64xf32, #tpu.memory_space<vmem>>, vector<1x16xf32>,
      %swap3A_218 = vector.shape_cast %swap3A_217 : vector<1x16xf32> to vector<16xf32>
      %swap3A_219 = vector.shape_cast %add3A_210 : vector<16xf32> to vector<1x16xf32>
      tpu.vector_store %arg12[%swap3A_215, %swap3A_216], %swap3A_219 {strides = array<i32>} : memref<200x64xf32, #tpu.memory_space<vmem>>, vector<1x16xf32>,
      %mul3A_220 = arith.constant 2 : i32
      %mul3A_221 = arith.muli %mul3A_220, %scan3A_39 : i32
      %add3A_222 = arith.constant 1 : i32
      %add3A_223 = arith.addi %mul3A_221, %add3A_222 : i32
      %get3A_224 = arith.index_cast %add3A_223 : i32 to index
      %get3A_225 = arith.constant 48 : index
      %get3A_226 = tpu.vector_load %arg8[%get3A_224, %get3A_225] {strides = array<i32>} : memref<200x64xf32, #tpu.memory_space<vmem>>, vector<1x16xf32>,
      %get3A_227 = vector.shape_cast %get3A_226 : vector<1x16xf32> to vector<16xf32>
      %mul3A_228 = arith.constant 2 : i32
      %mul3A_229 = arith.muli %mul3A_228, %scan3A_39 : i32
      %add3A_230 = arith.constant 1 : i32
      %add3A_231 = arith.addi %mul3A_229, %add3A_230 : i32
      %get3A_232 = arith.index_cast %add3A_231 : i32 to index
      %get3A_233 = arith.constant 48 : index
      %get3A_234 = tpu.vector_load %arg9[%get3A_232, %get3A_233] {strides = array<i32>} : memref<200x64xf32, #tpu.memory_space<vmem>>, vector<1x16xf32>,
      %get3A_235 = vector.shape_cast %get3A_234 : vector<1x16xf32> to vector<16xf32>
      %add3A_236 = arith.addf %get3A_227, %get3A_235 : vector<16xf32>
      %mul3A_237 = arith.constant 2 : i32
      %mul3A_238 = arith.muli %mul3A_237, %scan3A_39 : i32
      %add3A_239 = arith.constant 1 : i32
      %add3A_240 = arith.addi %mul3A_238, %add3A_239 : i32
      %swap3A_241 = arith.index_cast %add3A_240 : i32 to index
      %swap3A_242 = arith.constant 48 : index
      %swap3A_243 = tpu.vector_load %arg12[%swap3A_241, %swap3A_242] {strides = array<i32>} : memref<200x64xf32, #tpu.memory_space<vmem>>, vector<1x16xf32>,
      %swap3A_244 = vector.shape_cast %swap3A_243 : vector<1x16xf32> to vector<16xf32>
      %swap3A_245 = vector.shape_cast %add3A_236 : vector<16xf32> to vector<1x16xf32>
      tpu.vector_store %arg12[%swap3A_241, %swap3A_242], %swap3A_245 {strides = array<i32>} : memref<200x64xf32, #tpu.memory_space<vmem>>, vector<1x16xf32>,
    }
    %scan3A_36 = arith.constant 100 : i32
    %add3A_37 = arith.constant 4800 : i32
    %add3A_38 = arith.addi %mul3A_2, %add3A_37 : i32
    "tpu.region"() ({
      %run_scoped3A_39 = tpu.sem_alloc : memref<!tpu.dma_semaphore, #tpu.memory_space<semaphore_mem>>
      %dma_start3A_40 = arith.constant 0 : i32
      %dma_start3A_41 = tpu.memref_slice %arg5[%add3A_38, %dma_start3A_40] : memref<160000x128xf32, #tpu.memory_space<hbm>> -> memref<200x64xf32, #tpu.memory_space<hbm>>
      %dma_start3A_42 = arith.constant 0 : i32
      %dma_start3A_43 = tpu.memref_slice %arg5[%add3A_38, %dma_start3A_42] : memref<160000x128xf32, #tpu.memory_space<hbm>> -> memref<200x64xf32, #tpu.memory_space<hbm>>
      tpu.enqueue_dma source(%arg12 : memref<200x64xf32, #tpu.memory_space<vmem>>) target(%dma_start3A_43 : memref<200x64xf32, #tpu.memory_space<hbm>>) target_semaphore(%run_scoped3A_39 : memref<!tpu.dma_semaphore, #tpu.memory_space<semaphore_mem>>)
      %dma_wait3A_44 = arith.constant 0 : i32
      %dma_wait3A_45 = tpu.memref_slice %arg5[%add3A_38, %dma_wait3A_44] : memref<160000x128xf32, #tpu.memory_space<hbm>> -> memref<200x64xf32, #tpu.memory_space<hbm>>
      %dma_wait3A_46 = arith.constant 0 : i32
      %dma_wait3A_47 = tpu.memref_slice %arg5[%add3A_38, %dma_wait3A_46] : memref<160000x128xf32, #tpu.memory_space<hbm>> -> memref<200x64xf32, #tpu.memory_space<hbm>>
      tpu.wait_dma2 semaphore(%run_scoped3A_39 : memref<!tpu.dma_semaphore, #tpu.memory_space<semaphore_mem>>) src(%arg12 : memref<200x64xf32, #tpu.memory_space<vmem>>) dst(%dma_wait3A_47 : memref<200x64xf32, #tpu.memory_space<hbm>>)
      tpu.yield
    }) : () -> ()
    return
  }
}

module attributes {stable_mosaic.version = 14 : i64} {
  func.func @_proj_body(%arg0: memref<10000x128xf32, #tpu.memory_space<vmem>>, %arg1: memref<128x128xf32, #tpu.memory_space<vmem>>, %arg2: memref<1x128xf32, #tpu.memory_space<vmem>>, %arg3: memref<10000x64xf32, #tpu.memory_space<vmem>>, %arg4: memref<10000x64xf32, #tpu.memory_space<vmem>>) attributes {dimension_semantics = [], scalar_prefetch = 0 : i64, scratch_operands = 0 : i64, tpu.core_type = #tpu.core_type<tc>} {
    %get3A = arith.constant 0 : index
    %get3A_0 = arith.constant 0 : index
    %get3A_1 = vector.load %arg0[%get3A, %get3A_0] : memref<10000x128xf32, #tpu.memory_space<vmem>>, vector<10000x128xf32>
    %get3A_2 = arith.constant 0 : index
    %get3A_3 = arith.constant 0 : index
    %get3A_4 = vector.load %arg1[%get3A_2, %get3A_3] : memref<128x128xf32, #tpu.memory_space<vmem>>, vector<128x128xf32>
    %dot_general3A = arith.constant dense<0.000000e+00> : vector<10000x128xf32>
    %dot_general3A_5 = tpu.matmul %get3A_1, %get3A_4, %dot_general3A {dimension_numbers = #tpu.dot_dimension_numbers<[1], [0], [0], [1], [0, 0, 1, 1], [], []>, transpose_lhs_hint = false} : vector<10000x128xf32>, vector<128x128xf32>, vector<10000x128xf32> -> vector<10000x128xf32>
    %get3A_6 = arith.constant 0 : index
    %get3A_7 = arith.constant 0 : index
    %get3A_8 = vector.load %arg2[%get3A_6, %get3A_7] : memref<1x128xf32, #tpu.memory_space<vmem>>, vector<1x128xf32>
    %add3A = vector.broadcast %get3A_8 : vector<1x128xf32> to vector<10000x128xf32>
    %add3A_9 = arith.addf %dot_general3A_5, %add3A : vector<10000x128xf32>
    %slice3A = vector.extract_strided_slice %add3A_9 {offsets = [0, 0], sizes = [10000, 64], strides = [1, 1]} : vector<10000x128xf32> to vector<10000x64xf32>
    %swap3A = arith.constant 0 : index
    %swap3A_10 = arith.constant 0 : index
    %swap3A_11 = vector.load %arg3[%swap3A, %swap3A_10] : memref<10000x64xf32, #tpu.memory_space<vmem>>, vector<10000x64xf32>
    tpu.vector_store %arg3[%swap3A, %swap3A_10], %slice3A {strides = array<i32>} : memref<10000x64xf32, #tpu.memory_space<vmem>>, vector<10000x64xf32>,
    %slice3A_12 = vector.extract_strided_slice %add3A_9 {offsets = [0, 64], sizes = [10000, 64], strides = [1, 1]} : vector<10000x128xf32> to vector<10000x64xf32>
    %swap3A_13 = arith.constant 0 : index
    %swap3A_14 = arith.constant 0 : index
    %swap3A_15 = vector.load %arg4[%swap3A_13, %swap3A_14] : memref<10000x64xf32, #tpu.memory_space<vmem>>, vector<10000x64xf32>
    tpu.vector_store %arg4[%swap3A_13, %swap3A_14], %slice3A_12 {strides = array<i32>} : memref<10000x64xf32, #tpu.memory_space<vmem>>, vector<10000x64xf32>,
    return
  }
}

module attributes {stable_mosaic.version = 14 : i64} {
  func.func @_mlp_body(%arg0: i32, %arg1: memref<16x6400xf32, #tpu.memory_space<vmem>>, %arg2: memref<6400x128xf32, #tpu.memory_space<vmem>>, %arg3: memref<16x64xf32, #tpu.memory_space<vmem>>, %arg4: memref<64x64xf32, #tpu.memory_space<vmem>>, %arg5: memref<1x64xf32, #tpu.memory_space<vmem>>, %arg6: memref<64x16xf32, #tpu.memory_space<vmem>>, %arg7: memref<16x1xf32, #tpu.memory_space<vmem>>, %arg8: memref<16x1xf32, #tpu.memory_space<vmem>>, %arg9: memref<16x1xf32, #tpu.memory_space<vmem>>, %arg10: memref<16x6400xf32, #tpu.memory_space<vmem>>) attributes {dimension_semantics = [#tpu.dimension_semantics<arbitrary>], iteration_bounds = array<i64: 25>, scalar_prefetch = 0 : i64, scratch_operands = 0 : i64, tpu.core_type = #tpu.core_type<tc>, window_params = [{transform_indices = @transform_0, window_bounds = array<i64: 16, 6400>}, {transform_indices = @transform_1, window_bounds = array<i64: 6400, 128>}, {pipeline_mode = #tpu.pipeline_mode<synchronous>, transform_indices = @transform_2, window_bounds = array<i64: 16, 64>}, {pipeline_mode = #tpu.pipeline_mode<synchronous>, transform_indices = @transform_3, window_bounds = array<i64: 64, 64>}, {pipeline_mode = #tpu.pipeline_mode<synchronous>, transform_indices = @transform_4, window_bounds = array<i64: 1, 64>}, {pipeline_mode = #tpu.pipeline_mode<synchronous>, transform_indices = @transform_5, window_bounds = array<i64: 64, 16>}, {pipeline_mode = #tpu.pipeline_mode<synchronous>, transform_indices = @transform_6, window_bounds = array<i64: 16, 1>}, {pipeline_mode = #tpu.pipeline_mode<synchronous>, transform_indices = @transform_7, window_bounds = array<i64: 16, 1>}, {pipeline_mode = #tpu.pipeline_mode<synchronous>, transform_indices = @transform_8, window_bounds = array<i64: 16, 1>}, {transform_indices = @transform_9, window_bounds = array<i64: 16, 6400>}]} {
    %get3A = arith.constant 0 : index
    %get3A_0 = arith.constant 0 : index
    %get3A_1 = vector.load %arg1[%get3A, %get3A_0] : memref<16x6400xf32, #tpu.memory_space<vmem>>, vector<16x6400xf32>
    %get3A_2 = arith.constant 0 : index
    %get3A_3 = arith.constant 0 : index
    %get3A_4 = vector.load %arg3[%get3A_2, %get3A_3] : memref<16x64xf32, #tpu.memory_space<vmem>>, vector<16x64xf32>
    %dot_general3A = arith.constant dense<0.000000e+00> : vector<6400x64xf32>
    %dot_general3A_5 = tpu.matmul %get3A_1, %get3A_4, %dot_general3A {dimension_numbers = #tpu.dot_dimension_numbers<[0], [0], [1], [1], [0, 1, 1, 1], [], []>, transpose_lhs_hint = false} : vector<16x6400xf32>, vector<16x64xf32>, vector<6400x64xf32> -> vector<6400x64xf32>
    %get3A_6 = arith.constant 0 : index
    %get3A_7 = arith.constant 0 : index
    %get3A_8 = vector.load %arg2[%get3A_6, %get3A_7] : memref<6400x128xf32, #tpu.memory_space<vmem>>, vector<6400x64xf32>
    %add3A = arith.addf %dot_general3A_5, %get3A_8 : vector<6400x64xf32>
    %max3A = arith.constant 0.000000e+00 : f32
    %max3A_9 = vector.broadcast %max3A : f32 to vector<6400x64xf32>
    %max3A_10 = arith.maximumf %add3A, %max3A_9 : vector<6400x64xf32>
    %get3A_11 = arith.constant 0 : index
    %get3A_12 = arith.constant 0 : index
    %get3A_13 = vector.load %arg4[%get3A_11, %get3A_12] : memref<64x64xf32, #tpu.memory_space<vmem>>, vector<64x64xf32>
    %dot_general3A_14 = arith.constant dense<0.000000e+00> : vector<6400x64xf32>
    %dot_general3A_15 = tpu.matmul %max3A_10, %get3A_13, %dot_general3A_14 {dimension_numbers = #tpu.dot_dimension_numbers<[1], [0], [0], [1], [0, 0, 1, 1], [], []>, transpose_lhs_hint = false} : vector<6400x64xf32>, vector<64x64xf32>, vector<6400x64xf32> -> vector<6400x64xf32>
    %get3A_16 = arith.constant 0 : index
    %get3A_17 = arith.constant 0 : index
    %get3A_18 = vector.load %arg5[%get3A_16, %get3A_17] : memref<1x64xf32, #tpu.memory_space<vmem>>, vector<1x64xf32>
    %add3A_19 = vector.broadcast %get3A_18 : vector<1x64xf32> to vector<6400x64xf32>
    %add3A_20 = arith.addf %dot_general3A_15, %add3A_19 : vector<6400x64xf32>
    %max3A_21 = arith.constant 0.000000e+00 : f32
    %max3A_22 = vector.broadcast %max3A_21 : f32 to vector<6400x64xf32>
    %max3A_23 = arith.maximumf %add3A_20, %max3A_22 : vector<6400x64xf32>
    %get3A_24 = arith.constant 0 : index
    %get3A_25 = arith.constant 0 : index
    %get3A_26 = vector.load %arg6[%get3A_24, %get3A_25] : memref<64x16xf32, #tpu.memory_space<vmem>>, vector<64x16xf32>
    %dot_general3A_27 = arith.constant dense<0.000000e+00> : vector<16x6400xf32>
    %dot_general3A_28 = tpu.matmul %get3A_26, %max3A_23, %dot_general3A_27 {dimension_numbers = #tpu.dot_dimension_numbers<[0], [1], [1], [0], [0, 1, 1, 0], [], []>, transpose_lhs_hint = false} : vector<64x16xf32>, vector<6400x64xf32>, vector<16x6400xf32> -> vector<16x6400xf32>
    %get3A_29 = arith.constant 0 : index
    %get3A_30 = arith.constant 0 : index
    %get3A_31 = vector.load %arg7[%get3A_29, %get3A_30] : memref<16x1xf32, #tpu.memory_space<vmem>>, vector<16x1xf32>
    %add3A_32 = vector.broadcast %get3A_31 : vector<16x1xf32> to vector<16x6400xf32>
    %add3A_33 = arith.addf %dot_general3A_28, %add3A_32 : vector<16x6400xf32>
    %reduce_sum3A = arith.constant dense<0.000000e+00> : vector<6400xf32>
    %reduce_sum3A_34 = vector.multi_reduction <add>, %add3A_33, %reduce_sum3A [0] : vector<16x6400xf32> to vector<6400xf32>
    %broadcast_in_dim3A = vector.shape_cast %reduce_sum3A_34 : vector<6400xf32> to vector<1x6400xf32>
    %div3A = arith.constant 1.600000e+01 : f32
    %div3A_35 = vector.broadcast %div3A : f32 to vector<1x6400xf32>
    %div3A_36 = arith.divf %broadcast_in_dim3A, %div3A_35 : vector<1x6400xf32>
    %sub3A = vector.broadcast %div3A_36 : vector<1x6400xf32> to vector<16x6400xf32>
    %sub3A_37 = arith.subf %add3A_33, %sub3A : vector<16x6400xf32>
    %mul3A = arith.mulf %sub3A_37, %sub3A_37 : vector<16x6400xf32>
    %reduce_sum3A_38 = arith.constant dense<0.000000e+00> : vector<6400xf32>
    %reduce_sum3A_39 = vector.multi_reduction <add>, %mul3A, %reduce_sum3A_38 [0] : vector<16x6400xf32> to vector<6400xf32>
    %broadcast_in_dim3A_40 = vector.shape_cast %reduce_sum3A_39 : vector<6400xf32> to vector<1x6400xf32>
    %div3A_41 = arith.constant 1.600000e+01 : f32
    %div3A_42 = vector.broadcast %div3A_41 : f32 to vector<1x6400xf32>
    %div3A_43 = arith.divf %broadcast_in_dim3A_40, %div3A_42 : vector<1x6400xf32>
    %add3A_44 = arith.constant 9.99999974E-6 : f32
    %add3A_45 = vector.broadcast %add3A_44 : f32 to vector<1x6400xf32>
    %add3A_46 = arith.addf %div3A_43, %add3A_45 : vector<1x6400xf32>
    %rsqrt3A = math.rsqrt %add3A_46 : vector<1x6400xf32>
    %mul3A_47 = vector.broadcast %rsqrt3A : vector<1x6400xf32> to vector<16x6400xf32>
    %mul3A_48 = arith.mulf %sub3A_37, %mul3A_47 : vector<16x6400xf32>
    %get3A_49 = arith.constant 0 : index
    %get3A_50 = arith.constant 0 : index
    %get3A_51 = vector.load %arg8[%get3A_49, %get3A_50] : memref<16x1xf32, #tpu.memory_space<vmem>>, vector<16x1xf32>
    %mul3A_52 = vector.broadcast %get3A_51 : vector<16x1xf32> to vector<16x6400xf32>
    %mul3A_53 = arith.mulf %mul3A_48, %mul3A_52 : vector<16x6400xf32>
    %get3A_54 = arith.constant 0 : index
    %get3A_55 = arith.constant 0 : index
    %get3A_56 = vector.load %arg9[%get3A_54, %get3A_55] : memref<16x1xf32, #tpu.memory_space<vmem>>, vector<16x1xf32>
    %add3A_57 = vector.broadcast %get3A_56 : vector<16x1xf32> to vector<16x6400xf32>
    %add3A_58 = arith.addf %mul3A_53, %add3A_57 : vector<16x6400xf32>
    %swap3A = arith.constant 0 : index
    %swap3A_59 = arith.constant 0 : index
    %swap3A_60 = vector.load %arg10[%swap3A, %swap3A_59] : memref<16x6400xf32, #tpu.memory_space<vmem>>, vector<16x6400xf32>
    tpu.vector_store %arg10[%swap3A, %swap3A_59], %add3A_58 {strides = array<i32>} : memref<16x6400xf32, #tpu.memory_space<vmem>>, vector<16x6400xf32>,
    return
  }
  func.func @transform_0(%arg0: i32) -> (i32, i32) {
    %add3A = arith.constant 0 : i32
    %add3A_0 = arith.addi %arg0, %add3A : i32
    %c0_i32 = arith.constant 0 : i32
    %c0_i32_1 = arith.constant 0 : i32
    return %c0_i32, %add3A_0 : i32, i32
  }
  func.func @transform_1(%arg0: i32) -> (i32, i32) {
    %c0_i32 = arith.constant 0 : i32
    %c0_i32_0 = arith.constant 0 : i32
    return %arg0, %c0_i32 : i32, i32
  }
  func.func @transform_2(%arg0: i32) -> (i32, i32) {
    %c0_i32 = arith.constant 0 : i32
    %c0_i32_0 = arith.constant 0 : i32
    %c0_i32_1 = arith.constant 0 : i32
    return %c0_i32, %c0_i32_0 : i32, i32
  }
  func.func @transform_3(%arg0: i32) -> (i32, i32) {
    %c0_i32 = arith.constant 0 : i32
    %c0_i32_0 = arith.constant 0 : i32
    %c0_i32_1 = arith.constant 0 : i32
    return %c0_i32, %c0_i32_0 : i32, i32
  }
  func.func @transform_4(%arg0: i32) -> (i32, i32) {
    %c0_i32 = arith.constant 0 : i32
    %c0_i32_0 = arith.constant 0 : i32
    %c0_i32_1 = arith.constant 0 : i32
    return %c0_i32, %c0_i32_0 : i32, i32
  }
  func.func @transform_5(%arg0: i32) -> (i32, i32) {
    %c0_i32 = arith.constant 0 : i32
    %c0_i32_0 = arith.constant 0 : i32
    %c0_i32_1 = arith.constant 0 : i32
    return %c0_i32, %c0_i32_0 : i32, i32
  }
  func.func @transform_6(%arg0: i32) -> (i32, i32) {
    %c0_i32 = arith.constant 0 : i32
    %c0_i32_0 = arith.constant 0 : i32
    %c0_i32_1 = arith.constant 0 : i32
    return %c0_i32, %c0_i32_0 : i32, i32
  }
  func.func @transform_7(%arg0: i32) -> (i32, i32) {
    %c0_i32 = arith.constant 0 : i32
    %c0_i32_0 = arith.constant 0 : i32
    %c0_i32_1 = arith.constant 0 : i32
    return %c0_i32, %c0_i32_0 : i32, i32
  }
  func.func @transform_8(%arg0: i32) -> (i32, i32) {
    %c0_i32 = arith.constant 0 : i32
    %c0_i32_0 = arith.constant 0 : i32
    %c0_i32_1 = arith.constant 0 : i32
    return %c0_i32, %c0_i32_0 : i32, i32
  }
  func.func @transform_9(%arg0: i32) -> (i32, i32) {
    %add3A = arith.constant 0 : i32
    %add3A_0 = arith.addi %arg0, %add3A : i32
    %c0_i32 = arith.constant 0 : i32
    %c0_i32_1 = arith.constant 0 : i32
    return %c0_i32, %add3A_0 : i32, i32
  }
}

module attributes {stable_mosaic.version = 14 : i64} {
  func.func @_lambda_(%arg0: i32, %arg1: memref<16x320000xf32, #tpu.memory_space<any>>, %arg2: memref<16x6400xf32, #tpu.memory_space<vmem>>, %arg3: memref<6400x128xf32, #tpu.memory_space<vmem>>, %arg4: memref<16x64xf32, #tpu.memory_space<vmem>>, %arg5: memref<64x64xf32, #tpu.memory_space<vmem>>, %arg6: memref<1x64xf32, #tpu.memory_space<vmem>>, %arg7: memref<64x16xf32, #tpu.memory_space<vmem>>, %arg8: memref<16x1xf32, #tpu.memory_space<vmem>>, %arg9: memref<16x1xf32, #tpu.memory_space<vmem>>, %arg10: memref<16x1xf32, #tpu.memory_space<vmem>>, %arg11: memref<16x6400xf32, #tpu.memory_space<vmem>>) attributes {dimension_semantics = [#tpu.dimension_semantics<arbitrary>], iteration_bounds = array<i64: 25>, scalar_prefetch = 0 : i64, scratch_operands = 0 : i64, tpu.core_type = #tpu.core_type<tc>, window_params = [{}, {transform_indices = @transform_1, window_bounds = array<i64: 16, 6400>}, {transform_indices = @transform_2, window_bounds = array<i64: 6400, 128>}, {pipeline_mode = #tpu.pipeline_mode<synchronous>, transform_indices = @transform_3, window_bounds = array<i64: 16, 64>}, {pipeline_mode = #tpu.pipeline_mode<synchronous>, transform_indices = @transform_4, window_bounds = array<i64: 64, 64>}, {pipeline_mode = #tpu.pipeline_mode<synchronous>, transform_indices = @transform_5, window_bounds = array<i64: 1, 64>}, {pipeline_mode = #tpu.pipeline_mode<synchronous>, transform_indices = @transform_6, window_bounds = array<i64: 64, 16>}, {pipeline_mode = #tpu.pipeline_mode<synchronous>, transform_indices = @transform_7, window_bounds = array<i64: 16, 1>}, {pipeline_mode = #tpu.pipeline_mode<synchronous>, transform_indices = @transform_8, window_bounds = array<i64: 16, 1>}, {pipeline_mode = #tpu.pipeline_mode<synchronous>, transform_indices = @transform_9, window_bounds = array<i64: 16, 1>}, {transform_indices = @transform_10, window_bounds = array<i64: 16, 6400>}]} {
    %get3A = arith.constant 0 : index
    %get3A_0 = arith.constant 0 : index
    %get3A_1 = vector.load %arg2[%get3A, %get3A_0] : memref<16x6400xf32, #tpu.memory_space<vmem>>, vector<16x6400xf32>
    %get3A_2 = arith.constant 0 : index
    %get3A_3 = arith.constant 0 : index
    %get3A_4 = vector.load %arg4[%get3A_2, %get3A_3] : memref<16x64xf32, #tpu.memory_space<vmem>>, vector<16x64xf32>
    %dot_general3A = arith.constant dense<0.000000e+00> : vector<6400x64xf32>
    %dot_general3A_5 = tpu.matmul %get3A_1, %get3A_4, %dot_general3A {dimension_numbers = #tpu.dot_dimension_numbers<[0], [0], [1], [1], [0, 1, 1, 1], [], []>, transpose_lhs_hint = false} : vector<16x6400xf32>, vector<16x64xf32>, vector<6400x64xf32> -> vector<6400x64xf32>
    %get3A_6 = arith.constant 0 : index
    %get3A_7 = arith.constant 0 : index
    %get3A_8 = vector.load %arg3[%get3A_6, %get3A_7] : memref<6400x128xf32, #tpu.memory_space<vmem>>, vector<6400x64xf32>
    %add3A = arith.addf %dot_general3A_5, %get3A_8 : vector<6400x64xf32>
    %max3A = arith.constant 0.000000e+00 : f32
    %max3A_9 = vector.broadcast %max3A : f32 to vector<6400x64xf32>
    %max3A_10 = arith.maximumf %add3A, %max3A_9 : vector<6400x64xf32>
    %get3A_11 = arith.constant 0 : index
    %get3A_12 = arith.constant 0 : index
    %get3A_13 = vector.load %arg5[%get3A_11, %get3A_12] : memref<64x64xf32, #tpu.memory_space<vmem>>, vector<64x64xf32>
    %dot_general3A_14 = arith.constant dense<0.000000e+00> : vector<6400x64xf32>
    %dot_general3A_15 = tpu.matmul %max3A_10, %get3A_13, %dot_general3A_14 {dimension_numbers = #tpu.dot_dimension_numbers<[1], [0], [0], [1], [0, 0, 1, 1], [], []>, transpose_lhs_hint = false} : vector<6400x64xf32>, vector<64x64xf32>, vector<6400x64xf32> -> vector<6400x64xf32>
    %get3A_16 = arith.constant 0 : index
    %get3A_17 = arith.constant 0 : index
    %get3A_18 = vector.load %arg6[%get3A_16, %get3A_17] : memref<1x64xf32, #tpu.memory_space<vmem>>, vector<1x64xf32>
    %add3A_19 = vector.broadcast %get3A_18 : vector<1x64xf32> to vector<6400x64xf32>
    %add3A_20 = arith.addf %dot_general3A_15, %add3A_19 : vector<6400x64xf32>
    %max3A_21 = arith.constant 0.000000e+00 : f32
    %max3A_22 = vector.broadcast %max3A_21 : f32 to vector<6400x64xf32>
    %max3A_23 = arith.maximumf %add3A_20, %max3A_22 : vector<6400x64xf32>
    %get3A_24 = arith.constant 0 : index
    %get3A_25 = arith.constant 0 : index
    %get3A_26 = vector.load %arg7[%get3A_24, %get3A_25] : memref<64x16xf32, #tpu.memory_space<vmem>>, vector<64x16xf32>
    %dot_general3A_27 = arith.constant dense<0.000000e+00> : vector<16x6400xf32>
    %dot_general3A_28 = tpu.matmul %get3A_26, %max3A_23, %dot_general3A_27 {dimension_numbers = #tpu.dot_dimension_numbers<[0], [1], [1], [0], [0, 1, 1, 0], [], []>, transpose_lhs_hint = false} : vector<64x16xf32>, vector<6400x64xf32>, vector<16x6400xf32> -> vector<16x6400xf32>
    %get3A_29 = arith.constant 0 : index
    %get3A_30 = arith.constant 0 : index
    %get3A_31 = vector.load %arg8[%get3A_29, %get3A_30] : memref<16x1xf32, #tpu.memory_space<vmem>>, vector<16x1xf32>
    %add3A_32 = vector.broadcast %get3A_31 : vector<16x1xf32> to vector<16x6400xf32>
    %add3A_33 = arith.addf %dot_general3A_28, %add3A_32 : vector<16x6400xf32>
    %reduce_sum3A = arith.constant dense<0.000000e+00> : vector<6400xf32>
    %reduce_sum3A_34 = vector.multi_reduction <add>, %add3A_33, %reduce_sum3A [0] : vector<16x6400xf32> to vector<6400xf32>
    %broadcast_in_dim3A = vector.shape_cast %reduce_sum3A_34 : vector<6400xf32> to vector<1x6400xf32>
    %div3A = arith.constant 1.600000e+01 : f32
    %div3A_35 = vector.broadcast %div3A : f32 to vector<1x6400xf32>
    %div3A_36 = arith.divf %broadcast_in_dim3A, %div3A_35 : vector<1x6400xf32>
    %sub3A = vector.broadcast %div3A_36 : vector<1x6400xf32> to vector<16x6400xf32>
    %sub3A_37 = arith.subf %add3A_33, %sub3A : vector<16x6400xf32>
    %mul3A = arith.mulf %sub3A_37, %sub3A_37 : vector<16x6400xf32>
    %reduce_sum3A_38 = arith.constant dense<0.000000e+00> : vector<6400xf32>
    %reduce_sum3A_39 = vector.multi_reduction <add>, %mul3A, %reduce_sum3A_38 [0] : vector<16x6400xf32> to vector<6400xf32>
    %broadcast_in_dim3A_40 = vector.shape_cast %reduce_sum3A_39 : vector<6400xf32> to vector<1x6400xf32>
    %div3A_41 = arith.constant 1.600000e+01 : f32
    %div3A_42 = vector.broadcast %div3A_41 : f32 to vector<1x6400xf32>
    %div3A_43 = arith.divf %broadcast_in_dim3A_40, %div3A_42 : vector<1x6400xf32>
    %add3A_44 = arith.constant 9.99999974E-6 : f32
    %add3A_45 = vector.broadcast %add3A_44 : f32 to vector<1x6400xf32>
    %add3A_46 = arith.addf %div3A_43, %add3A_45 : vector<1x6400xf32>
    %rsqrt3A = math.rsqrt %add3A_46 : vector<1x6400xf32>
    %mul3A_47 = vector.broadcast %rsqrt3A : vector<1x6400xf32> to vector<16x6400xf32>
    %mul3A_48 = arith.mulf %sub3A_37, %mul3A_47 : vector<16x6400xf32>
    %get3A_49 = arith.constant 0 : index
    %get3A_50 = arith.constant 0 : index
    %get3A_51 = vector.load %arg9[%get3A_49, %get3A_50] : memref<16x1xf32, #tpu.memory_space<vmem>>, vector<16x1xf32>
    %mul3A_52 = vector.broadcast %get3A_51 : vector<16x1xf32> to vector<16x6400xf32>
    %mul3A_53 = arith.mulf %mul3A_48, %mul3A_52 : vector<16x6400xf32>
    %get3A_54 = arith.constant 0 : index
    %get3A_55 = arith.constant 0 : index
    %get3A_56 = vector.load %arg10[%get3A_54, %get3A_55] : memref<16x1xf32, #tpu.memory_space<vmem>>, vector<16x1xf32>
    %add3A_57 = vector.broadcast %get3A_56 : vector<16x1xf32> to vector<16x6400xf32>
    %add3A_58 = arith.addf %mul3A_53, %add3A_57 : vector<16x6400xf32>
    %swap3A = arith.constant 0 : index
    %swap3A_59 = arith.constant 0 : index
    %swap3A_60 = vector.load %arg11[%swap3A, %swap3A_59] : memref<16x6400xf32, #tpu.memory_space<vmem>>, vector<16x6400xf32>
    tpu.vector_store %arg11[%swap3A, %swap3A_59], %add3A_58 {strides = array<i32>} : memref<16x6400xf32, #tpu.memory_space<vmem>>, vector<16x6400xf32>,
    return
  }
  func.func @transform_1(%arg0: i32) -> (i32, i32) {
    %add3A = arith.constant 25 : i32
    %add3A_0 = arith.addi %arg0, %add3A : i32
    %c0_i32 = arith.constant 0 : i32
    %c0_i32_1 = arith.constant 0 : i32
    return %c0_i32, %add3A_0 : i32, i32
  }
  func.func @transform_2(%arg0: i32) -> (i32, i32) {
    %c0_i32 = arith.constant 0 : i32
    %c0_i32_0 = arith.constant 0 : i32
    return %arg0, %c0_i32 : i32, i32
  }
  func.func @transform_3(%arg0: i32) -> (i32, i32) {
    %c0_i32 = arith.constant 0 : i32
    %c0_i32_0 = arith.constant 0 : i32
    %c0_i32_1 = arith.constant 0 : i32
    return %c0_i32, %c0_i32_0 : i32, i32
  }
  func.func @transform_4(%arg0: i32) -> (i32, i32) {
    %c0_i32 = arith.constant 0 : i32
    %c0_i32_0 = arith.constant 0 : i32
    %c0_i32_1 = arith.constant 0 : i32
    return %c0_i32, %c0_i32_0 : i32, i32
  }
  func.func @transform_5(%arg0: i32) -> (i32, i32) {
    %c0_i32 = arith.constant 0 : i32
    %c0_i32_0 = arith.constant 0 : i32
    %c0_i32_1 = arith.constant 0 : i32
    return %c0_i32, %c0_i32_0 : i32, i32
  }
  func.func @transform_6(%arg0: i32) -> (i32, i32) {
    %c0_i32 = arith.constant 0 : i32
    %c0_i32_0 = arith.constant 0 : i32
    %c0_i32_1 = arith.constant 0 : i32
    return %c0_i32, %c0_i32_0 : i32, i32
  }
  func.func @transform_7(%arg0: i32) -> (i32, i32) {
    %c0_i32 = arith.constant 0 : i32
    %c0_i32_0 = arith.constant 0 : i32
    %c0_i32_1 = arith.constant 0 : i32
    return %c0_i32, %c0_i32_0 : i32, i32
  }
  func.func @transform_8(%arg0: i32) -> (i32, i32) {
    %c0_i32 = arith.constant 0 : i32
    %c0_i32_0 = arith.constant 0 : i32
    %c0_i32_1 = arith.constant 0 : i32
    return %c0_i32, %c0_i32_0 : i32, i32
  }
  func.func @transform_9(%arg0: i32) -> (i32, i32) {
    %c0_i32 = arith.constant 0 : i32
    %c0_i32_0 = arith.constant 0 : i32
    %c0_i32_1 = arith.constant 0 : i32
    return %c0_i32, %c0_i32_0 : i32, i32
  }
  func.func @transform_10(%arg0: i32) -> (i32, i32) {
    %add3A = arith.constant 25 : i32
    %add3A_0 = arith.addi %arg0, %add3A : i32
    %c0_i32 = arith.constant 0 : i32
    %c0_i32_1 = arith.constant 0 : i32
    return %c0_i32, %add3A_0 : i32, i32
  }
}

</mosaic_0001>

<sc_bundles>
// kernel: kernel.10.cloned.1.call-start
scs
__scs_entry_jumppad:
0x0: {  	(pc) =	sbr.rel $0x88, $3  }
0x1: {  	(tag) =	ssettag $0x0;
	lr =	simm.s32 $0x1  }
0x2: {  	[smem:$0x3F96] =	sst lr;
	_ =	strace $0xD0000000  }
0x3: {  	_ = 	snop  }
0x4: {  	_ = 	snop  }
0x5: {  	_ = 	snop  }
0x6: {  	_ = 	snop  }
0x7: {  	_ = 	snop  }
__scs_overlays_trampoline_lowered:
0x8: {  	[smem:$0x3FA5] =	sst s0  }
0x9: {  	[smem:$0x3FA6] =	sst s1  }
0xa: {  	[smem:$0x3FA7] =	sst s2  }
0xb: {  	[smem:$0x3FA8] =	sst s3  }
0xc: {  	[smem:$0x3FA9] =	sst s4  }
0xd: {  	[smem:$0x3FAA] =	sst s5  }
0xe: {  	[smem:$0x3FAB] =	sst s6  }
0xf: {  	[smem:$0x3FAC] =	sst s7  }
0x10: {  	[smem:$0x3FAD] =	sst s8  }
0x11: {  	[smem:$0x3FAE] =	sst s9;
	s0 =	simm.s32 @!p0 $0x0  }
0x12: {  	s1 =	sld [smem:$0x3F94];
	s0 =	simm.s32 @p0 $0x1  }
0x13: {  	[smem:$0x3FAF] =	sst s0;
	s0 =	simm.s32 @!p1 $0x0  }
0x14: {  	s2 =	sld [smem:$0x3F93];
	s0 =	simm.s32 @p1 $0x1  }
0x15: {  	[smem:$0x3FB0] =	sst s0;
	s0 =	simm.s32 @!p2 $0x0  }
0x16: {  	s3 =	sld [smem:$0x3FDB];
	s0 =	simm.s32 @p2 $0x1  }
0x17: {  	s4 =	simm.s32 $0x1BF5;
	[smem:$0x3FB2] =	sst s0  }
0x18: {  	s0 =	sld [smem:$0x3F95];
	_ =	swait.ge [sflag:s4], $0x0  }
0x19: {  	s7 =	sld [smem:$0x3F96]  }
0x1a: {  	s8 =	sadd.s32 $0xFFFFE003, lr  }
0x1b: {  	s9 =	sadd.s32 $0xFFFFFEF7, lr;
	s5 =	simm.s32 $0xFFFFFFFF;
	p2 =	slt.u32 s8, $0xFFFFF086  }
0x1c: {  	p1 =	slt.u32 s9, $0xF7A;
	s5 =	simm.s32 @!p2 $0x0  }
0x1d: {  	s5 =	simm.s32 @p1 $0x1;
	p0 =	seq.s32 s7, s2  }
0x1e: {  	s7 =	smul.u32 @!p0 $0xF7A, s2;
	p2 =	seq.s32 @!p0 s5, $0x0  }
0x1f: {  	s9 =	smul.u32 $0xF7A, s1;
	s8 =	simm.s32 @!p0 $0x1BF5;
	p2 =	por !p2, p0  }
0x20: {  	[sflag:s8] =	ssyncset.s32 @!p0 $0xFFFFF086;
	s6 =	sadd.s32 @!p0 s3, s7;
	s7 =	simm.s32 @!p0 $0x108  }
0x21: {  	s3 =	sadd.s32 s3, s9;
	s6 =	sadd.s32 @!p0 $0x88, s6;
	s7 =	simm.s32 @p2 $0x1082  }
0x22: {  	[simem:s7], [sflag:s8] =	dma.local @!p0 [hbm:s6], $0xF7A  }
0x23: {  	s9 =	sor.u32 $0xD0000000, s2;
	s6 =	simm.s32 $0x108;
	_ =	swait.ge @!p0 [sflag:s8], $0x0  }
0x24: {  	s3 =	sadd.s32 $0x88, s3;
	s6 =	simm.s32 @!p1 $0x1082;
	[sflag:s4] =	ssyncset.s32 $0xFFFFF086  }
0x25: {  	[simem:s6], [sflag:s4] =	dma.local [hbm:s3], $0xF7A  }
0x26: {  	[smem:$0x3F96] =	sst s1;
	(tag) =	ssettag s2;
	_ =	strace s9  }
0x27: {  	s1 =	sld [smem:$0x3FA6]  }
0x28: {  	s2 =	sld [smem:$0x3FA7]  }
0x29: {  	s4 =	sld [smem:$0x3FA9]  }
0x2a: {  	p0 =	seq.s32 s5, $0x0;
	s5 =	sld [smem:$0x3FAA]  }
0x2b: {  	s6 =	sld [smem:$0x3FAB]  }
0x2c: {  	s7 =	sld [smem:$0x3FAC]  }
0x2d: {  	s3 =	simm.s32 $0x108;
	s8 =	sld [smem:$0x3FAD]  }
0x2e: {  	s3 =	simm.s32 @!p0 $0x1082;
	s9 =	sld [smem:$0x3FAE]  }
0x2f: {  	lr =	sadd.s32 s0, s3;
	s0 =	sld [smem:$0x3FA5]  }
0x30: {  	s3 =	sld [smem:$0x3FA8]  }
0x31: {  	[smem:$0x3FB1] =	sst s10  }
0x32: {  	s10 =	sld [smem:$0x3FAF];
	_ =	sdelay $0x3  }
0x33: {  	p0 =	seq.s32 s10, $0x1;
	s10 =	sld [smem:$0x3FB1];
	_ =	sdelay $0x3  }
0x34: {  	[smem:$0x3FB1] =	sst s10  }
0x35: {  	s10 =	sld [smem:$0x3FB0];
	_ =	sdelay $0x3  }
0x36: {  	p1 =	seq.s32 s10, $0x1;
	s10 =	sld [smem:$0x3FB1];
	_ =	sdelay $0x3  }
0x37: {  	[smem:$0x3FB1] =	sst s10  }
0x38: {  	s10 =	sld [smem:$0x3FB2]  }
0x39: {  	_ = 	snop;
	(pc) =	sbr.ind lr, $3  }
0x3a: {  	_ = 	snop  }
0x3b: {  	_ = 	snop  }
0x3c: {  	p2 =	seq.s32 s10, $0x1;
	s10 =	sld [smem:$0x3FB1]  }
0x3d: {  	_ =	shalt  }
0x3e: {  	_ =	shalt  }
0x3f: {  	_ =	shalt  }
0x40: {  	_ =	shalt  }
0x41: {  	_ =	shalt  }
0x42: {  	_ =	shalt  }
0x43: {  	_ =	shalt  }
0x44: {  	_ =	shalt  }
0x45: {  	_ =	shalt  }
0x46: {  	_ =	shalt  }
0x47: {  	_ =	shalt  }
0x48: {  	_ =	shalt  }
0x49: {  	_ =	shalt  }
0x4a: {  	_ =	shalt  }
0x4b: {  	_ =	shalt  }
0x4c: {  	_ =	shalt  }
0x4d: {  	_ =	shalt  }
0x4e: {  	_ =	shalt  }
0x4f: {  	_ =	shalt  }
0x50: {  	_ =	shalt  }
0x51: {  	_ =	shalt  }
0x52: {  	_ =	shalt  }
0x53: {  	_ =	shalt  }
0x54: {  	_ =	shalt  }
0x55: {  	_ =	shalt  }
0x56: {  	_ =	shalt  }
0x57: {  	_ =	shalt  }
0x58: {  	_ =	shalt  }
0x59: {  	_ =	shalt  }
0x5a: {  	_ =	shalt  }
0x5b: {  	_ =	shalt  }
0x5c: {  	_ =	shalt  }
0x5d: {  	_ =	shalt  }
0x5e: {  	_ =	shalt  }
0x5f: {  	_ =	shalt  }
0x60: {  	_ =	shalt  }
0x61: {  	_ =	shalt  }
0x62: {  	_ =	shalt  }
0x63: {  	_ =	shalt  }
0x64: {  	_ =	shalt  }
0x65: {  	_ =	shalt  }
0x66: {  	_ =	shalt  }
0x67: {  	_ =	shalt  }
0x68: {  	_ =	shalt  }
0x69: {  	_ =	shalt  }
0x6a: {  	_ =	shalt  }
0x6b: {  	_ =	shalt  }
0x6c: {  	_ =	shalt  }
0x6d: {  	_ =	shalt  }
0x6e: {  	_ =	shalt  }
0x6f: {  	_ =	shalt  }
0x70: {  	_ =	shalt  }
0x71: {  	_ =	shalt  }
0x72: {  	_ =	shalt  }
0x73: {  	_ =	shalt  }
0x74: {  	_ =	shalt  }
0x75: {  	_ =	shalt  }
0x76: {  	_ =	shalt  }
0x77: {  	_ =	shalt  }
0x78: {  	_ =	shalt  }
0x79: {  	_ =	shalt  }
0x7a: {  	_ =	shalt  }
0x7b: {  	_ =	shalt  }
0x7c: {  	_ =	shalt  }
0x7d: {  	_ =	shalt  }
0x7e: {  	_ =	shalt  }
0x7f: {  	_ =	shalt  }
0x80: {  	_ =	shalt  }
0x81: {  	_ =	shalt  }
0x82: {  	_ =	shalt  }
0x83: {  	_ =	shalt  }
0x84: {  	_ =	shalt  }
0x85: {  	_ =	shalt  }
0x86: {  	_ =	shalt  }
0x87: {  	_ =	shalt  }
.Lfunc_end0:
.L_simem_size_0:
called_computation.1_lowered:
.L_overlay_start_0:
0x88: {  	s2 =	sld [smem:$0x3FD9]  }
0x89: {  	s3 =	sld [smem:$0x3FFE];
	_ =	sdelay $0x1  }
0x8a: {  	s1 =	srdreg.scid  }
0x8b: {  	s0 =	sand.u32 $0x1, s1  }
0x8c: {  	s17 =	sshll.u32 s0, $0xA;
	s2 =	sadd.s32 s3, s2  }
0x8d: {  	s2 =	sadd.s32 s2, s17  }
0x8e: {  	[smem:$0x3FBD] =	sst s2  }
0x8f: {  	_ = 	snop  }
0x90: {  	(tm) =	ssettm $0x1  }
0x91: {  	s18 =	sld [smem:$0x3FFB];
	_ =	sdelay $0x3  }
0x92: {  	_ =	strace s18  }
0x93: {  	s2 =	sld [smem:$0x3FFC];
	_ =	sdelay $0x3  }
0x94: {  	_ =	strace s2  }
0x95: {  	s2 =	sld [smem:$0x3FFD];
	_ =	sdelay $0x3  }
0x96: {  	_ =	strace s2  }
0x97: {  	_ =	strace $0x8FFFFFFF  }
0x98: {  	s19 =	sld [smem:$0x3FDB];
	_ =	sdelay $0x1  }
0x99: {  	s20 =	simm.s32 $_scs_section_size  }
0x9a: {  	s4 =	simm.s32 $_size__tile_overlayer_lowered;
	s5 =	simm.s32 $_tile_overlayer_lowered  }
0x9b: {  	s6 =	simm.s32 $0x1BFF;
	s21 =	sshll.u32 s5, $0x1;
	s3 =	sadd.s32 s20, s19  }
0x9c: {  	s22 =	simm.s32 $0x0;
	s4 =	sshll.u32 s4, $0x1;
	s5 =	sadd.s32 s21, s3  }
0x9d: {  	[timem:s22], [sflag:s6] =	dma.local [hbm:s5], s4  }
0x9e: {  	_ =	swait.ge [sflag:s6], s4  }
0x9f: {  	s4 =	ssub.s32 $0x0, s4;
	[sflag:s6] =	ssyncset.done $0x0  }
0xa0: {  	[sflag:s6] =	ssyncadd.s32 s4;
	_ =	sdelay $0x1  }
0xa1: {  	s23 =	simm.s32 $0x1B8B  }
0xa2: {  	_ =	swait.ge [sflag:s23], $0x1  }
0xa3: {  	[sflag:s23] =	ssyncset.done $0x0  }
0xa4: {  	[sflag:s23] =	ssyncadd.s32 $0xFFFFFFFF  }
0xa5: {  	s4 =	sld [smem:$0x0]  }
0xa6: {  	s5 =	sand.u32 $0xFFFFFFFE, s1  }
0xa7: {  	p0 =	sne.s32 s1, s5  }
0xa8: {  	s5 =	sshll.u32 @p0 s5, $0xE  }
0xa9: {  	s5 =	sadd.s32 @p0 $0x11B8D, s5;
	s6 =	sshll.u32 @p0 s4, $0x11  }
0xaa: {  	s5 =	sor.u32 @p0 s6, s5  }
0xab: {  	[sflag:s5] =	ssyncadd.remote.s32 @p0 $0x1;
	_ =	sdelay $0x1  }
0xac: {  	s5 =	simm.s32 @p0 $0x1B8D  }
0xad: {  	_ =	swait.eq @p0 [sflag:s5], $0x1  }
0xae: {  	[sflag:s5] =	ssyncadd.s32 @p0 $0xFFFFFFFF  }
0xaf: {  	s6 =	sshll.u32 @!p0 s1, $0xE  }
0xb0: {  	s6 =	sor.u32 @!p0 $0x4000, s6;
	s5 =	simm.s32 @!p0 $0x1B8D  }
0xb1: {  	s4 =	sshll.u32 @!p0 s4, $0x11;
	s6 =	sadd.s32 @!p0 $0x11B8D, s6;
	_ =	swait.eq @!p0 [sflag:s5], $0x1  }
0xb2: {  	s4 =	sor.u32 @!p0 s4, s6;
	[sflag:s5] =	ssyncadd.s32 @!p0 $0xFFFFFFFF  }
0xb3: {  	s25 =	simm.s32 $0x1B8E;
	s24 =	sld [smem:$0x3FFE];
	[sflag:s4] =	ssyncadd.remote.s32 @!p0 $0x1  }
0xb4: {  	s26 =	simm.s32 $execute0_lowered;
	[smem:$0x3FD2] =	sst s25  }
0xb5: {  	s5 =	sshll.u32 s26, $0x1;
	_ =	strace $0x80000049;
	[dreg:$0x1] =	wrdreg $0xFFFFFFFF  }
0xb6: {  	s28 =	simm.s32 $_size_execute0_lowered;
	s3 =	sadd.s32 s3, s5;
	[dreg:$0x0] =	wrdreg $0x0  }
0xb7: {  	s5 =	sshll.u32 s28, $0x1;
	[dreg:$0x2] =	wrdreg s3  }
0xb8: {  	[dreg:$0x3] =	wrdreg s5  }
0xb9: {  	[dreg:$0x4] =	wrdreg $0xC0  }
0xba: {  	_ =	task [dreg:s22], $0x5FFFF  }
0xbb: {  	[dreg:$0x1] =	wrdreg $0xFFFFFFFF  }
0xbc: {  	[dreg:$0x0] =	wrdreg $0x60  }
0xbd: {  	[dreg:$0x2] =	wrdreg s24  }
0xbe: {  	[dreg:$0x3] =	wrdreg $0xA  }
0xbf: {  	_ =	task.clear_ibuf [dreg:s22], $0x4FFFF;
	_ =	strace $0x90000049  }
0xc0: {  	s29 =	simm.s32 $0xA;
	_ =	strace $0x8000004B  }
0xc1: {  	_ =	swait.ge [sflag:s29], $0x1  }
0xc2: {  	[sflag:s29] =	ssyncadd.s32 $0xFFFFFFFF  }
0xc3: {  	_ =	strace $0x9000004B  }
0xc4: {  	_ =	sfence  }
0xc5: {  	s30 =	sld [smem:$0x0];
	_ =	sdelay $0x2  }
0xc6: {  	s31 =	sshll.u32 s1, $0xD;
	s1 =	sshrl.u32 s1, $0x2  }
0xc7: {  	s4 =	sand.u32 $0x4000, s31;
	s1 =	sadd.s32 s1, s30  }
0xc8: {  	s0 =	sor.u32 s4, s0;
	s1 =	sshll.u32 s1, $0x11  }
0xc9: {  	s0 =	sor.u32 s1, s0  }
0xca: {  	s0 =	sadd.s32 $0x8F2B, s0  }
0xcb: {  	[sflag:s0] =	ssyncadd.remote.s32 $0x1  }
0xcc: {  	_ =	sfence.sel $0xFFFF  }
0xcd: {  	[dreg:$0x0] =	wrdreg $0xFFFFFFFF;
	(pc) =	sbr.abs _section_cstart, $3  }
0xce: {  	[dreg:$0x1] =	wrdreg $0xFFFFFFFF  }
0xcf: {  	_ =	task.clear_ibuf [dreg:s22], $0x2FFFF;
	_ =	strace $0x9FFFFFFF  }
0xd0: {  	(tm) =	ssettm $0x7FFFFFFF  }
0xd1: {  	_ =	shalt  }
tec
execute0_lowered:
.L_overlay_start_1:
0x0: {  	(tag) =	ssettag $0x1  }
0x1: {  	s1 =	srdreg.scid  }
0x2: {  	s0 =	stileid.u32;
	s6 =	rddreg [dreg:$0x0];
	s2 =	simm.s32 $0x0  }
0x3: {  	s11 =	simm.s32 $0x5;
	s12 =	simm.s32 $0x1388;
	s13 =	simm.s32 $0xC8  }
0x4: {  	s14 =	simm.s32 $0x2710;
	s15 =	simm.s32 $0x5910;
	s16 =	simm.s32 $0x8B10  }
0x5: {  	s17 =	simm.s32 $0xBD10;
	s18 =	simm.s32 $0x1;
	s19 =	simm.s32 $0x2  }
0x6: {  	s20 =	simm.s32 $0x40;
	s21 =	simm.s32 $0x80;
	s22 =	simm.s32 $0xEF10  }
0x7: {  	s23 =	simm.s32 $0x3;
	s1 =	sand.u32 $0x1, s1;
	s3 =	sshll.u32 s0, $0x1  }
0x8: {  	s24 =	simm.s32 $0x4;
	s25 =	simm.s32 $0x0;
	s5 =	sor.u32 s1, s3  }
0x9: {  	[smem:$0x7FF] =	sst s2;
	s4 =	sadd.s32 $0x16E00, s6;
	s3 =	smul.u32 $0x1388, s5  }
0xa: {  	_ =	strace $0x8000004A;
	s1 =	ssub.s32 $0x2, s1;
	s8 =	smul.u32 $0x9C400, s5  }
0xb: {  	s5 =	sadd.s32 $0x3400, s6;
	s31 =	sshrl.u32 s1, $0x1;
	s7 =	sshrl.u32 s3, $0x3  }
0xc: {  	s8 =	sshrl.u32 s8, $0x3;
	s9 =	sadd.s32 s7, s6;
	s6 =	sadd.s32 $0x2AF200, s6  }
0xd: {  	s1 =	ssub.s32 s1, s31;
	s7 =	sadd.s32 $0x2F620, s9;
	s10 =	sadd.s32 s6, s8  }
0xe: {  	s8 =	sadd.s32 $0x39260, s9;
	s9 =	sadd.s32 $0x12C00, s10;
	s10 =	smax.u32 s1, $0x1  }
.LBB2_1:
0xf: {  	[tilespmem:s2], [sflag:$0x5] =	stream.linear.gather [hbm4b:s7+s2], $0x1388, $0x38;
	[tilespmem:$0x12110] =	vst v63  }
0x10: {  	_ =	swait.ge [sflag:s11], $0x1388  }
0x11: {  	[sflag:s11] =	ssyncset.done $0x0  }
0x12: {  	[sflag:s11] =	ssyncadd.s32 $0xFFFFEC78  }
0x13: {  	[tilespmem:s12], [sflag:$0x5] =	stream.linear.gather [hbm4b:s8+s2], $0x1388, $0x38;
	[tilespmem:$0x12110] =	vst v63  }
0x14: {  	_ =	swait.ge [sflag:s11], $0x1388  }
0x15: {  	[sflag:s11] =	ssyncset.done $0x0  }
0x16: {  	[sflag:s11] =	ssyncadd.s32 $0xFFFFEC78  }
0x17: {  	[tilespmem:s14], [sflag:$0x1] =	stream.indirect.gather [hbm4b:s4+s13], $0x40, s2, s13, $0xb8;
	[tilespmem:$0x12110] =	vst v63  }
0x18: {  	s26 =	simm.s32 $0x0  }
0x19: {  	[tilespmem:s15], [sflag:$0x2] =	stream.indirect.gather [hbm4b:s5+s13], $0x40, s12, s13, $0xb8;
	[tilespmem:$0x12110] =	vst v63  }
.LBB2_2:
0x1a: {  	s29 =	smul.u32 $0x190, s26;
	_ =	sdelay $0x1  }
0x1b: {  	s28 =	sadd.s32 $0xC8, s29  }
0x1c: {  	[tilespmem:s16], [sflag:$0x3] =	stream.indirect.gather [hbm4b:s4+s13], $0x40, s28, s13, $0xb8;
	[tilespmem:$0x12110] =	vst v63  }
0x1d: {  	s1 =	sadd.s32 $0x1450, s29  }
0x1e: {  	[tilespmem:s17], [sflag:$0x4] =	stream.indirect.gather [hbm4b:s5+s13], $0x40, s1, s13, $0xb8;
	[tilespmem:$0x12110] =	vst v63  }
0x1f: {  	_ =	swait.ge [sflag:s18], $0x3200  }
0x20: {  	[sflag:s18] =	ssyncset.done $0x0  }
0x21: {  	[sflag:s18] =	ssyncadd.s32 $0xFFFFCE00  }
0x22: {  	_ =	swait.ge [sflag:s19], $0x3200  }
0x23: {  	[sflag:s19] =	ssyncset.done $0x0  }
0x24: {  	s30 =	simm.s32 $0x70;
	[sflag:s19] =	ssyncadd.s32 $0xFFFFCE00  }
0x25: {  	v0 =	vld [tilespmem:s30+$0x2710]  }
0x26: {  	v1 =	vld [tilespmem:s30+$0x5910]  }
0x27: {  	v2 =	vld [tilespmem:s30+$0x26A0]  }
0x28: {  	v3 =	vld [tilespmem:s30+$0x58A0]  }
0x29: {  	v4 =	vld [tilespmem:s30+$0x26B0]  }
0x2a: {  	v5 =	vld [tilespmem:s30+$0x58B0]  }
0x2b: {  	v6 =	vld [tilespmem:s30+$0x26C0]  }
0x2c: {  	v7 =	vld [tilespmem:s30+$0x26D0]  }
0x2d: {  	v0 =	vadd.f32 v1, v0;
	v1 =	vld [tilespmem:s30+$0x58C0]  }
0x2e: {  	v8 =	vld [tilespmem:s30+$0x58D0]  }
0x2f: {  	v9 =	vld [tilespmem:s30+$0x58E0];
	v2 =	vadd.f32 v3, v2  }
0x30: {  	[tilespmem:s30+$0xEF10] =	vst v0;
	v0 =	vadd.f32 v5, v4;
	v5 =	vld [tilespmem:s30+$0x26E0]  }
0x31: {  	v3 =	vld [tilespmem:s30+$0x58F0];
	[tilespmem:s30+$0xEEA0] =	vst v2  }
0x32: {  	v2 =	vld [tilespmem:s30+$0x26F0];
	[tilespmem:s30+$0xEEB0] =	vst v0;
	v0 =	vadd.f32 v1, v6  }
0x33: {  	v4 =	vld [tilespmem:s30+$0x5900];
	v6 =	vadd.f32 v8, v7  }
0x34: {  	s31 =	simm.s32 $0xF0;
	[tilespmem:s30+$0xEEC0] =	vst v0;
	v0 =	vld [tilespmem:s30+$0x2700]  }
0x35: {  	s1 =	simm.s32 $0x5C0;
	v5 =	vadd.f32 v9, v5;
	v1 =	vld [tilespmem:s31+$0x2710];
	[tilespmem:s30+$0xEED0] =	vst v6  }
.LBB2_3:
0x36: {  	p0 =	sne.s32 s1, $0xC7C0;
	v6 =	vld [tilespmem:s31+$0x5910]  }
0x37: {  	v7 =	vld [tilespmem:s31+$0x26A0];
	[tilespmem:s30+$0xEEE0] =	vst v5;
	v2 =	vadd.f32 v3, v2  }
0x38: {  	v3 =	vld [tilespmem:s31+$0x58A0]  }
0x39: {  	v5 =	vld [tilespmem:s31+$0x26B0];
	[tilespmem:s30+$0xEEF0] =	vst v2;
	v0 =	vadd.f32 v4, v0  }
0x3a: {  	v2 =	vld [tilespmem:s31+$0x58B0]  }
0x3b: {  	v4 =	vld [tilespmem:s31+$0x26C0];
	v1 =	vadd.f32 v6, v1;
	[tilespmem:s30+$0xEF00] =	vst v0;
	s30 =	smov.u32 s31  }
0x3c: {  	v0 =	vld [tilespmem:s30+$0x58C0]  }
0x3d: {  	v3 =	vadd.f32 v3, v7;
	v6 =	vld [tilespmem:s30+$0x26D0];
	[tilespmem:s30+$0xEF10] =	vst v1  }
0x3e: {  	v1 =	vld [tilespmem:s30+$0x58D0]  }
0x3f: {  	[tilespmem:s30+$0xEEA0] =	vst v3;
	v2 =	vadd.f32 v2, v5;
	v5 =	vld [tilespmem:s30+$0x26E0]  }
0x40: {  	v7 =	vld [tilespmem:s30+$0x58E0]  }
.Ltmp0:
0x41: {  	[tilespmem:s30+$0xEEB0] =	vst v2;
	v0 =	vadd.f32 v0, v4;
	v2 =	vld [tilespmem:s30+$0x26F0];
	(pc) =	sbr.rel @p0 .LBB2_3-.Ltmp0, $4  }
0x42: {  	v3 =	vld [tilespmem:s30+$0x58F0]  }
0x43: {  	[tilespmem:s30+$0xEEC0] =	vst v0;
	v6 =	vadd.f32 v1, v6;
	v0 =	vld [tilespmem:s30+$0x2700]  }
0x44: {  	s31 =	sshra.s32 s1, $0x2;
	v4 =	vld [tilespmem:s30+$0x5900]  }
0x45: {  	s1 =	sadd.s32 $0x200, s1;
	v1 =	vld [tilespmem:s31+$0x2710];
	[tilespmem:s30+$0xEED0] =	vst v6;
	v5 =	vadd.f32 v7, v5  }
0x46: {  	v6 =	vld [tilespmem:s31+$0x5910]  }
0x47: {  	v7 =	vld [tilespmem:s31+$0x26A0];
	[tilespmem:s30+$0xEEE0] =	vst v5;
	v2 =	vadd.f32 v3, v2  }
0x48: {  	v3 =	vld [tilespmem:s31+$0x58A0]  }
0x49: {  	v5 =	vld [tilespmem:s31+$0x26B0];
	[tilespmem:s30+$0xEEF0] =	vst v2;
	v0 =	vadd.f32 v4, v0  }
0x4a: {  	v2 =	vld [tilespmem:s31+$0x58B0]  }
0x4b: {  	v4 =	vld [tilespmem:s31+$0x26C0];
	[tilespmem:s30+$0xEF00] =	vst v0  }
0x4c: {  	v0 =	vadd.f32 v6, v1;
	v1 =	vld [tilespmem:s31+$0x58C0]  }
0x4d: {  	v6 =	vld [tilespmem:s31+$0x26D0]  }
0x4e: {  	v3 =	vadd.f32 v3, v7;
	[tilespmem:s31+$0xEF10] =	vst v0;
	v0 =	vld [tilespmem:s31+$0x58D0]  }
0x4f: {  	v7 =	vld [tilespmem:s31+$0x5900]  }
0x50: {  	[tilespmem:s31+$0xEEA0] =	vst v3;
	v2 =	vadd.f32 v2, v5;
	v3 =	vld [tilespmem:s31+$0x26E0]  }
0x51: {  	v5 =	vld [tilespmem:s31+$0x58E0]  }
0x52: {  	[tilespmem:s31+$0xEEB0] =	vst v2;
	v1 =	vadd.f32 v1, v4;
	v2 =	vld [tilespmem:s31+$0x26F0]  }
0x53: {  	v4 =	vld [tilespmem:s31+$0x58F0]  }
0x54: {  	[tilespmem:s31+$0xEEC0] =	vst v1;
	v1 =	vld [tilespmem:s31+$0x2700];
	_ =	sdelay $0x1  }
0x55: {  	v0 =	vadd.f32 v0, v6  }
0x56: {  	v3 =	vadd.f32 v5, v3  }
0x57: {  	[tilespmem:s31+$0xEED0] =	vst v0;
	v0 =	vadd.f32 v4, v2  }
0x58: {  	s1 =	sadd.s32 s3, s29;
	[tilespmem:s31+$0xEEE0] =	vst v3;
	v1 =	vadd.f32 v7, v1  }
0x59: {  	s1 =	sshll.u32 s1, $0x4;
	[tilespmem:s31+$0xEEF0] =	vst v0  }
0x5a: {  	s1 =	sadd.s32 s6, s1;
	[tilespmem:s31+$0xEF00] =	vst v1  }
0x5b: {  	[hbm4b:s1+s20] =	stream.strided.scatter [tilespmem:s22], [sflag:$0x5], $0x3200, s21, s20, $0x38;
	[tilespmem:$0x12110] =	vst v63  }
0x5c: {  	_ =	swait.ge [sflag:s11], $0x3200  }
0x5d: {  	[sflag:s11] =	ssyncset.done $0x0  }
0x5e: {  	s31 =	sadd.s32 $0x190, s29;
	[sflag:s11] =	ssyncadd.s32 $0xFFFFCE00  }
0x5f: {  	[tilespmem:s14], [sflag:$0x1] =	stream.indirect.gather [hbm4b:s4+s13], $0x40, s31, s13, $0xb8;
	[tilespmem:$0x12110] =	vst v63  }
0x60: {  	s31 =	sadd.s32 $0x1518, s29  }
0x61: {  	[tilespmem:s15], [sflag:$0x2] =	stream.indirect.gather [hbm4b:s5+s13], $0x40, s31, s13, $0xb8;
	[tilespmem:$0x12110] =	vst v63  }
0x62: {  	_ =	swait.ge [sflag:s23], $0x3200  }
0x63: {  	[sflag:s23] =	ssyncset.done $0x0  }
0x64: {  	[sflag:s23] =	ssyncadd.s32 $0xFFFFCE00  }
0x65: {  	_ =	swait.ge [sflag:s24], $0x3200  }
0x66: {  	[sflag:s24] =	ssyncset.done $0x0  }
0x67: {  	s29 =	simm.s32 $0x70;
	[sflag:s24] =	ssyncadd.s32 $0xFFFFCE00  }
0x68: {  	v0 =	vld [tilespmem:s29+$0x8B10]  }
0x69: {  	v1 =	vld [tilespmem:s29+$0xBD10]  }
0x6a: {  	v2 =	vld [tilespmem:s29+$0x8AA0]  }
0x6b: {  	v3 =	vld [tilespmem:s29+$0xBCA0]  }
0x6c: {  	v4 =	vld [tilespmem:s29+$0x8AB0]  }
0x6d: {  	v5 =	vld [tilespmem:s29+$0xBCB0]  }
0x6e: {  	v6 =	vld [tilespmem:s29+$0x8AC0]  }
0x6f: {  	v7 =	vld [tilespmem:s29+$0x8AD0]  }
0x70: {  	v0 =	vadd.f32 v1, v0;
	v1 =	vld [tilespmem:s29+$0xBCC0]  }
0x71: {  	v8 =	vld [tilespmem:s29+$0xBCD0]  }
0x72: {  	v9 =	vld [tilespmem:s29+$0xBCE0];
	v2 =	vadd.f32 v3, v2  }
0x73: {  	[tilespmem:s29+$0xEF10] =	vst v0;
	v0 =	vadd.f32 v5, v4;
	v5 =	vld [tilespmem:s29+$0x8AE0]  }
0x74: {  	v3 =	vld [tilespmem:s29+$0xBCF0];
	[tilespmem:s29+$0xEEA0] =	vst v2  }
0x75: {  	v2 =	vld [tilespmem:s29+$0x8AF0];
	[tilespmem:s29+$0xEEB0] =	vst v0;
	v0 =	vadd.f32 v1, v6  }
0x76: {  	v4 =	vld [tilespmem:s29+$0xBD00];
	v6 =	vadd.f32 v8, v7  }
0x77: {  	s30 =	simm.s32 $0xF0;
	[tilespmem:s29+$0xEEC0] =	vst v0;
	v0 =	vld [tilespmem:s29+$0x8B00]  }
0x78: {  	s1 =	simm.s32 $0x5C0;
	v5 =	vadd.f32 v9, v5;
	v1 =	vld [tilespmem:s30+$0x8B10];
	[tilespmem:s29+$0xEED0] =	vst v6  }
.LBB2_5:
0x79: {  	p0 =	sne.s32 s1, $0xC7C0;
	v6 =	vld [tilespmem:s30+$0xBD10]  }
0x7a: {  	v7 =	vld [tilespmem:s30+$0x8AA0];
	[tilespmem:s29+$0xEEE0] =	vst v5;
	v2 =	vadd.f32 v3, v2  }
0x7b: {  	v3 =	vld [tilespmem:s30+$0xBCA0]  }
0x7c: {  	v5 =	vld [tilespmem:s30+$0x8AB0];
	[tilespmem:s29+$0xEEF0] =	vst v2;
	v0 =	vadd.f32 v4, v0  }
0x7d: {  	v2 =	vld [tilespmem:s30+$0xBCB0]  }
0x7e: {  	v4 =	vld [tilespmem:s30+$0x8AC0];
	v1 =	vadd.f32 v6, v1;
	[tilespmem:s29+$0xEF00] =	vst v0;
	s29 =	smov.u32 s30  }
0x7f: {  	v0 =	vld [tilespmem:s29+$0xBCC0]  }
0x80: {  	v3 =	vadd.f32 v3, v7;
	v6 =	vld [tilespmem:s29+$0x8AD0];
	[tilespmem:s29+$0xEF10] =	vst v1  }
0x81: {  	v1 =	vld [tilespmem:s29+$0xBCD0]  }
0x82: {  	[tilespmem:s29+$0xEEA0] =	vst v3;
	v2 =	vadd.f32 v2, v5;
	v5 =	vld [tilespmem:s29+$0x8AE0]  }
0x83: {  	v7 =	vld [tilespmem:s29+$0xBCE0]  }
.Ltmp1:
0x84: {  	[tilespmem:s29+$0xEEB0] =	vst v2;
	v0 =	vadd.f32 v0, v4;
	v2 =	vld [tilespmem:s29+$0x8AF0];
	(pc) =	sbr.rel @p0 .LBB2_5-.Ltmp1, $4  }
0x85: {  	v3 =	vld [tilespmem:s29+$0xBCF0]  }
0x86: {  	[tilespmem:s29+$0xEEC0] =	vst v0;
	v6 =	vadd.f32 v1, v6;
	v0 =	vld [tilespmem:s29+$0x8B00]  }
0x87: {  	s30 =	sshra.s32 s1, $0x2;
	v4 =	vld [tilespmem:s29+$0xBD00]  }
0x88: {  	s1 =	sadd.s32 $0x200, s1;
	v1 =	vld [tilespmem:s30+$0x8B10];
	[tilespmem:s29+$0xEED0] =	vst v6;
	v5 =	vadd.f32 v7, v5  }
0x89: {  	v6 =	vld [tilespmem:s30+$0xBD10]  }
0x8a: {  	v7 =	vld [tilespmem:s30+$0x8AA0];
	[tilespmem:s29+$0xEEE0] =	vst v5;
	v2 =	vadd.f32 v3, v2  }
0x8b: {  	v51 =	vld [tilespmem:s30+$0xBCA0]  }
0x8c: {  	v5 =	vld [tilespmem:s30+$0x8AB0];
	[tilespmem:s29+$0xEEF0] =	vst v2;
	v0 =	vadd.f32 v4, v0  }
0x8d: {  	v2 =	vld [tilespmem:s30+$0xBCB0]  }
0x8e: {  	v52 =	vld [tilespmem:s30+$0x8AC0];
	[tilespmem:s29+$0xEF00] =	vst v0  }
0x8f: {  	v54 =	vld [tilespmem:s30+$0xBCC0]  }
0x90: {  	v55 =	vld [tilespmem:s30+$0x8AD0]  }
0x91: {  	v56 =	vld [tilespmem:s30+$0xBCD0]  }
0x92: {  	v57 =	vld [tilespmem:s30+$0x8AE0]  }
0x93: {  	v58 =	vld [tilespmem:s30+$0xBCE0]  }
0x94: {  	v59 =	vld [tilespmem:s30+$0x8AF0]  }
0x95: {  	v53 =	vadd.f32 v6, v1;
	v60 =	vld [tilespmem:s30+$0xBCF0]  }
0x96: {  	v61 =	vld [tilespmem:s30+$0x8B00];
	v3 =	vadd.f32 v51, v7  }
0x97: {  	v62 =	vld [tilespmem:s30+$0xBD00];
	[tilespmem:s30+$0xEF10] =	vst v53;
	v2 =	vadd.f32 v2, v5  }
0x98: {  	[tilespmem:s30+$0xEEA0] =	vst v3;
	v1 =	vadd.f32 v54, v52  }
0x99: {  	[tilespmem:s30+$0xEEB0] =	vst v2;
	v0 =	vadd.f32 v56, v55  }
0x9a: {  	v3 =	vadd.f32 v58, v57;
	[tilespmem:s30+$0xEEC0] =	vst v1  }
0x9b: {  	s1 =	sadd.s32 s3, s28;
	v63 =	vadd.f32 v60, v59;
	[tilespmem:s30+$0xEED0] =	vst v0  }
0x9c: {  	s26 =	sadd.s32 $0x1, s26;
	s1 =	sshll.u32 s1, $0x4;
	[tilespmem:s30+$0xEEE0] =	vst v3;
	v1 =	vadd.f32 v62, v61  }
0x9d: {  	p0 =	sne.s32 s26, $0xC;
	s1 =	sand.u32 $0x1FFFFF80, s1;
	[tilespmem:s30+$0xEEF0] =	vst v63  }
.Ltmp2:
0x9e: {  	s1 =	sadd.s32 s6, s1;
	[tilespmem:s30+$0xEF00] =	vst v1;
	(pc) =	sbr.rel @p0 .LBB2_2-.Ltmp2, $4  }
0x9f: {  	[hbm4b:s1+s20] =	stream.strided.scatter [tilespmem:s22], [sflag:$0x5], $0x3200, s21, s20, $0x38;
	[tilespmem:$0x12110] =	vst v63  }
0xa0: {  	_ =	swait.ge [sflag:s11], $0x3200  }
0xa1: {  	[sflag:s11] =	ssyncset.done $0x0  }
0xa2: {  	[sflag:s11] =	ssyncadd.s32 $0xFFFFCE00  }
0xa3: {  	_ =	swait.ge [sflag:s18], $0x3200  }
0xa4: {  	[sflag:s18] =	ssyncset.done $0x0  }
0xa5: {  	[sflag:s18] =	ssyncadd.s32 $0xFFFFCE00  }
0xa6: {  	_ =	swait.ge [sflag:s19], $0x3200  }
0xa7: {  	[sflag:s19] =	ssyncset.done $0x0  }
0xa8: {  	s26 =	simm.s32 $0x70;
	[sflag:s19] =	ssyncadd.s32 $0xFFFFCE00  }
0xa9: {  	v0 =	vld [tilespmem:s26+$0x2710]  }
0xaa: {  	v1 =	vld [tilespmem:s26+$0x5910]  }
0xab: {  	v2 =	vld [tilespmem:s26+$0x26A0]  }
0xac: {  	v3 =	vld [tilespmem:s26+$0x58A0]  }
0xad: {  	v4 =	vld [tilespmem:s26+$0x26B0]  }
0xae: {  	v5 =	vld [tilespmem:s26+$0x58B0]  }
0xaf: {  	v6 =	vld [tilespmem:s26+$0x26C0]  }
0xb0: {  	v7 =	vld [tilespmem:s26+$0x26D0]  }
0xb1: {  	v0 =	vadd.f32 v1, v0;
	v1 =	vld [tilespmem:s26+$0x58C0]  }
0xb2: {  	v8 =	vld [tilespmem:s26+$0x58D0]  }
0xb3: {  	v9 =	vld [tilespmem:s26+$0x58E0];
	v2 =	vadd.f32 v3, v2  }
0xb4: {  	[tilespmem:s26+$0xEF10] =	vst v0;
	v0 =	vadd.f32 v5, v4;
	v5 =	vld [tilespmem:s26+$0x26E0]  }
0xb5: {  	v3 =	vld [tilespmem:s26+$0x58F0];
	[tilespmem:s26+$0xEEA0] =	vst v2  }
0xb6: {  	v2 =	vld [tilespmem:s26+$0x26F0];
	[tilespmem:s26+$0xEEB0] =	vst v0;
	v0 =	vadd.f32 v1, v6  }
0xb7: {  	v4 =	vld [tilespmem:s26+$0x5900];
	v6 =	vadd.f32 v8, v7  }
0xb8: {  	s28 =	simm.s32 $0xF0;
	[tilespmem:s26+$0xEEC0] =	vst v0;
	v0 =	vld [tilespmem:s26+$0x2700]  }
0xb9: {  	s1 =	simm.s32 $0x5C0;
	v5 =	vadd.f32 v9, v5;
	v1 =	vld [tilespmem:s28+$0x2710];
	[tilespmem:s26+$0xEED0] =	vst v6  }
.LBB2_8:
0xba: {  	p0 =	sne.s32 s1, $0xC7C0;
	v6 =	vld [tilespmem:s28+$0x5910]  }
0xbb: {  	v7 =	vld [tilespmem:s28+$0x26A0];
	[tilespmem:s26+$0xEEE0] =	vst v5;
	v2 =	vadd.f32 v3, v2  }
0xbc: {  	v3 =	vld [tilespmem:s28+$0x58A0]  }
0xbd: {  	v5 =	vld [tilespmem:s28+$0x26B0];
	[tilespmem:s26+$0xEEF0] =	vst v2;
	v0 =	vadd.f32 v4, v0  }
0xbe: {  	v2 =	vld [tilespmem:s28+$0x58B0]  }
0xbf: {  	v4 =	vld [tilespmem:s28+$0x26C0];
	v1 =	vadd.f32 v6, v1;
	[tilespmem:s26+$0xEF00] =	vst v0;
	s26 =	smov.u32 s28  }
0xc0: {  	v0 =	vld [tilespmem:s26+$0x58C0]  }
0xc1: {  	v3 =	vadd.f32 v3, v7;
	v6 =	vld [tilespmem:s26+$0x26D0];
	[tilespmem:s26+$0xEF10] =	vst v1  }
0xc2: {  	v1 =	vld [tilespmem:s26+$0x58D0]  }
0xc3: {  	[tilespmem:s26+$0xEEA0] =	vst v3;
	v2 =	vadd.f32 v2, v5;
	v5 =	vld [tilespmem:s26+$0x26E0]  }
0xc4: {  	v7 =	vld [tilespmem:s26+$0x58E0]  }
.Ltmp3:
0xc5: {  	[tilespmem:s26+$0xEEB0] =	vst v2;
	v0 =	vadd.f32 v0, v4;
	v2 =	vld [tilespmem:s26+$0x26F0];
	(pc) =	sbr.rel @p0 .LBB2_8-.Ltmp3, $4  }
0xc6: {  	v3 =	vld [tilespmem:s26+$0x58F0]  }
0xc7: {  	[tilespmem:s26+$0xEEC0] =	vst v0;
	v6 =	vadd.f32 v1, v6;
	v0 =	vld [tilespmem:s26+$0x2700]  }
0xc8: {  	s28 =	sshra.s32 s1, $0x2;
	v4 =	vld [tilespmem:s26+$0x5900]  }
0xc9: {  	s1 =	sadd.s32 $0x200, s1;
	v1 =	vld [tilespmem:s28+$0x2710];
	[tilespmem:s26+$0xEED0] =	vst v6;
	v5 =	vadd.f32 v7, v5  }
0xca: {  	v6 =	vld [tilespmem:s28+$0x5910]  }
0xcb: {  	v7 =	vld [tilespmem:s28+$0x26A0];
	[tilespmem:s26+$0xEEE0] =	vst v5;
	v2 =	vadd.f32 v3, v2  }
0xcc: {  	v51 =	vld [tilespmem:s28+$0x58A0]  }
0xcd: {  	v5 =	vld [tilespmem:s28+$0x26B0];
	[tilespmem:s26+$0xEEF0] =	vst v2;
	v0 =	vadd.f32 v4, v0  }
0xce: {  	v2 =	vld [tilespmem:s28+$0x58B0]  }
0xcf: {  	v52 =	vld [tilespmem:s28+$0x26C0];
	[tilespmem:s26+$0xEF00] =	vst v0  }
0xd0: {  	v54 =	vld [tilespmem:s28+$0x58C0]  }
0xd1: {  	v55 =	vld [tilespmem:s28+$0x26D0]  }
0xd2: {  	v56 =	vld [tilespmem:s28+$0x58D0]  }
0xd3: {  	v57 =	vld [tilespmem:s28+$0x26E0]  }
0xd4: {  	v58 =	vld [tilespmem:s28+$0x58E0]  }
0xd5: {  	v59 =	vld [tilespmem:s28+$0x26F0]  }
0xd6: {  	v53 =	vadd.f32 v6, v1;
	v60 =	vld [tilespmem:s28+$0x58F0]  }
0xd7: {  	v61 =	vld [tilespmem:s28+$0x2700];
	v3 =	vadd.f32 v51, v7  }
0xd8: {  	v62 =	vld [tilespmem:s28+$0x5900];
	[tilespmem:s28+$0xEF10] =	vst v53;
	v2 =	vadd.f32 v2, v5  }
0xd9: {  	[tilespmem:s28+$0xEEA0] =	vst v3;
	v1 =	vadd.f32 v54, v52  }
0xda: {  	[tilespmem:s28+$0xEEB0] =	vst v2;
	v0 =	vadd.f32 v56, v55  }
0xdb: {  	v3 =	vadd.f32 v58, v57;
	[tilespmem:s28+$0xEEC0] =	vst v1  }
0xdc: {  	v63 =	vadd.f32 v60, v59;
	[tilespmem:s28+$0xEED0] =	vst v0  }
0xdd: {  	s25 =	sadd.s32 $0x1, s25;
	[tilespmem:s28+$0xEEE0] =	vst v3;
	v1 =	vadd.f32 v62, v61  }
0xde: {  	p0 =	sne.s32 s25, s10;
	[tilespmem:s28+$0xEEF0] =	vst v63  }
.Ltmp4:
0xdf: {  	[tilespmem:s28+$0xEF00] =	vst v1;
	(pc) =	sbr.rel @p0 .LBB2_1-.Ltmp4, $4  }
0xe0: {  	[hbm4b:s9+s20] =	stream.strided.scatter [tilespmem:s22], [sflag:$0x5], $0x3200, s21, s20, $0x38;
	[tilespmem:$0x12110] =	vst v63  }
0xe1: {  	_ =	swait.ge [sflag:s11], $0x3200  }
0xe2: {  	[sflag:s11] =	ssyncset.done $0x0  }
0xe3: {  	[sflag:s11] =	ssyncadd.s32 $0xFFFFCE00  }
0xe4: {  	_ =	sfence.sel $0x180000  }
0xe5: {  	[bflag:$0x0] =	sbarrier.arrive $0xFFFF  }
0xe6: {  	_ =	strace $0x9000004A  }
0xe7: {  	[bflag:$0x2] =	sbarrier.arrive $0xFFFF  }
0xe8: {  	p0 =	sne.s32 s0, $0x0;
	s0 =	rddreg [dreg:$0x1]  }
0xe9: {  	s0 =	sadd.s32 @!p0 $0x100000, s0  }
0xea: {  	[sflag:s0] =	ssyncadd.tile.s32 @!p0 $0x1;
	_ =	shalt  }
.Lfunc_end2:
_tile_overlayer_lowered:
.L_overlay_start_2:
0xeb: {  	(tag) =	ssettag $0x2  }
0xec: {  	s0 =	rddreg [dreg:$0x0];
	s2 =	stileid.u32  }
0xed: {  	s1 =	rddreg [dreg:$0x1];
	p0 =	sne.s32 s2, $0x0  }
0xee: {  	s3 =	rddreg [dreg:$0x2];
	[bflag:$0x3] =	sbarrier.arrive $0xFFFF;
	s2 =	simm.s32 @!p0 $0x1C05  }
0xef: {  	[timem:s3], [sflag:s2] =	dma.local @!p0 [hbm:s0], s1  }
0xf0: {  	s0 =	simm.s32 @!p0 $0x5  }
0xf1: {  	_ =	swait.ge @!p0 [sflag:s0], s1  }
0xf2: {  	s1 =	ssub.s32 @!p0 $0x0, s1;
	[sflag:s0] =	ssyncset.done @!p0 $0x0  }
0xf3: {  	[sflag:s0] =	ssyncadd.s32 @!p0 s1  }
0xf4: {  	[bflag:$0x3] =	sbarrier.arrive $0xFFFF  }
0xf5: {  	_ =	shalt  }

// kernel: kernel.7.cloned.1.call-start
scs
__scs_entry_jumppad:
0x0: {  	(pc) =	sbr.rel $0x88, $3  }
0x1: {  	(tag) =	ssettag $0x0;
	lr =	simm.s32 $0x1  }
0x2: {  	[smem:$0x3F96] =	sst lr;
	_ =	strace $0xD0000000  }
0x3: {  	_ = 	snop  }
0x4: {  	_ = 	snop  }
0x5: {  	_ = 	snop  }
0x6: {  	_ = 	snop  }
0x7: {  	_ = 	snop  }
__scs_overlays_trampoline_lowered:
0x8: {  	[smem:$0x3FA5] =	sst s0  }
0x9: {  	[smem:$0x3FA6] =	sst s1  }
0xa: {  	[smem:$0x3FA7] =	sst s2  }
0xb: {  	[smem:$0x3FA8] =	sst s3  }
0xc: {  	[smem:$0x3FA9] =	sst s4  }
0xd: {  	[smem:$0x3FAA] =	sst s5  }
0xe: {  	[smem:$0x3FAB] =	sst s6  }
0xf: {  	[smem:$0x3FAC] =	sst s7  }
0x10: {  	[smem:$0x3FAD] =	sst s8  }
0x11: {  	[smem:$0x3FAE] =	sst s9;
	s0 =	simm.s32 @!p0 $0x0  }
0x12: {  	s1 =	sld [smem:$0x3F94];
	s0 =	simm.s32 @p0 $0x1  }
0x13: {  	[smem:$0x3FAF] =	sst s0;
	s0 =	simm.s32 @!p1 $0x0  }
0x14: {  	s2 =	sld [smem:$0x3F93];
	s0 =	simm.s32 @p1 $0x1  }
0x15: {  	[smem:$0x3FB0] =	sst s0;
	s0 =	simm.s32 @!p2 $0x0  }
0x16: {  	s3 =	sld [smem:$0x3FDB];
	s0 =	simm.s32 @p2 $0x1  }
0x17: {  	s4 =	simm.s32 $0x1BF5;
	[smem:$0x3FB2] =	sst s0  }
0x18: {  	s0 =	sld [smem:$0x3F95];
	_ =	swait.ge [sflag:s4], $0x0  }
0x19: {  	s7 =	sld [smem:$0x3F96]  }
0x1a: {  	s8 =	sadd.s32 $0xFFFFE003, lr  }
0x1b: {  	s9 =	sadd.s32 $0xFFFFFEF7, lr;
	s5 =	simm.s32 $0xFFFFFFFF;
	p2 =	slt.u32 s8, $0xFFFFF086  }
0x1c: {  	p1 =	slt.u32 s9, $0xF7A;
	s5 =	simm.s32 @!p2 $0x0  }
0x1d: {  	s5 =	simm.s32 @p1 $0x1;
	p0 =	seq.s32 s7, s2  }
0x1e: {  	s7 =	smul.u32 @!p0 $0xF7A, s2;
	p2 =	seq.s32 @!p0 s5, $0x0  }
0x1f: {  	s9 =	smul.u32 $0xF7A, s1;
	s8 =	simm.s32 @!p0 $0x1BF5;
	p2 =	por !p2, p0  }
0x20: {  	[sflag:s8] =	ssyncset.s32 @!p0 $0xFFFFF086;
	s6 =	sadd.s32 @!p0 s3, s7;
	s7 =	simm.s32 @!p0 $0x108  }
0x21: {  	s3 =	sadd.s32 s3, s9;
	s6 =	sadd.s32 @!p0 $0x88, s6;
	s7 =	simm.s32 @p2 $0x1082  }
0x22: {  	[simem:s7], [sflag:s8] =	dma.local @!p0 [hbm:s6], $0xF7A  }
0x23: {  	s9 =	sor.u32 $0xD0000000, s2;
	s6 =	simm.s32 $0x108;
	_ =	swait.ge @!p0 [sflag:s8], $0x0  }
0x24: {  	s3 =	sadd.s32 $0x88, s3;
	s6 =	simm.s32 @!p1 $0x1082;
	[sflag:s4] =	ssyncset.s32 $0xFFFFF086  }
0x25: {  	[simem:s6], [sflag:s4] =	dma.local [hbm:s3], $0xF7A  }
0x26: {  	[smem:$0x3F96] =	sst s1;
	(tag) =	ssettag s2;
	_ =	strace s9  }
0x27: {  	s1 =	sld [smem:$0x3FA6]  }
0x28: {  	s2 =	sld [smem:$0x3FA7]  }
0x29: {  	s4 =	sld [smem:$0x3FA9]  }
0x2a: {  	p0 =	seq.s32 s5, $0x0;
	s5 =	sld [smem:$0x3FAA]  }
0x2b: {  	s6 =	sld [smem:$0x3FAB]  }
0x2c: {  	s7 =	sld [smem:$0x3FAC]  }
0x2d: {  	s3 =	simm.s32 $0x108;
	s8 =	sld [smem:$0x3FAD]  }
0x2e: {  	s3 =	simm.s32 @!p0 $0x1082;
	s9 =	sld [smem:$0x3FAE]  }
0x2f: {  	lr =	sadd.s32 s0, s3;
	s0 =	sld [smem:$0x3FA5]  }
0x30: {  	s3 =	sld [smem:$0x3FA8]  }
0x31: {  	[smem:$0x3FB1] =	sst s10  }
0x32: {  	s10 =	sld [smem:$0x3FAF];
	_ =	sdelay $0x3  }
0x33: {  	p0 =	seq.s32 s10, $0x1;
	s10 =	sld [smem:$0x3FB1];
	_ =	sdelay $0x3  }
0x34: {  	[smem:$0x3FB1] =	sst s10  }
0x35: {  	s10 =	sld [smem:$0x3FB0];
	_ =	sdelay $0x3  }
0x36: {  	p1 =	seq.s32 s10, $0x1;
	s10 =	sld [smem:$0x3FB1];
	_ =	sdelay $0x3  }
0x37: {  	[smem:$0x3FB1] =	sst s10  }
0x38: {  	s10 =	sld [smem:$0x3FB2]  }
0x39: {  	_ = 	snop;
	(pc) =	sbr.ind lr, $3  }
0x3a: {  	_ = 	snop  }
0x3b: {  	_ = 	snop  }
0x3c: {  	p2 =	seq.s32 s10, $0x1;
	s10 =	sld [smem:$0x3FB1]  }
0x3d: {  	_ =	shalt  }
0x3e: {  	_ =	shalt  }
0x3f: {  	_ =	shalt  }
0x40: {  	_ =	shalt  }
0x41: {  	_ =	shalt  }
0x42: {  	_ =	shalt  }
0x43: {  	_ =	shalt  }
0x44: {  	_ =	shalt  }
0x45: {  	_ =	shalt  }
0x46: {  	_ =	shalt  }
0x47: {  	_ =	shalt  }
0x48: {  	_ =	shalt  }
0x49: {  	_ =	shalt  }
0x4a: {  	_ =	shalt  }
0x4b: {  	_ =	shalt  }
0x4c: {  	_ =	shalt  }
0x4d: {  	_ =	shalt  }
0x4e: {  	_ =	shalt  }
0x4f: {  	_ =	shalt  }
0x50: {  	_ =	shalt  }
0x51: {  	_ =	shalt  }
0x52: {  	_ =	shalt  }
0x53: {  	_ =	shalt  }
0x54: {  	_ =	shalt  }
0x55: {  	_ =	shalt  }
0x56: {  	_ =	shalt  }
0x57: {  	_ =	shalt  }
0x58: {  	_ =	shalt  }
0x59: {  	_ =	shalt  }
0x5a: {  	_ =	shalt  }
0x5b: {  	_ =	shalt  }
0x5c: {  	_ =	shalt  }
0x5d: {  	_ =	shalt  }
0x5e: {  	_ =	shalt  }
0x5f: {  	_ =	shalt  }
0x60: {  	_ =	shalt  }
0x61: {  	_ =	shalt  }
0x62: {  	_ =	shalt  }
0x63: {  	_ =	shalt  }
0x64: {  	_ =	shalt  }
0x65: {  	_ =	shalt  }
0x66: {  	_ =	shalt  }
0x67: {  	_ =	shalt  }
0x68: {  	_ =	shalt  }
0x69: {  	_ =	shalt  }
0x6a: {  	_ =	shalt  }
0x6b: {  	_ =	shalt  }
0x6c: {  	_ =	shalt  }
0x6d: {  	_ =	shalt  }
0x6e: {  	_ =	shalt  }
0x6f: {  	_ =	shalt  }
0x70: {  	_ =	shalt  }
0x71: {  	_ =	shalt  }
0x72: {  	_ =	shalt  }
0x73: {  	_ =	shalt  }
0x74: {  	_ =	shalt  }
0x75: {  	_ =	shalt  }
0x76: {  	_ =	shalt  }
0x77: {  	_ =	shalt  }
0x78: {  	_ =	shalt  }
0x79: {  	_ =	shalt  }
0x7a: {  	_ =	shalt  }
0x7b: {  	_ =	shalt  }
0x7c: {  	_ =	shalt  }
0x7d: {  	_ =	shalt  }
0x7e: {  	_ =	shalt  }
0x7f: {  	_ =	shalt  }
0x80: {  	_ =	shalt  }
0x81: {  	_ =	shalt  }
0x82: {  	_ =	shalt  }
0x83: {  	_ =	shalt  }
0x84: {  	_ =	shalt  }
0x85: {  	_ =	shalt  }
0x86: {  	_ =	shalt  }
0x87: {  	_ =	shalt  }
.Lfunc_end0:
.L_simem_size_0:
called_computation_lowered:
.L_overlay_start_0:
0x88: {  	s2 =	sld [smem:$0x3FD9]  }
0x89: {  	s3 =	sld [smem:$0x3FFE];
	_ =	sdelay $0x1  }
0x8a: {  	s1 =	srdreg.scid  }
0x8b: {  	s0 =	sand.u32 $0x1, s1  }
0x8c: {  	s16 =	sshll.u32 s0, $0xA;
	s2 =	sadd.s32 s3, s2  }
0x8d: {  	s2 =	sadd.s32 s2, s16  }
0x8e: {  	[smem:$0x3FBD] =	sst s2  }
0x8f: {  	_ = 	snop  }
0x90: {  	(tm) =	ssettm $0x1  }
0x91: {  	s17 =	sld [smem:$0x3FFB];
	_ =	sdelay $0x3  }
0x92: {  	_ =	strace s17  }
0x93: {  	s2 =	sld [smem:$0x3FFC];
	_ =	sdelay $0x3  }
0x94: {  	_ =	strace s2  }
0x95: {  	s2 =	sld [smem:$0x3FFD];
	_ =	sdelay $0x3  }
0x96: {  	_ =	strace s2  }
0x97: {  	_ =	strace $0x8FFFFFFF  }
0x98: {  	s18 =	sld [smem:$0x3FDB];
	_ =	sdelay $0x1  }
0x99: {  	s19 =	simm.s32 $_scs_section_size  }
0x9a: {  	s4 =	simm.s32 $_size__tile_overlayer_lowered;
	s5 =	simm.s32 $_tile_overlayer_lowered  }
0x9b: {  	s22 =	simm.s32 $0x1BFF;
	s21 =	sshll.u32 s5, $0x1;
	s2 =	sadd.s32 s19, s18  }
0x9c: {  	s6 =	simm.s32 $0x0;
	s20 =	sshll.u32 s4, $0x1;
	s4 =	sadd.s32 s21, s2  }
0x9d: {  	[timem:s6], [sflag:s22] =	dma.local [hbm:s4], s20  }
0x9e: {  	_ =	swait.ge [sflag:s22], s20  }
0x9f: {  	s3 =	ssub.s32 $0x0, s20;
	[sflag:s22] =	ssyncset.done $0x0  }
0xa0: {  	[sflag:s22] =	ssyncadd.s32 s3;
	_ =	sdelay $0x1  }
0xa1: {  	s23 =	simm.s32 $0x1B8B  }
0xa2: {  	_ =	swait.ge [sflag:s23], $0x1  }
0xa3: {  	[sflag:s23] =	ssyncset.done $0x0  }
0xa4: {  	s25 =	simm.s32 $0x1B8E;
	s24 =	sld [smem:$0x3FFE];
	[sflag:s23] =	ssyncadd.s32 $0xFFFFFFFF  }
0xa5: {  	s26 =	simm.s32 $execute0_lowered;
	[smem:$0x3FD2] =	sst s25  }
0xa6: {  	s4 =	sshll.u32 s26, $0x1;
	_ =	strace $0x80000046;
	[dreg:$0x1] =	wrdreg $0xFFFFFFFF  }
0xa7: {  	s28 =	simm.s32 $_size_execute0_lowered;
	s2 =	sadd.s32 s2, s4;
	[dreg:$0x0] =	wrdreg $0x0  }
0xa8: {  	s4 =	sshll.u32 s28, $0x1;
	[dreg:$0x2] =	wrdreg s2  }
0xa9: {  	[dreg:$0x3] =	wrdreg s4  }
0xaa: {  	[dreg:$0x4] =	wrdreg $0xC0  }
0xab: {  	_ =	task [dreg:s6], $0x5FFFF  }
0xac: {  	[dreg:$0x1] =	wrdreg $0xFFFFFFFF  }
0xad: {  	[dreg:$0x0] =	wrdreg $0x60  }
0xae: {  	[dreg:$0x2] =	wrdreg s24  }
0xaf: {  	[dreg:$0x3] =	wrdreg $0x9  }
0xb0: {  	_ =	task.clear_ibuf [dreg:s6], $0x4FFFF;
	_ =	strace $0x90000046  }
0xb1: {  	s29 =	simm.s32 $0x9;
	_ =	strace $0x80000048  }
0xb2: {  	_ =	swait.ge [sflag:s29], $0x1  }
0xb3: {  	[sflag:s29] =	ssyncadd.s32 $0xFFFFFFFF  }
0xb4: {  	_ =	strace $0x90000048  }
0xb5: {  	_ =	sfence  }
0xb6: {  	s30 =	sld [smem:$0x0];
	_ =	sdelay $0x2  }
0xb7: {  	s31 =	sshll.u32 s1, $0xD;
	s1 =	sshrl.u32 s1, $0x2  }
0xb8: {  	s3 =	sand.u32 $0x4000, s31;
	s1 =	sadd.s32 s1, s30  }
0xb9: {  	s0 =	sor.u32 s3, s0;
	s1 =	sshll.u32 s1, $0x11  }
0xba: {  	s0 =	sor.u32 s1, s0  }
0xbb: {  	s0 =	sadd.s32 $0x8F2B, s0  }
0xbc: {  	[sflag:s0] =	ssyncadd.remote.s32 $0x1  }
0xbd: {  	_ =	sfence.sel $0xFFFF  }
0xbe: {  	[dreg:$0x0] =	wrdreg $0xFFFFFFFF;
	(pc) =	sbr.abs _section_cstart, $3  }
0xbf: {  	[dreg:$0x1] =	wrdreg $0xFFFFFFFF  }
0xc0: {  	_ =	task.clear_ibuf [dreg:s6], $0x2FFFF;
	_ =	strace $0x9FFFFFFF  }
0xc1: {  	(tm) =	ssettm $0x7FFFFFFF  }
tec
execute0_lowered:
.L_overlay_start_1:
0x0: {  	(tag) =	ssettag $0x1  }
0x1: {  	s1 =	srdreg.scid  }
0x2: {  	s0 =	stileid.u32;
	s6 =	rddreg [dreg:$0x0];
	s2 =	simm.s32 $0x0  }
0x3: {  	s11 =	simm.s32 $0x5;
	s12 =	simm.s32 $0x1388;
	s13 =	simm.s32 $0xC8  }
0x4: {  	s14 =	simm.s32 $0x2710;
	s15 =	simm.s32 $0x5910;
	s16 =	simm.s32 $0x8B10  }
0x5: {  	s17 =	simm.s32 $0xBD10;
	s18 =	simm.s32 $0x1;
	s19 =	simm.s32 $0x2  }
0x6: {  	s20 =	simm.s32 $0x40;
	s21 =	simm.s32 $0x80;
	s22 =	simm.s32 $0xEF10  }
0x7: {  	s23 =	simm.s32 $0x3;
	s1 =	sand.u32 $0x1, s1;
	s3 =	sshll.u32 s0, $0x1  }
0x8: {  	s24 =	simm.s32 $0x4;
	s25 =	simm.s32 $0x0;
	s5 =	sor.u32 s1, s3  }
0x9: {  	[smem:$0x7FF] =	sst s2;
	s4 =	sadd.s32 $0x16E00, s6;
	s3 =	smul.u32 $0x1388, s5  }
0xa: {  	_ =	strace $0x80000047;
	s1 =	ssub.s32 $0x2, s1;
	s8 =	smul.u32 $0x9C400, s5  }
0xb: {  	s5 =	sadd.s32 $0x3400, s6;
	s31 =	sshrl.u32 s1, $0x1;
	s7 =	sshrl.u32 s3, $0x3  }
0xc: {  	s8 =	sshrl.u32 s8, $0x3;
	s9 =	sadd.s32 s7, s6;
	s6 =	sadd.s32 $0x3E200, s6  }
0xd: {  	s1 =	ssub.s32 s1, s31;
	s7 =	sadd.s32 $0x2A800, s9;
	s10 =	sadd.s32 s6, s8  }
0xe: {  	s8 =	sadd.s32 $0x34440, s9;
	s9 =	sadd.s32 $0x12C00, s10;
	s10 =	smax.u32 s1, $0x1  }
.LBB2_1:
0xf: {  	[tilespmem:s2], [sflag:$0x5] =	stream.linear.gather [hbm4b:s7+s2], $0x1388, $0x38;
	[tilespmem:$0x12110] =	vst v63  }
0x10: {  	_ =	swait.ge [sflag:s11], $0x1388  }
0x11: {  	[sflag:s11] =	ssyncset.done $0x0  }
0x12: {  	[sflag:s11] =	ssyncadd.s32 $0xFFFFEC78  }
0x13: {  	[tilespmem:s12], [sflag:$0x5] =	stream.linear.gather [hbm4b:s8+s2], $0x1388, $0x38;
	[tilespmem:$0x12110] =	vst v63  }
0x14: {  	_ =	swait.ge [sflag:s11], $0x1388  }
0x15: {  	[sflag:s11] =	ssyncset.done $0x0  }
0x16: {  	[sflag:s11] =	ssyncadd.s32 $0xFFFFEC78  }
0x17: {  	[tilespmem:s14], [sflag:$0x1] =	stream.indirect.gather [hbm4b:s4+s13], $0x40, s2, s13, $0xb8;
	[tilespmem:$0x12110] =	vst v63  }
0x18: {  	s26 =	simm.s32 $0x0  }
0x19: {  	[tilespmem:s15], [sflag:$0x2] =	stream.indirect.gather [hbm4b:s5+s13], $0x40, s12, s13, $0xb8;
	[tilespmem:$0x12110] =	vst v63  }
.LBB2_2:
0x1a: {  	s29 =	smul.u32 $0x190, s26;
	_ =	sdelay $0x1  }
0x1b: {  	s28 =	sadd.s32 $0xC8, s29  }
0x1c: {  	[tilespmem:s16], [sflag:$0x3] =	stream.indirect.gather [hbm4b:s4+s13], $0x40, s28, s13, $0xb8;
	[tilespmem:$0x12110] =	vst v63  }
0x1d: {  	s1 =	sadd.s32 $0x1450, s29  }
0x1e: {  	[tilespmem:s17], [sflag:$0x4] =	stream.indirect.gather [hbm4b:s5+s13], $0x40, s1, s13, $0xb8;
	[tilespmem:$0x12110] =	vst v63  }
0x1f: {  	_ =	swait.ge [sflag:s18], $0x3200  }
0x20: {  	[sflag:s18] =	ssyncset.done $0x0  }
0x21: {  	[sflag:s18] =	ssyncadd.s32 $0xFFFFCE00  }
0x22: {  	_ =	swait.ge [sflag:s19], $0x3200  }
0x23: {  	[sflag:s19] =	ssyncset.done $0x0  }
0x24: {  	s30 =	simm.s32 $0x70;
	[sflag:s19] =	ssyncadd.s32 $0xFFFFCE00  }
0x25: {  	v0 =	vld [tilespmem:s30+$0x2710]  }
0x26: {  	v1 =	vld [tilespmem:s30+$0x5910]  }
0x27: {  	v2 =	vld [tilespmem:s30+$0x26A0]  }
0x28: {  	v3 =	vld [tilespmem:s30+$0x58A0]  }
0x29: {  	v4 =	vld [tilespmem:s30+$0x26B0]  }
0x2a: {  	v5 =	vld [tilespmem:s30+$0x58B0]  }
0x2b: {  	v6 =	vld [tilespmem:s30+$0x26C0]  }
0x2c: {  	v7 =	vld [tilespmem:s30+$0x26D0]  }
0x2d: {  	v0 =	vadd.f32 v1, v0;
	v1 =	vld [tilespmem:s30+$0x58C0]  }
0x2e: {  	v8 =	vld [tilespmem:s30+$0x58D0]  }
0x2f: {  	v9 =	vld [tilespmem:s30+$0x58E0];
	v2 =	vadd.f32 v3, v2  }
0x30: {  	[tilespmem:s30+$0xEF10] =	vst v0;
	v0 =	vadd.f32 v5, v4;
	v5 =	vld [tilespmem:s30+$0x26E0]  }
0x31: {  	v3 =	vld [tilespmem:s30+$0x58F0];
	[tilespmem:s30+$0xEEA0] =	vst v2  }
0x32: {  	v2 =	vld [tilespmem:s30+$0x26F0];
	[tilespmem:s30+$0xEEB0] =	vst v0;
	v0 =	vadd.f32 v1, v6  }
0x33: {  	v4 =	vld [tilespmem:s30+$0x5900];
	v6 =	vadd.f32 v8, v7  }
0x34: {  	s31 =	simm.s32 $0xF0;
	[tilespmem:s30+$0xEEC0] =	vst v0;
	v0 =	vld [tilespmem:s30+$0x2700]  }
0x35: {  	s1 =	simm.s32 $0x5C0;
	v5 =	vadd.f32 v9, v5;
	v1 =	vld [tilespmem:s31+$0x2710];
	[tilespmem:s30+$0xEED0] =	vst v6  }
.LBB2_3:
0x36: {  	p0 =	sne.s32 s1, $0xC7C0;
	v6 =	vld [tilespmem:s31+$0x5910]  }
0x37: {  	v7 =	vld [tilespmem:s31+$0x26A0];
	[tilespmem:s30+$0xEEE0] =	vst v5;
	v2 =	vadd.f32 v3, v2  }
0x38: {  	v3 =	vld [tilespmem:s31+$0x58A0]  }
0x39: {  	v5 =	vld [tilespmem:s31+$0x26B0];
	[tilespmem:s30+$0xEEF0] =	vst v2;
	v0 =	vadd.f32 v4, v0  }
0x3a: {  	v2 =	vld [tilespmem:s31+$0x58B0]  }
0x3b: {  	v4 =	vld [tilespmem:s31+$0x26C0];
	v1 =	vadd.f32 v6, v1;
	[tilespmem:s30+$0xEF00] =	vst v0;
	s30 =	smov.u32 s31  }
0x3c: {  	v0 =	vld [tilespmem:s30+$0x58C0]  }
0x3d: {  	v3 =	vadd.f32 v3, v7;
	v6 =	vld [tilespmem:s30+$0x26D0];
	[tilespmem:s30+$0xEF10] =	vst v1  }
0x3e: {  	v1 =	vld [tilespmem:s30+$0x58D0]  }
0x3f: {  	[tilespmem:s30+$0xEEA0] =	vst v3;
	v2 =	vadd.f32 v2, v5;
	v5 =	vld [tilespmem:s30+$0x26E0]  }
0x40: {  	v7 =	vld [tilespmem:s30+$0x58E0]  }
.Ltmp0:
0x41: {  	[tilespmem:s30+$0xEEB0] =	vst v2;
	v0 =	vadd.f32 v0, v4;
	v2 =	vld [tilespmem:s30+$0x26F0];
	(pc) =	sbr.rel @p0 .LBB2_3-.Ltmp0, $4  }
0x42: {  	v3 =	vld [tilespmem:s30+$0x58F0]  }
0x43: {  	[tilespmem:s30+$0xEEC0] =	vst v0;
	v6 =	vadd.f32 v1, v6;
	v0 =	vld [tilespmem:s30+$0x2700]  }
0x44: {  	s31 =	sshra.s32 s1, $0x2;
	v4 =	vld [tilespmem:s30+$0x5900]  }
0x45: {  	s1 =	sadd.s32 $0x200, s1;
	v1 =	vld [tilespmem:s31+$0x2710];
	[tilespmem:s30+$0xEED0] =	vst v6;
	v5 =	vadd.f32 v7, v5  }
0x46: {  	v6 =	vld [tilespmem:s31+$0x5910]  }
0x47: {  	v7 =	vld [tilespmem:s31+$0x26A0];
	[tilespmem:s30+$0xEEE0] =	vst v5;
	v2 =	vadd.f32 v3, v2  }
0x48: {  	v3 =	vld [tilespmem:s31+$0x58A0]  }
0x49: {  	v5 =	vld [tilespmem:s31+$0x26B0];
	[tilespmem:s30+$0xEEF0] =	vst v2;
	v0 =	vadd.f32 v4, v0  }
0x4a: {  	v2 =	vld [tilespmem:s31+$0x58B0]  }
0x4b: {  	v4 =	vld [tilespmem:s31+$0x26C0];
	[tilespmem:s30+$0xEF00] =	vst v0  }
0x4c: {  	v0 =	vadd.f32 v6, v1;
	v1 =	vld [tilespmem:s31+$0x58C0]  }
0x4d: {  	v6 =	vld [tilespmem:s31+$0x26D0]  }
0x4e: {  	v3 =	vadd.f32 v3, v7;
	[tilespmem:s31+$0xEF10] =	vst v0;
	v0 =	vld [tilespmem:s31+$0x58D0]  }
0x4f: {  	v7 =	vld [tilespmem:s31+$0x5900]  }
0x50: {  	[tilespmem:s31+$0xEEA0] =	vst v3;
	v2 =	vadd.f32 v2, v5;
	v3 =	vld [tilespmem:s31+$0x26E0]  }
0x51: {  	v5 =	vld [tilespmem:s31+$0x58E0]  }
0x52: {  	[tilespmem:s31+$0xEEB0] =	vst v2;
	v1 =	vadd.f32 v1, v4;
	v2 =	vld [tilespmem:s31+$0x26F0]  }
0x53: {  	v4 =	vld [tilespmem:s31+$0x58F0]  }
0x54: {  	[tilespmem:s31+$0xEEC0] =	vst v1;
	v1 =	vld [tilespmem:s31+$0x2700];
	_ =	sdelay $0x1  }
0x55: {  	v0 =	vadd.f32 v0, v6  }
0x56: {  	v3 =	vadd.f32 v5, v3  }
0x57: {  	[tilespmem:s31+$0xEED0] =	vst v0;
	v0 =	vadd.f32 v4, v2  }
0x58: {  	s1 =	sadd.s32 s3, s29;
	[tilespmem:s31+$0xEEE0] =	vst v3;
	v1 =	vadd.f32 v7, v1  }
0x59: {  	s1 =	sshll.u32 s1, $0x4;
	[tilespmem:s31+$0xEEF0] =	vst v0  }
0x5a: {  	s1 =	sadd.s32 s6, s1;
	[tilespmem:s31+$0xEF00] =	vst v1  }
0x5b: {  	[hbm4b:s1+s20] =	stream.strided.scatter [tilespmem:s22], [sflag:$0x5], $0x3200, s21, s20, $0x38;
	[tilespmem:$0x12110] =	vst v63  }
0x5c: {  	_ =	swait.ge [sflag:s11], $0x3200  }
0x5d: {  	[sflag:s11] =	ssyncset.done $0x0  }
0x5e: {  	s31 =	sadd.s32 $0x190, s29;
	[sflag:s11] =	ssyncadd.s32 $0xFFFFCE00  }
0x5f: {  	[tilespmem:s14], [sflag:$0x1] =	stream.indirect.gather [hbm4b:s4+s13], $0x40, s31, s13, $0xb8;
	[tilespmem:$0x12110] =	vst v63  }
0x60: {  	s31 =	sadd.s32 $0x1518, s29  }
0x61: {  	[tilespmem:s15], [sflag:$0x2] =	stream.indirect.gather [hbm4b:s5+s13], $0x40, s31, s13, $0xb8;
	[tilespmem:$0x12110] =	vst v63  }
0x62: {  	_ =	swait.ge [sflag:s23], $0x3200  }
0x63: {  	[sflag:s23] =	ssyncset.done $0x0  }
0x64: {  	[sflag:s23] =	ssyncadd.s32 $0xFFFFCE00  }
0x65: {  	_ =	swait.ge [sflag:s24], $0x3200  }
0x66: {  	[sflag:s24] =	ssyncset.done $0x0  }
0x67: {  	s29 =	simm.s32 $0x70;
	[sflag:s24] =	ssyncadd.s32 $0xFFFFCE00  }
0x68: {  	v0 =	vld [tilespmem:s29+$0x8B10]  }
0x69: {  	v1 =	vld [tilespmem:s29+$0xBD10]  }
0x6a: {  	v2 =	vld [tilespmem:s29+$0x8AA0]  }
0x6b: {  	v3 =	vld [tilespmem:s29+$0xBCA0]  }
0x6c: {  	v4 =	vld [tilespmem:s29+$0x8AB0]  }
0x6d: {  	v5 =	vld [tilespmem:s29+$0xBCB0]  }
0x6e: {  	v6 =	vld [tilespmem:s29+$0x8AC0]  }
0x6f: {  	v7 =	vld [tilespmem:s29+$0x8AD0]  }
0x70: {  	v0 =	vadd.f32 v1, v0;
	v1 =	vld [tilespmem:s29+$0xBCC0]  }
0x71: {  	v8 =	vld [tilespmem:s29+$0xBCD0]  }
0x72: {  	v9 =	vld [tilespmem:s29+$0xBCE0];
	v2 =	vadd.f32 v3, v2  }
0x73: {  	[tilespmem:s29+$0xEF10] =	vst v0;
	v0 =	vadd.f32 v5, v4;
	v5 =	vld [tilespmem:s29+$0x8AE0]  }
0x74: {  	v3 =	vld [tilespmem:s29+$0xBCF0];
	[tilespmem:s29+$0xEEA0] =	vst v2  }
0x75: {  	v2 =	vld [tilespmem:s29+$0x8AF0];
	[tilespmem:s29+$0xEEB0] =	vst v0;
	v0 =	vadd.f32 v1, v6  }
0x76: {  	v4 =	vld [tilespmem:s29+$0xBD00];
	v6 =	vadd.f32 v8, v7  }
0x77: {  	s30 =	simm.s32 $0xF0;
	[tilespmem:s29+$0xEEC0] =	vst v0;
	v0 =	vld [tilespmem:s29+$0x8B00]  }
0x78: {  	s1 =	simm.s32 $0x5C0;
	v5 =	vadd.f32 v9, v5;
	v1 =	vld [tilespmem:s30+$0x8B10];
	[tilespmem:s29+$0xEED0] =	vst v6  }
.LBB2_5:
0x79: {  	p0 =	sne.s32 s1, $0xC7C0;
	v6 =	vld [tilespmem:s30+$0xBD10]  }
0x7a: {  	v7 =	vld [tilespmem:s30+$0x8AA0];
	[tilespmem:s29+$0xEEE0] =	vst v5;
	v2 =	vadd.f32 v3, v2  }
0x7b: {  	v3 =	vld [tilespmem:s30+$0xBCA0]  }
0x7c: {  	v5 =	vld [tilespmem:s30+$0x8AB0];
	[tilespmem:s29+$0xEEF0] =	vst v2;
	v0 =	vadd.f32 v4, v0  }
0x7d: {  	v2 =	vld [tilespmem:s30+$0xBCB0]  }
0x7e: {  	v4 =	vld [tilespmem:s30+$0x8AC0];
	v1 =	vadd.f32 v6, v1;
	[tilespmem:s29+$0xEF00] =	vst v0;
	s29 =	smov.u32 s30  }
0x7f: {  	v0 =	vld [tilespmem:s29+$0xBCC0]  }
0x80: {  	v3 =	vadd.f32 v3, v7;
	v6 =	vld [tilespmem:s29+$0x8AD0];
	[tilespmem:s29+$0xEF10] =	vst v1  }
0x81: {  	v1 =	vld [tilespmem:s29+$0xBCD0]  }
0x82: {  	[tilespmem:s29+$0xEEA0] =	vst v3;
	v2 =	vadd.f32 v2, v5;
	v5 =	vld [tilespmem:s29+$0x8AE0]  }
0x83: {  	v7 =	vld [tilespmem:s29+$0xBCE0]  }
.Ltmp1:
0x84: {  	[tilespmem:s29+$0xEEB0] =	vst v2;
	v0 =	vadd.f32 v0, v4;
	v2 =	vld [tilespmem:s29+$0x8AF0];
	(pc) =	sbr.rel @p0 .LBB2_5-.Ltmp1, $4  }
0x85: {  	v3 =	vld [tilespmem:s29+$0xBCF0]  }
0x86: {  	[tilespmem:s29+$0xEEC0] =	vst v0;
	v6 =	vadd.f32 v1, v6;
	v0 =	vld [tilespmem:s29+$0x8B00]  }
0x87: {  	s30 =	sshra.s32 s1, $0x2;
	v4 =	vld [tilespmem:s29+$0xBD00]  }
0x88: {  	s1 =	sadd.s32 $0x200, s1;
	v1 =	vld [tilespmem:s30+$0x8B10];
	[tilespmem:s29+$0xEED0] =	vst v6;
	v5 =	vadd.f32 v7, v5  }
0x89: {  	v6 =	vld [tilespmem:s30+$0xBD10]  }
0x8a: {  	v7 =	vld [tilespmem:s30+$0x8AA0];
	[tilespmem:s29+$0xEEE0] =	vst v5;
	v2 =	vadd.f32 v3, v2  }
0x8b: {  	v51 =	vld [tilespmem:s30+$0xBCA0]  }
0x8c: {  	v5 =	vld [tilespmem:s30+$0x8AB0];
	[tilespmem:s29+$0xEEF0] =	vst v2;
	v0 =	vadd.f32 v4, v0  }
0x8d: {  	v2 =	vld [tilespmem:s30+$0xBCB0]  }
0x8e: {  	v52 =	vld [tilespmem:s30+$0x8AC0];
	[tilespmem:s29+$0xEF00] =	vst v0  }
0x8f: {  	v54 =	vld [tilespmem:s30+$0xBCC0]  }
0x90: {  	v55 =	vld [tilespmem:s30+$0x8AD0]  }
0x91: {  	v56 =	vld [tilespmem:s30+$0xBCD0]  }
0x92: {  	v57 =	vld [tilespmem:s30+$0x8AE0]  }
0x93: {  	v58 =	vld [tilespmem:s30+$0xBCE0]  }
0x94: {  	v59 =	vld [tilespmem:s30+$0x8AF0]  }
0x95: {  	v53 =	vadd.f32 v6, v1;
	v60 =	vld [tilespmem:s30+$0xBCF0]  }
0x96: {  	v61 =	vld [tilespmem:s30+$0x8B00];
	v3 =	vadd.f32 v51, v7  }
0x97: {  	v62 =	vld [tilespmem:s30+$0xBD00];
	[tilespmem:s30+$0xEF10] =	vst v53;
	v2 =	vadd.f32 v2, v5  }
0x98: {  	[tilespmem:s30+$0xEEA0] =	vst v3;
	v1 =	vadd.f32 v54, v52  }
0x99: {  	[tilespmem:s30+$0xEEB0] =	vst v2;
	v0 =	vadd.f32 v56, v55  }
0x9a: {  	v3 =	vadd.f32 v58, v57;
	[tilespmem:s30+$0xEEC0] =	vst v1  }
0x9b: {  	s1 =	sadd.s32 s3, s28;
	v63 =	vadd.f32 v60, v59;
	[tilespmem:s30+$0xEED0] =	vst v0  }
0x9c: {  	s26 =	sadd.s32 $0x1, s26;
	s1 =	sshll.u32 s1, $0x4;
	[tilespmem:s30+$0xEEE0] =	vst v3;
	v1 =	vadd.f32 v62, v61  }
0x9d: {  	p0 =	sne.s32 s26, $0xC;
	s1 =	sand.u32 $0x1FFFFF80, s1;
	[tilespmem:s30+$0xEEF0] =	vst v63  }
.Ltmp2:
0x9e: {  	s1 =	sadd.s32 s6, s1;
	[tilespmem:s30+$0xEF00] =	vst v1;
	(pc) =	sbr.rel @p0 .LBB2_2-.Ltmp2, $4  }
0x9f: {  	[hbm4b:s1+s20] =	stream.strided.scatter [tilespmem:s22], [sflag:$0x5], $0x3200, s21, s20, $0x38;
	[tilespmem:$0x12110] =	vst v63  }
0xa0: {  	_ =	swait.ge [sflag:s11], $0x3200  }
0xa1: {  	[sflag:s11] =	ssyncset.done $0x0  }
0xa2: {  	[sflag:s11] =	ssyncadd.s32 $0xFFFFCE00  }
0xa3: {  	_ =	swait.ge [sflag:s18], $0x3200  }
0xa4: {  	[sflag:s18] =	ssyncset.done $0x0  }
0xa5: {  	[sflag:s18] =	ssyncadd.s32 $0xFFFFCE00  }
0xa6: {  	_ =	swait.ge [sflag:s19], $0x3200  }
0xa7: {  	[sflag:s19] =	ssyncset.done $0x0  }
0xa8: {  	s26 =	simm.s32 $0x70;
	[sflag:s19] =	ssyncadd.s32 $0xFFFFCE00  }
0xa9: {  	v0 =	vld [tilespmem:s26+$0x2710]  }
0xaa: {  	v1 =	vld [tilespmem:s26+$0x5910]  }
0xab: {  	v2 =	vld [tilespmem:s26+$0x26A0]  }
0xac: {  	v3 =	vld [tilespmem:s26+$0x58A0]  }
0xad: {  	v4 =	vld [tilespmem:s26+$0x26B0]  }
0xae: {  	v5 =	vld [tilespmem:s26+$0x58B0]  }
0xaf: {  	v6 =	vld [tilespmem:s26+$0x26C0]  }
0xb0: {  	v7 =	vld [tilespmem:s26+$0x26D0]  }
0xb1: {  	v0 =	vadd.f32 v1, v0;
	v1 =	vld [tilespmem:s26+$0x58C0]  }
0xb2: {  	v8 =	vld [tilespmem:s26+$0x58D0]  }
0xb3: {  	v9 =	vld [tilespmem:s26+$0x58E0];
	v2 =	vadd.f32 v3, v2  }
0xb4: {  	[tilespmem:s26+$0xEF10] =	vst v0;
	v0 =	vadd.f32 v5, v4;
	v5 =	vld [tilespmem:s26+$0x26E0]  }
0xb5: {  	v3 =	vld [tilespmem:s26+$0x58F0];
	[tilespmem:s26+$0xEEA0] =	vst v2  }
0xb6: {  	v2 =	vld [tilespmem:s26+$0x26F0];
	[tilespmem:s26+$0xEEB0] =	vst v0;
	v0 =	vadd.f32 v1, v6  }
0xb7: {  	v4 =	vld [tilespmem:s26+$0x5900];
	v6 =	vadd.f32 v8, v7  }
0xb8: {  	s28 =	simm.s32 $0xF0;
	[tilespmem:s26+$0xEEC0] =	vst v0;
	v0 =	vld [tilespmem:s26+$0x2700]  }
0xb9: {  	s1 =	simm.s32 $0x5C0;
	v5 =	vadd.f32 v9, v5;
	v1 =	vld [tilespmem:s28+$0x2710];
	[tilespmem:s26+$0xEED0] =	vst v6  }
.LBB2_8:
0xba: {  	p0 =	sne.s32 s1, $0xC7C0;
	v6 =	vld [tilespmem:s28+$0x5910]  }
0xbb: {  	v7 =	vld [tilespmem:s28+$0x26A0];
	[tilespmem:s26+$0xEEE0] =	vst v5;
	v2 =	vadd.f32 v3, v2  }
0xbc: {  	v3 =	vld [tilespmem:s28+$0x58A0]  }
0xbd: {  	v5 =	vld [tilespmem:s28+$0x26B0];
	[tilespmem:s26+$0xEEF0] =	vst v2;
	v0 =	vadd.f32 v4, v0  }
0xbe: {  	v2 =	vld [tilespmem:s28+$0x58B0]  }
0xbf: {  	v4 =	vld [tilespmem:s28+$0x26C0];
	v1 =	vadd.f32 v6, v1;
	[tilespmem:s26+$0xEF00] =	vst v0;
	s26 =	smov.u32 s28  }
0xc0: {  	v0 =	vld [tilespmem:s26+$0x58C0]  }
0xc1: {  	v3 =	vadd.f32 v3, v7;
	v6 =	vld [tilespmem:s26+$0x26D0];
	[tilespmem:s26+$0xEF10] =	vst v1  }
0xc2: {  	v1 =	vld [tilespmem:s26+$0x58D0]  }
0xc3: {  	[tilespmem:s26+$0xEEA0] =	vst v3;
	v2 =	vadd.f32 v2, v5;
	v5 =	vld [tilespmem:s26+$0x26E0]  }
0xc4: {  	v7 =	vld [tilespmem:s26+$0x58E0]  }
.Ltmp3:
0xc5: {  	[tilespmem:s26+$0xEEB0] =	vst v2;
	v0 =	vadd.f32 v0, v4;
	v2 =	vld [tilespmem:s26+$0x26F0];
	(pc) =	sbr.rel @p0 .LBB2_8-.Ltmp3, $4  }
0xc6: {  	v3 =	vld [tilespmem:s26+$0x58F0]  }
0xc7: {  	[tilespmem:s26+$0xEEC0] =	vst v0;
	v6 =	vadd.f32 v1, v6;
	v0 =	vld [tilespmem:s26+$0x2700]  }
0xc8: {  	s28 =	sshra.s32 s1, $0x2;
	v4 =	vld [tilespmem:s26+$0x5900]  }
0xc9: {  	s1 =	sadd.s32 $0x200, s1;
	v1 =	vld [tilespmem:s28+$0x2710];
	[tilespmem:s26+$0xEED0] =	vst v6;
	v5 =	vadd.f32 v7, v5  }
0xca: {  	v6 =	vld [tilespmem:s28+$0x5910]  }
0xcb: {  	v7 =	vld [tilespmem:s28+$0x26A0];
	[tilespmem:s26+$0xEEE0] =	vst v5;
	v2 =	vadd.f32 v3, v2  }
0xcc: {  	v51 =	vld [tilespmem:s28+$0x58A0]  }
0xcd: {  	v5 =	vld [tilespmem:s28+$0x26B0];
	[tilespmem:s26+$0xEEF0] =	vst v2;
	v0 =	vadd.f32 v4, v0  }
0xce: {  	v2 =	vld [tilespmem:s28+$0x58B0]  }
0xcf: {  	v52 =	vld [tilespmem:s28+$0x26C0];
	[tilespmem:s26+$0xEF00] =	vst v0  }
0xd0: {  	v54 =	vld [tilespmem:s28+$0x58C0]  }
0xd1: {  	v55 =	vld [tilespmem:s28+$0x26D0]  }
0xd2: {  	v56 =	vld [tilespmem:s28+$0x58D0]  }
0xd3: {  	v57 =	vld [tilespmem:s28+$0x26E0]  }
0xd4: {  	v58 =	vld [tilespmem:s28+$0x58E0]  }
0xd5: {  	v59 =	vld [tilespmem:s28+$0x26F0]  }
0xd6: {  	v53 =	vadd.f32 v6, v1;
	v60 =	vld [tilespmem:s28+$0x58F0]  }
0xd7: {  	v61 =	vld [tilespmem:s28+$0x2700];
	v3 =	vadd.f32 v51, v7  }
0xd8: {  	v62 =	vld [tilespmem:s28+$0x5900];
	[tilespmem:s28+$0xEF10] =	vst v53;
	v2 =	vadd.f32 v2, v5  }
0xd9: {  	[tilespmem:s28+$0xEEA0] =	vst v3;
	v1 =	vadd.f32 v54, v52  }
0xda: {  	[tilespmem:s28+$0xEEB0] =	vst v2;
	v0 =	vadd.f32 v56, v55  }
0xdb: {  	v3 =	vadd.f32 v58, v57;
	[tilespmem:s28+$0xEEC0] =	vst v1  }
0xdc: {  	v63 =	vadd.f32 v60, v59;
	[tilespmem:s28+$0xEED0] =	vst v0  }
0xdd: {  	s25 =	sadd.s32 $0x1, s25;
	[tilespmem:s28+$0xEEE0] =	vst v3;
	v1 =	vadd.f32 v62, v61  }
0xde: {  	p0 =	sne.s32 s25, s10;
	[tilespmem:s28+$0xEEF0] =	vst v63  }
.Ltmp4:
0xdf: {  	[tilespmem:s28+$0xEF00] =	vst v1;
	(pc) =	sbr.rel @p0 .LBB2_1-.Ltmp4, $4  }
0xe0: {  	[hbm4b:s9+s20] =	stream.strided.scatter [tilespmem:s22], [sflag:$0x5], $0x3200, s21, s20, $0x38;
	[tilespmem:$0x12110] =	vst v63  }
0xe1: {  	_ =	swait.ge [sflag:s11], $0x3200  }
0xe2: {  	[sflag:s11] =	ssyncset.done $0x0  }
0xe3: {  	[sflag:s11] =	ssyncadd.s32 $0xFFFFCE00  }
0xe4: {  	_ =	sfence.sel $0x180000  }
0xe5: {  	[bflag:$0x0] =	sbarrier.arrive $0xFFFF  }
0xe6: {  	_ =	strace $0x90000047  }
0xe7: {  	[bflag:$0x2] =	sbarrier.arrive $0xFFFF  }
0xe8: {  	p0 =	sne.s32 s0, $0x0;
	s0 =	rddreg [dreg:$0x1]  }
0xe9: {  	s0 =	sadd.s32 @!p0 $0x100000, s0  }
0xea: {  	[sflag:s0] =	ssyncadd.tile.s32 @!p0 $0x1;
	_ =	shalt  }
.Lfunc_end2:
_tile_overlayer_lowered:
.L_overlay_start_2:
0xeb: {  	(tag) =	ssettag $0x2  }
0xec: {  	s0 =	rddreg [dreg:$0x0];
	s2 =	stileid.u32  }
0xed: {  	s1 =	rddreg [dreg:$0x1];
	p0 =	sne.s32 s2, $0x0  }
0xee: {  	s3 =	rddreg [dreg:$0x2];
	[bflag:$0x3] =	sbarrier.arrive $0xFFFF;
	s2 =	simm.s32 @!p0 $0x1C05  }
0xef: {  	[timem:s3], [sflag:s2] =	dma.local @!p0 [hbm:s0], s1  }
0xf0: {  	s0 =	simm.s32 @!p0 $0x5  }
0xf1: {  	_ =	swait.ge @!p0 [sflag:s0], s1  }
0xf2: {  	s1 =	ssub.s32 @!p0 $0x0, s1;
	[sflag:s0] =	ssyncset.done @!p0 $0x0  }
0xf3: {  	[sflag:s0] =	ssyncadd.s32 @!p0 s1  }
0xf4: {  	[bflag:$0x3] =	sbarrier.arrive $0xFFFF  }
0xf5: {  	_ =	shalt  }

</sc_bundles>
